<compile_context>
chip_gen: v7x
topology: tpu7x:2x2x1
jax: 0.10.2.dev20260603
libtpu: 0.0.44.dev20260713+nightly
codegen_flags: <defaults>
</compile_context>

<pallas_src>
import functools

import jax
import jax.numpy as jnp
from jax import lax
from jax.experimental import pallas as pl
from jax.experimental.pallas import tpu as pltpu, tpu_sc as plsc

VOCAB = 1000
DPAD = 1024


def _rowlz_body(t_ref, o_ref):
    t = t_ref[...]
    m = jnp.max(t, axis=1)
    s = jnp.sum(jnp.exp(t - m[:, None]), axis=1)
    lz = m + jnp.log(s)
    o_ref[...] = jnp.concatenate(
        [lz, jnp.zeros((DPAD - VOCAB,), jnp.float32)]).reshape(8, 128)


def _rowlz(table):
    return pl.pallas_call(
        _rowlz_body,
        out_shape=jax.ShapeDtypeStruct((8, 128), jnp.float32),
    )(table)


def _make_sc_kernel(N, D, NC, NS, L):
    NW = NC * NS
    CH = 32
    n_ch = N // CH // NW
    LT = DPAD // 128
    mesh = plsc.VectorSubcoreMesh(core_axis_name="c", subcore_axis_name="s")

    @functools.partial(
        pl.kernel,
        out_type=(
            jax.ShapeDtypeStruct((N, DPAD), jnp.float32),
            jax.ShapeDtypeStruct((NW, 128), jnp.float32),
        ),
        mesh=mesh,
        scratch_types=[
            pltpu.VMEM((n_ch, CH), jnp.int32),
            pltpu.VMEM((n_ch, CH), jnp.int32),
            pltpu.VMEM((8, 128), jnp.float32),
            pltpu.VMEM((CH, 8, 128), jnp.float32),
            pltpu.VMEM((CH, 8, 128), jnp.float32),
            pltpu.VMEM((128,), jnp.float32),
            pltpu.SemaphoreType.DMA,
            pltpu.SemaphoreType.DMA,
            pltpu.SemaphoreType.DMA,
            pltpu.SemaphoreType.DMA,
        ],
        compiler_params=pltpu.CompilerParams(use_tc_tiling_on_sc=True,
                                             needs_layout_passes=False),
    )
    def sc_kernel(table_hbm, idx_hbm, tgt_hbm, lz_hbm,
                  out_hbm, part_hbm,
                  idx_v, tgt_v, lz_v, rows_a, rows_b, acc_v,
                  gsem_a, gsem_b, ssem_a, ssem_b):
        wid = lax.axis_index("s") * NC + lax.axis_index("c")
        pltpu.sync_copy(idx_hbm.at[:, wid], idx_v)
        pltpu.sync_copy(tgt_hbm.at[:, wid], tgt_v)
        pltpu.sync_copy(lz_hbm, lz_v)
        lane = lax.iota(jnp.int32, L)

        def tok0_of(k):
            return (k * NW + wid) * CH

        def start_gather(k, buf, sem):
            return pltpu.async_copy(table_hbm.at[idx_v.at[k]], buf, sem)

        def issue_stores(k, rows, sem):
            tok0 = tok0_of(k)
            return [pltpu.async_copy(
                rows.at[:, l],
                out_hbm.at[pl.ds(tok0, CH), pl.ds(l * 128, 128)],
                sem) for l in range(LT)]

        def loss(k, rows, acc):
            for j in range(CH // L):
                idx16 = idx_v[k, pl.ds(j * L, L)]
                tg16 = tgt_v[k, pl.ds(j * L, L)]
                lg = plsc.load_gather(lz_v, [idx16 // 128, idx16 % 128])
                pk = plsc.load_gather(
                    rows, [j * L + lane, tg16 // 128, tg16 % 128])
                acc = acc + (lg - pk)
            return acc

        n_half = n_ch // 2
        start_gather(0, rows_a, gsem_a)

        def body(g, acc):
            k0 = 2 * g
            pltpu.make_async_copy(
                table_hbm.at[idx_v.at[k0]], rows_a, gsem_a).wait()
            hb = start_gather(k0 + 1, rows_b, gsem_b)
            sha = issue_stores(k0, rows_a, ssem_a)
            acc = loss(k0, rows_a, acc)
            hb.wait()
            shb = issue_stores(k0 + 1, rows_b, ssem_b)
            for h in sha:
                h.wait()

            @pl.when(g + 1 < n_half)
            def _():
                start_gather(k0 + 2, rows_a, gsem_a)

            acc = loss(k0 + 1, rows_b, acc)
            for h in shb:
                h.wait()
            return acc

        acc = lax.fori_loop(0, n_half, body, jnp.zeros((L,), jnp.float32))

        acc_v[pl.ds(0, L)] = acc
        for j in range(1, 128 // L):
            acc_v[pl.ds(j * L, L)] = jnp.zeros((L,), jnp.float32)
        pltpu.sync_copy(acc_v, part_hbm.at[wid])

    return sc_kernel


def kernel(idx, targets, table):
    B, T = idx.shape
    V, D = table.shape
    N = B * T
    info = plsc.get_sparse_core_info()
    NC, NS, L = info.num_cores, info.num_subcores, info.num_lanes
    NW = NC * NS
    idx3 = idx.reshape(N // (32 * NW), NW, 32).astype(jnp.int32)
    tgt3 = targets.reshape(N // (32 * NW), NW, 32).astype(jnp.int32)
    table3 = jnp.pad(table, ((0, 0), (0, DPAD - D))).reshape(V, 8, 128)
    lz = _rowlz(table)
    sc = _make_sc_kernel(N, D, NC, NS, L)
    logits_pad, partials = sc(table3, idx3, tgt3, lz)
    logits = logits_pad[:, :D]
    loss = jnp.sum(partials) / jnp.float32(N)
    return (logits, loss)

# --- scband reference (transcript-rebuilt; emitter-appended) ---
"""Pipeline reference for scband-bigram-language-model-20847771255114 (READ-ONLY COPY).

The authoritative reference and input builder live on the scoring server;
editing this copy changes nothing except your own understanding.
"""

import jax, jax.numpy as jnp
import numpy as np

VOCAB = 1000
B, T = 1024, 50

def setup_inputs(seed: int = 0) -> dict:
    key = jax.random.key(seed)
    k1, k2, k3 = jax.random.split(key, 3)
    idx = jax.random.randint(k1, (B, T), 0, VOCAB, dtype=jnp.int64) if jax.config.jax_enable_x64 else jax.random.randint(k1, (B, T), 0, VOCAB, dtype=jnp.int32)
    targets = jax.random.randint(k2, (B, T), 0, VOCAB, dtype=jnp.int32)
    table = jax.random.normal(k3, (VOCAB, VOCAB), dtype=jnp.float32)
    return {"idx": idx, "targets": targets, "table": table}

def reference(idx, targets, table):
    # logits = token_embedding_table(idx)  -> gather rows of [vocab, vocab] table
    logits = jnp.take(table, idx, axis=0)  # [B, T, C]
    Bi, Ti, C = logits.shape
    logits = logits.reshape(Bi * Ti, C)
    t = targets.reshape(Bi * Ti)
    # F.cross_entropy(logits, targets) == mean(logsumexp(logits) - logits[target])
    logZ = jax.nn.logsumexp(logits, axis=-1)
    picked = jnp.take_along_axis(logits, t[:, None], axis=1)[:, 0]
    loss = jnp.mean(logZ - picked)
    return (logits, loss)

if __name__ == "__main__":
    import jax
    _d = setup_inputs()
    print(jax.jit(kernel)(*tuple(_d.values())))

</pallas_src>

<mosaic_0001>
#map = affine_map<(d0, d1) -> (0, 0, 0)>
#map1 = affine_map<(d0, d1) -> (0, 0)>
module attributes {stable_mosaic.version = 14 : i64} {
  func.func @sc_kernel(%arg0: i32, %arg1: i32, %arg2: memref<1000x8x128xf32, #tpu.memory_space<hbm>>, %arg3: memref<50x32x32xi32, #tpu.memory_space<hbm>>, %arg4: memref<50x32x32xi32, #tpu.memory_space<hbm>>, %arg5: memref<8x128xf32, #tpu.memory_space<hbm>>, %arg6: memref<51200x1024xf32, #tpu.memory_space<hbm>>, %arg7: memref<32x128xf32, #tpu.memory_space<hbm>>, %arg8: memref<50x32xi32, #tpu.memory_space<vmem>>, %arg9: memref<50x32xi32, #tpu.memory_space<vmem>>, %arg10: memref<8x128xf32, #tpu.memory_space<vmem>>, %arg11: memref<32x8x128xf32, #tpu.memory_space<vmem>>, %arg12: memref<32x8x128xf32, #tpu.memory_space<vmem>>, %arg13: memref<128xf32, #tpu.memory_space<vmem>>, %arg14: memref<!tpu.dma_semaphore, #tpu.memory_space<semaphore_mem>>, %arg15: memref<!tpu.dma_semaphore, #tpu.memory_space<semaphore_mem>>, %arg16: memref<!tpu.dma_semaphore, #tpu.memory_space<semaphore_mem>>, %arg17: memref<!tpu.dma_semaphore, #tpu.memory_space<semaphore_mem>>) attributes {dimension_semantics = [#tpu.dimension_semantics<core_parallel>, #tpu.dimension_semantics<subcore_parallel>], iteration_bounds = array<i64: 2, 16>, scalar_prefetch = 0 : i64, scratch_operands = 10 : i64, tpu.core_type = #tpu.core_type<sc_vector_subcore>, window_params = [{transform_indices = #map}, {transform_indices = #map}, {transform_indices = #map}, {transform_indices = #map1}, {transform_indices = #map1}, {transform_indices = #map1}]} {
    %mul3A = arith.constant 2 : i32
    %mul3A_0 = arith.muli %arg1, %mul3A : i32
    %add3A = arith.addi %mul3A_0, %arg0 : i32
    "tpu.region"() ({
      %run_scoped3A = tpu.sem_alloc : memref<!tpu.dma_semaphore, #tpu.memory_space<semaphore_mem>>
      %dma_start3A_43 = arith.constant 0 : i32
      %dma_start3A_44 = arith.constant 0 : i32
      %dma_start3A_45 = tpu.memref_slice %arg3[%dma_start3A_43, %add3A, %dma_start3A_44] : memref<50x32x32xi32, #tpu.memory_space<hbm>> -> memref<50x1x32xi32, #tpu.memory_space<hbm>>
      %dma_start3A_46 = tpu.memref_squeeze %dma_start3A_45 : memref<50x1x32xi32, #tpu.memory_space<hbm>> -> memref<50x32xi32, #tpu.memory_space<hbm>>
      %dma_start3A_47 = arith.constant 0 : i32
      %dma_start3A_48 = arith.constant 0 : i32
      %dma_start3A_49 = tpu.memref_slice %arg3[%dma_start3A_47, %add3A, %dma_start3A_48] : memref<50x32x32xi32, #tpu.memory_space<hbm>> -> memref<50x1x32xi32, #tpu.memory_space<hbm>>
      %dma_start3A_50 = tpu.memref_squeeze %dma_start3A_49 : memref<50x1x32xi32, #tpu.memory_space<hbm>> -> memref<50x32xi32, #tpu.memory_space<hbm>>
      tpu.enqueue_dma source(%dma_start3A_50 : memref<50x32xi32, #tpu.memory_space<hbm>>) target(%arg8 : memref<50x32xi32, #tpu.memory_space<vmem>>) target_semaphore(%run_scoped3A : memref<!tpu.dma_semaphore, #tpu.memory_space<semaphore_mem>>)
      %dma_wait3A = arith.constant 0 : i32
      %dma_wait3A_51 = arith.constant 0 : i32
      %dma_wait3A_52 = tpu.memref_slice %arg3[%dma_wait3A, %add3A, %dma_wait3A_51] : memref<50x32x32xi32, #tpu.memory_space<hbm>> -> memref<50x1x32xi32, #tpu.memory_space<hbm>>
      %dma_wait3A_53 = tpu.memref_squeeze %dma_wait3A_52 : memref<50x1x32xi32, #tpu.memory_space<hbm>> -> memref<50x32xi32, #tpu.memory_space<hbm>>
      %dma_wait3A_54 = arith.constant 0 : i32
      %dma_wait3A_55 = arith.constant 0 : i32
      %dma_wait3A_56 = tpu.memref_slice %arg3[%dma_wait3A_54, %add3A, %dma_wait3A_55] : memref<50x32x32xi32, #tpu.memory_space<hbm>> -> memref<50x1x32xi32, #tpu.memory_space<hbm>>
      %dma_wait3A_57 = tpu.memref_squeeze %dma_wait3A_56 : memref<50x1x32xi32, #tpu.memory_space<hbm>> -> memref<50x32xi32, #tpu.memory_space<hbm>>
      tpu.wait_dma2 semaphore(%run_scoped3A : memref<!tpu.dma_semaphore, #tpu.memory_space<semaphore_mem>>) src(%dma_wait3A_57 : memref<50x32xi32, #tpu.memory_space<hbm>>) dst(%arg8 : memref<50x32xi32, #tpu.memory_space<vmem>>)
      tpu.yield
    }) : () -> ()
    "tpu.region"() ({
      %run_scoped3A = tpu.sem_alloc : memref<!tpu.dma_semaphore, #tpu.memory_space<semaphore_mem>>
      %dma_start3A_43 = arith.constant 0 : i32
      %dma_start3A_44 = arith.constant 0 : i32
      %dma_start3A_45 = tpu.memref_slice %arg4[%dma_start3A_43, %add3A, %dma_start3A_44] : memref<50x32x32xi32, #tpu.memory_space<hbm>> -> memref<50x1x32xi32, #tpu.memory_space<hbm>>
      %dma_start3A_46 = tpu.memref_squeeze %dma_start3A_45 : memref<50x1x32xi32, #tpu.memory_space<hbm>> -> memref<50x32xi32, #tpu.memory_space<hbm>>
      %dma_start3A_47 = arith.constant 0 : i32
      %dma_start3A_48 = arith.constant 0 : i32
      %dma_start3A_49 = tpu.memref_slice %arg4[%dma_start3A_47, %add3A, %dma_start3A_48] : memref<50x32x32xi32, #tpu.memory_space<hbm>> -> memref<50x1x32xi32, #tpu.memory_space<hbm>>
      %dma_start3A_50 = tpu.memref_squeeze %dma_start3A_49 : memref<50x1x32xi32, #tpu.memory_space<hbm>> -> memref<50x32xi32, #tpu.memory_space<hbm>>
      tpu.enqueue_dma source(%dma_start3A_50 : memref<50x32xi32, #tpu.memory_space<hbm>>) target(%arg9 : memref<50x32xi32, #tpu.memory_space<vmem>>) target_semaphore(%run_scoped3A : memref<!tpu.dma_semaphore, #tpu.memory_space<semaphore_mem>>)
      %dma_wait3A = arith.constant 0 : i32
      %dma_wait3A_51 = arith.constant 0 : i32
      %dma_wait3A_52 = tpu.memref_slice %arg4[%dma_wait3A, %add3A, %dma_wait3A_51] : memref<50x32x32xi32, #tpu.memory_space<hbm>> -> memref<50x1x32xi32, #tpu.memory_space<hbm>>
      %dma_wait3A_53 = tpu.memref_squeeze %dma_wait3A_52 : memref<50x1x32xi32, #tpu.memory_space<hbm>> -> memref<50x32xi32, #tpu.memory_space<hbm>>
      %dma_wait3A_54 = arith.constant 0 : i32
      %dma_wait3A_55 = arith.constant 0 : i32
      %dma_wait3A_56 = tpu.memref_slice %arg4[%dma_wait3A_54, %add3A, %dma_wait3A_55] : memref<50x32x32xi32, #tpu.memory_space<hbm>> -> memref<50x1x32xi32, #tpu.memory_space<hbm>>
      %dma_wait3A_57 = tpu.memref_squeeze %dma_wait3A_56 : memref<50x1x32xi32, #tpu.memory_space<hbm>> -> memref<50x32xi32, #tpu.memory_space<hbm>>
      tpu.wait_dma2 semaphore(%run_scoped3A : memref<!tpu.dma_semaphore, #tpu.memory_space<semaphore_mem>>) src(%dma_wait3A_57 : memref<50x32xi32, #tpu.memory_space<hbm>>) dst(%arg9 : memref<50x32xi32, #tpu.memory_space<vmem>>)
      tpu.yield
    }) : () -> ()
    "tpu.region"() ({
      %run_scoped3A = tpu.sem_alloc : memref<!tpu.dma_semaphore, #tpu.memory_space<semaphore_mem>>
      tpu.enqueue_dma source(%arg5 : memref<8x128xf32, #tpu.memory_space<hbm>>) target(%arg10 : memref<8x128xf32, #tpu.memory_space<vmem>>) target_semaphore(%run_scoped3A : memref<!tpu.dma_semaphore, #tpu.memory_space<semaphore_mem>>)
      tpu.wait_dma2 semaphore(%run_scoped3A : memref<!tpu.dma_semaphore, #tpu.memory_space<semaphore_mem>>) src(%arg5 : memref<8x128xf32, #tpu.memory_space<hbm>>) dst(%arg10 : memref<8x128xf32, #tpu.memory_space<vmem>>)
      tpu.yield
    }) : () -> ()
    %iota3A = tpu.iota {dimensions = array<i32: 0>} : vector<16xi32>
    %dma_start3A = arith.constant 0 : i32
    %dma_start3A_1 = arith.constant 0 : i32
    %dma_start3A_2 = tpu.memref_slice %arg8[%dma_start3A, %dma_start3A_1] : memref<50x32xi32, #tpu.memory_space<vmem>> -> memref<1x32xi32, #tpu.memory_space<vmem>>
    %dma_start3A_3 = tpu.memref_squeeze %dma_start3A_2 : memref<1x32xi32, #tpu.memory_space<vmem>> -> memref<32xi32, #tpu.memory_space<vmem>>
    %dma_start3A_4 = arith.constant 0 : i32
    %dma_start3A_5 = arith.constant 0 : i32
    %dma_start3A_6 = arith.constant 0 : i32
    %dma_start3A_7 = tpu.memref_slice %arg2[%dma_start3A_4, %dma_start3A_5, %dma_start3A_6] : memref<1000x8x128xf32, #tpu.memory_space<hbm>> -> memref<1000x8x128xf32, #tpu.memory_space<hbm>>
    tpu.enqueue_indirect_dma source(%dma_start3A_7 : memref<1000x8x128xf32, #tpu.memory_space<hbm>>) target(%arg11 : memref<32x8x128xf32, #tpu.memory_space<vmem>>) offsets(%dma_start3A_3 : memref<32xi32, #tpu.memory_space<vmem>>) semaphore(%arg14 : memref<!tpu.dma_semaphore, #tpu.memory_space<semaphore_mem>>)
    %broadcast_in_dim3A = arith.constant 0.000000e+00 : f32
    %broadcast_in_dim3A_8 = vector.broadcast %broadcast_in_dim3A : f32 to vector<16xf32>
    %scan3A = arith.constant 0 : i32
    %scan3A_9 = arith.constant 25 : i32
    %scan3A_10 = arith.addi %scan3A, %scan3A_9 : i32
    %scan3A_11 = arith.constant 1 : i32
    %scan3A_12 = scf.for %scan3A_43 = %scan3A to %scan3A_10 step %scan3A_11 iter_args(%scan3A_44 = %broadcast_in_dim3A_8) -> (vector<16xf32>)  : i32 {
      %mul3A_45 = arith.constant 2 : i32
      %mul3A_46 = arith.muli %mul3A_45, %scan3A_43 : i32
      %dma_wait3A = arith.constant 0 : i32
      %dma_wait3A_47 = tpu.memref_slice %arg8[%mul3A_46, %dma_wait3A] : memref<50x32xi32, #tpu.memory_space<vmem>> -> memref<1x32xi32, #tpu.memory_space<vmem>>
      %dma_wait3A_48 = tpu.memref_squeeze %dma_wait3A_47 : memref<1x32xi32, #tpu.memory_space<vmem>> -> memref<32xi32, #tpu.memory_space<vmem>>
      %dma_wait3A_49 = arith.constant 0 : i32
      %dma_wait3A_50 = arith.constant 0 : i32
      %dma_wait3A_51 = arith.constant 0 : i32
      %dma_wait3A_52 = tpu.memref_slice %arg2[%dma_wait3A_49, %dma_wait3A_50, %dma_wait3A_51] : memref<1000x8x128xf32, #tpu.memory_space<hbm>> -> memref<1000x8x128xf32, #tpu.memory_space<hbm>>
      tpu.wait_indirect_dma semaphore(%arg14 : memref<!tpu.dma_semaphore, #tpu.memory_space<semaphore_mem>>) src(%dma_wait3A_52 : memref<1000x8x128xf32, #tpu.memory_space<hbm>>) dst(%arg11 : memref<32x8x128xf32, #tpu.memory_space<vmem>>)
      %add3A_53 = arith.constant 1 : i32
      %add3A_54 = arith.addi %mul3A_46, %add3A_53 : i32
      %dma_start3A_55 = arith.constant 0 : i32
      %dma_start3A_56 = tpu.memref_slice %arg8[%add3A_54, %dma_start3A_55] : memref<50x32xi32, #tpu.memory_space<vmem>> -> memref<1x32xi32, #tpu.memory_space<vmem>>
      %dma_start3A_57 = tpu.memref_squeeze %dma_start3A_56 : memref<1x32xi32, #tpu.memory_space<vmem>> -> memref<32xi32, #tpu.memory_space<vmem>>
      %dma_start3A_58 = arith.constant 0 : i32
      %dma_start3A_59 = arith.constant 0 : i32
      %dma_start3A_60 = arith.constant 0 : i32
      %dma_start3A_61 = tpu.memref_slice %arg2[%dma_start3A_58, %dma_start3A_59, %dma_start3A_60] : memref<1000x8x128xf32, #tpu.memory_space<hbm>> -> memref<1000x8x128xf32, #tpu.memory_space<hbm>>
      tpu.enqueue_indirect_dma source(%dma_start3A_61 : memref<1000x8x128xf32, #tpu.memory_space<hbm>>) target(%arg12 : memref<32x8x128xf32, #tpu.memory_space<vmem>>) offsets(%dma_start3A_57 : memref<32xi32, #tpu.memory_space<vmem>>) semaphore(%arg15 : memref<!tpu.dma_semaphore, #tpu.memory_space<semaphore_mem>>)
      %mul3A_62 = arith.constant 32 : i32
      %mul3A_63 = arith.muli %mul3A_46, %mul3A_62 : i32
      %add3A_64 = arith.addi %mul3A_63, %add3A : i32
      %mul3A_65 = arith.constant 32 : i32
      %mul3A_66 = arith.muli %add3A_64, %mul3A_65 : i32
      %dma_start3A_67 = arith.constant 0 : i32
      %dma_start3A_68 = arith.constant 0 : i32
      %dma_start3A_69 = arith.constant 0 : i32
      %dma_start3A_70 = tpu.memref_slice %arg11[%dma_start3A_68, %dma_start3A_67, %dma_start3A_69] : memref<32x8x128xf32, #tpu.memory_space<vmem>> -> memref<32x1x128xf32, #tpu.memory_space<vmem>>
      %dma_start3A_71 = tpu.memref_squeeze %dma_start3A_70 : memref<32x1x128xf32, #tpu.memory_space<vmem>> -> memref<32x128xf32, #tpu.memory_space<vmem>>
      %dma_start3A_72 = arith.constant 0 : i32
      %dma_start3A_73 = tpu.memref_slice %arg6[%mul3A_66, %dma_start3A_72] : memref<51200x1024xf32, #tpu.memory_space<hbm>> -> memref<32x128xf32, #tpu.memory_space<hbm>>
      %dma_start3A_74 = arith.constant 0 : i32
      %dma_start3A_75 = tpu.memref_slice %arg6[%mul3A_66, %dma_start3A_74] : memref<51200x1024xf32, #tpu.memory_space<hbm>> -> memref<32x128xf32, #tpu.memory_space<hbm>>
      %dma_start3A_76 = arith.constant 0 : i32
      %dma_start3A_77 = arith.constant 0 : i32
      %dma_start3A_78 = tpu.memref_slice %arg11[%dma_start3A_76, %dma_start3A_67, %dma_start3A_77] : memref<32x8x128xf32, #tpu.memory_space<vmem>> -> memref<32x1x128xf32, #tpu.memory_space<vmem>>
      %dma_start3A_79 = tpu.memref_squeeze %dma_start3A_78 : memref<32x1x128xf32, #tpu.memory_space<vmem>> -> memref<32x128xf32, #tpu.memory_space<vmem>>
      tpu.enqueue_dma source(%dma_start3A_79 : memref<32x128xf32, #tpu.memory_space<vmem>>) target(%dma_start3A_75 : memref<32x128xf32, #tpu.memory_space<hbm>>) target_semaphore(%arg16 : memref<!tpu.dma_semaphore, #tpu.memory_space<semaphore_mem>>)
      %dma_start3A_80 = arith.constant 1 : i32
      %dma_start3A_81 = arith.constant 0 : i32
      %dma_start3A_82 = arith.constant 0 : i32
      %dma_start3A_83 = tpu.memref_slice %arg11[%dma_start3A_81, %dma_start3A_80, %dma_start3A_82] : memref<32x8x128xf32, #tpu.memory_space<vmem>> -> memref<32x1x128xf32, #tpu.memory_space<vmem>>
      %dma_start3A_84 = tpu.memref_squeeze %dma_start3A_83 : memref<32x1x128xf32, #tpu.memory_space<vmem>> -> memref<32x128xf32, #tpu.memory_space<vmem>>
      %dma_start3A_85 = arith.constant 128 : i32
      %dma_start3A_86 = tpu.memref_slice %arg6[%mul3A_66, %dma_start3A_85] : memref<51200x1024xf32, #tpu.memory_space<hbm>> -> memref<32x128xf32, #tpu.memory_space<hbm>>
      %dma_start3A_87 = arith.constant 128 : i32
      %dma_start3A_88 = tpu.memref_slice %arg6[%mul3A_66, %dma_start3A_87] : memref<51200x1024xf32, #tpu.memory_space<hbm>> -> memref<32x128xf32, #tpu.memory_space<hbm>>
      %dma_start3A_89 = arith.constant 0 : i32
      %dma_start3A_90 = arith.constant 0 : i32
      %dma_start3A_91 = tpu.memref_slice %arg11[%dma_start3A_89, %dma_start3A_80, %dma_start3A_90] : memref<32x8x128xf32, #tpu.memory_space<vmem>> -> memref<32x1x128xf32, #tpu.memory_space<vmem>>
      %dma_start3A_92 = tpu.memref_squeeze %dma_start3A_91 : memref<32x1x128xf32, #tpu.memory_space<vmem>> -> memref<32x128xf32, #tpu.memory_space<vmem>>
      tpu.enqueue_dma source(%dma_start3A_92 : memref<32x128xf32, #tpu.memory_space<vmem>>) target(%dma_start3A_88 : memref<32x128xf32, #tpu.memory_space<hbm>>) target_semaphore(%arg16 : memref<!tpu.dma_semaphore, #tpu.memory_space<semaphore_mem>>)
      %dma_start3A_93 = arith.constant 2 : i32
      %dma_start3A_94 = arith.constant 0 : i32
      %dma_start3A_95 = arith.constant 0 : i32
      %dma_start3A_96 = tpu.memref_slice %arg11[%dma_start3A_94, %dma_start3A_93, %dma_start3A_95] : memref<32x8x128xf32, #tpu.memory_space<vmem>> -> memref<32x1x128xf32, #tpu.memory_space<vmem>>
      %dma_start3A_97 = tpu.memref_squeeze %dma_start3A_96 : memref<32x1x128xf32, #tpu.memory_space<vmem>> -> memref<32x128xf32, #tpu.memory_space<vmem>>
      %dma_start3A_98 = arith.constant 256 : i32
      %dma_start3A_99 = tpu.memref_slice %arg6[%mul3A_66, %dma_start3A_98] : memref<51200x1024xf32, #tpu.memory_space<hbm>> -> memref<32x128xf32, #tpu.memory_space<hbm>>
      %dma_start3A_100 = arith.constant 256 : i32
      %dma_start3A_101 = tpu.memref_slice %arg6[%mul3A_66, %dma_start3A_100] : memref<51200x1024xf32, #tpu.memory_space<hbm>> -> memref<32x128xf32, #tpu.memory_space<hbm>>
      %dma_start3A_102 = arith.constant 0 : i32
      %dma_start3A_103 = arith.constant 0 : i32
      %dma_start3A_104 = tpu.memref_slice %arg11[%dma_start3A_102, %dma_start3A_93, %dma_start3A_103] : memref<32x8x128xf32, #tpu.memory_space<vmem>> -> memref<32x1x128xf32, #tpu.memory_space<vmem>>
      %dma_start3A_105 = tpu.memref_squeeze %dma_start3A_104 : memref<32x1x128xf32, #tpu.memory_space<vmem>> -> memref<32x128xf32, #tpu.memory_space<vmem>>
      tpu.enqueue_dma source(%dma_start3A_105 : memref<32x128xf32, #tpu.memory_space<vmem>>) target(%dma_start3A_101 : memref<32x128xf32, #tpu.memory_space<hbm>>) target_semaphore(%arg16 : memref<!tpu.dma_semaphore, #tpu.memory_space<semaphore_mem>>)
      %dma_start3A_106 = arith.constant 3 : i32
      %dma_start3A_107 = arith.constant 0 : i32
      %dma_start3A_108 = arith.constant 0 : i32
      %dma_start3A_109 = tpu.memref_slice %arg11[%dma_start3A_107, %dma_start3A_106, %dma_start3A_108] : memref<32x8x128xf32, #tpu.memory_space<vmem>> -> memref<32x1x128xf32, #tpu.memory_space<vmem>>
      %dma_start3A_110 = tpu.memref_squeeze %dma_start3A_109 : memref<32x1x128xf32, #tpu.memory_space<vmem>> -> memref<32x128xf32, #tpu.memory_space<vmem>>
      %dma_start3A_111 = arith.constant 384 : i32
      %dma_start3A_112 = tpu.memref_slice %arg6[%mul3A_66, %dma_start3A_111] : memref<51200x1024xf32, #tpu.memory_space<hbm>> -> memref<32x128xf32, #tpu.memory_space<hbm>>
      %dma_start3A_113 = arith.constant 384 : i32
      %dma_start3A_114 = tpu.memref_slice %arg6[%mul3A_66, %dma_start3A_113] : memref<51200x1024xf32, #tpu.memory_space<hbm>> -> memref<32x128xf32, #tpu.memory_space<hbm>>
      %dma_start3A_115 = arith.constant 0 : i32
      %dma_start3A_116 = arith.constant 0 : i32
      %dma_start3A_117 = tpu.memref_slice %arg11[%dma_start3A_115, %dma_start3A_106, %dma_start3A_116] : memref<32x8x128xf32, #tpu.memory_space<vmem>> -> memref<32x1x128xf32, #tpu.memory_space<vmem>>
      %dma_start3A_118 = tpu.memref_squeeze %dma_start3A_117 : memref<32x1x128xf32, #tpu.memory_space<vmem>> -> memref<32x128xf32, #tpu.memory_space<vmem>>
      tpu.enqueue_dma source(%dma_start3A_118 : memref<32x128xf32, #tpu.memory_space<vmem>>) target(%dma_start3A_114 : memref<32x128xf32, #tpu.memory_space<hbm>>) target_semaphore(%arg16 : memref<!tpu.dma_semaphore, #tpu.memory_space<semaphore_mem>>)
      %dma_start3A_119 = arith.constant 4 : i32
      %dma_start3A_120 = arith.constant 0 : i32
      %dma_start3A_121 = arith.constant 0 : i32
      %dma_start3A_122 = tpu.memref_slice %arg11[%dma_start3A_120, %dma_start3A_119, %dma_start3A_121] : memref<32x8x128xf32, #tpu.memory_space<vmem>> -> memref<32x1x128xf32, #tpu.memory_space<vmem>>
      %dma_start3A_123 = tpu.memref_squeeze %dma_start3A_122 : memref<32x1x128xf32, #tpu.memory_space<vmem>> -> memref<32x128xf32, #tpu.memory_space<vmem>>
      %dma_start3A_124 = arith.constant 512 : i32
      %dma_start3A_125 = tpu.memref_slice %arg6[%mul3A_66, %dma_start3A_124] : memref<51200x1024xf32, #tpu.memory_space<hbm>> -> memref<32x128xf32, #tpu.memory_space<hbm>>
      %dma_start3A_126 = arith.constant 512 : i32
      %dma_start3A_127 = tpu.memref_slice %arg6[%mul3A_66, %dma_start3A_126] : memref<51200x1024xf32, #tpu.memory_space<hbm>> -> memref<32x128xf32, #tpu.memory_space<hbm>>
      %dma_start3A_128 = arith.constant 0 : i32
      %dma_start3A_129 = arith.constant 0 : i32
      %dma_start3A_130 = tpu.memref_slice %arg11[%dma_start3A_128, %dma_start3A_119, %dma_start3A_129] : memref<32x8x128xf32, #tpu.memory_space<vmem>> -> memref<32x1x128xf32, #tpu.memory_space<vmem>>
      %dma_start3A_131 = tpu.memref_squeeze %dma_start3A_130 : memref<32x1x128xf32, #tpu.memory_space<vmem>> -> memref<32x128xf32, #tpu.memory_space<vmem>>
      tpu.enqueue_dma source(%dma_start3A_131 : memref<32x128xf32, #tpu.memory_space<vmem>>) target(%dma_start3A_127 : memref<32x128xf32, #tpu.memory_space<hbm>>) target_semaphore(%arg16 : memref<!tpu.dma_semaphore, #tpu.memory_space<semaphore_mem>>)
      %dma_start3A_132 = arith.constant 5 : i32
      %dma_start3A_133 = arith.constant 0 : i32
      %dma_start3A_134 = arith.constant 0 : i32
      %dma_start3A_135 = tpu.memref_slice %arg11[%dma_start3A_133, %dma_start3A_132, %dma_start3A_134] : memref<32x8x128xf32, #tpu.memory_space<vmem>> -> memref<32x1x128xf32, #tpu.memory_space<vmem>>
      %dma_start3A_136 = tpu.memref_squeeze %dma_start3A_135 : memref<32x1x128xf32, #tpu.memory_space<vmem>> -> memref<32x128xf32, #tpu.memory_space<vmem>>
      %dma_start3A_137 = arith.constant 640 : i32
      %dma_start3A_138 = tpu.memref_slice %arg6[%mul3A_66, %dma_start3A_137] : memref<51200x1024xf32, #tpu.memory_space<hbm>> -> memref<32x128xf32, #tpu.memory_space<hbm>>
      %dma_start3A_139 = arith.constant 640 : i32
      %dma_start3A_140 = tpu.memref_slice %arg6[%mul3A_66, %dma_start3A_139] : memref<51200x1024xf32, #tpu.memory_space<hbm>> -> memref<32x128xf32, #tpu.memory_space<hbm>>
      %dma_start3A_141 = arith.constant 0 : i32
      %dma_start3A_142 = arith.constant 0 : i32
      %dma_start3A_143 = tpu.memref_slice %arg11[%dma_start3A_141, %dma_start3A_132, %dma_start3A_142] : memref<32x8x128xf32, #tpu.memory_space<vmem>> -> memref<32x1x128xf32, #tpu.memory_space<vmem>>
      %dma_start3A_144 = tpu.memref_squeeze %dma_start3A_143 : memref<32x1x128xf32, #tpu.memory_space<vmem>> -> memref<32x128xf32, #tpu.memory_space<vmem>>
      tpu.enqueue_dma source(%dma_start3A_144 : memref<32x128xf32, #tpu.memory_space<vmem>>) target(%dma_start3A_140 : memref<32x128xf32, #tpu.memory_space<hbm>>) target_semaphore(%arg16 : memref<!tpu.dma_semaphore, #tpu.memory_space<semaphore_mem>>)
      %dma_start3A_145 = arith.constant 6 : i32
      %dma_start3A_146 = arith.constant 0 : i32
      %dma_start3A_147 = arith.constant 0 : i32
      %dma_start3A_148 = tpu.memref_slice %arg11[%dma_start3A_146, %dma_start3A_145, %dma_start3A_147] : memref<32x8x128xf32, #tpu.memory_space<vmem>> -> memref<32x1x128xf32, #tpu.memory_space<vmem>>
      %dma_start3A_149 = tpu.memref_squeeze %dma_start3A_148 : memref<32x1x128xf32, #tpu.memory_space<vmem>> -> memref<32x128xf32, #tpu.memory_space<vmem>>
      %dma_start3A_150 = arith.constant 768 : i32
      %dma_start3A_151 = tpu.memref_slice %arg6[%mul3A_66, %dma_start3A_150] : memref<51200x1024xf32, #tpu.memory_space<hbm>> -> memref<32x128xf32, #tpu.memory_space<hbm>>
      %dma_start3A_152 = arith.constant 768 : i32
      %dma_start3A_153 = tpu.memref_slice %arg6[%mul3A_66, %dma_start3A_152] : memref<51200x1024xf32, #tpu.memory_space<hbm>> -> memref<32x128xf32, #tpu.memory_space<hbm>>
      %dma_start3A_154 = arith.constant 0 : i32
      %dma_start3A_155 = arith.constant 0 : i32
      %dma_start3A_156 = tpu.memref_slice %arg11[%dma_start3A_154, %dma_start3A_145, %dma_start3A_155] : memref<32x8x128xf32, #tpu.memory_space<vmem>> -> memref<32x1x128xf32, #tpu.memory_space<vmem>>
      %dma_start3A_157 = tpu.memref_squeeze %dma_start3A_156 : memref<32x1x128xf32, #tpu.memory_space<vmem>> -> memref<32x128xf32, #tpu.memory_space<vmem>>
      tpu.enqueue_dma source(%dma_start3A_157 : memref<32x128xf32, #tpu.memory_space<vmem>>) target(%dma_start3A_153 : memref<32x128xf32, #tpu.memory_space<hbm>>) target_semaphore(%arg16 : memref<!tpu.dma_semaphore, #tpu.memory_space<semaphore_mem>>)
      %dma_start3A_158 = arith.constant 7 : i32
      %dma_start3A_159 = arith.constant 0 : i32
      %dma_start3A_160 = arith.constant 0 : i32
      %dma_start3A_161 = tpu.memref_slice %arg11[%dma_start3A_159, %dma_start3A_158, %dma_start3A_160] : memref<32x8x128xf32, #tpu.memory_space<vmem>> -> memref<32x1x128xf32, #tpu.memory_space<vmem>>
      %dma_start3A_162 = tpu.memref_squeeze %dma_start3A_161 : memref<32x1x128xf32, #tpu.memory_space<vmem>> -> memref<32x128xf32, #tpu.memory_space<vmem>>
      %dma_start3A_163 = arith.constant 896 : i32
      %dma_start3A_164 = tpu.memref_slice %arg6[%mul3A_66, %dma_start3A_163] : memref<51200x1024xf32, #tpu.memory_space<hbm>> -> memref<32x128xf32, #tpu.memory_space<hbm>>
      %dma_start3A_165 = arith.constant 896 : i32
      %dma_start3A_166 = tpu.memref_slice %arg6[%mul3A_66, %dma_start3A_165] : memref<51200x1024xf32, #tpu.memory_space<hbm>> -> memref<32x128xf32, #tpu.memory_space<hbm>>
      %dma_start3A_167 = arith.constant 0 : i32
      %dma_start3A_168 = arith.constant 0 : i32
      %dma_start3A_169 = tpu.memref_slice %arg11[%dma_start3A_167, %dma_start3A_158, %dma_start3A_168] : memref<32x8x128xf32, #tpu.memory_space<vmem>> -> memref<32x1x128xf32, #tpu.memory_space<vmem>>
      %dma_start3A_170 = tpu.memref_squeeze %dma_start3A_169 : memref<32x1x128xf32, #tpu.memory_space<vmem>> -> memref<32x128xf32, #tpu.memory_space<vmem>>
      tpu.enqueue_dma source(%dma_start3A_170 : memref<32x128xf32, #tpu.memory_space<vmem>>) target(%dma_start3A_166 : memref<32x128xf32, #tpu.memory_space<hbm>>) target_semaphore(%arg16 : memref<!tpu.dma_semaphore, #tpu.memory_space<semaphore_mem>>)
      %get3A = arith.index_cast %mul3A_46 : i32 to index
      %get3A_171 = arith.constant 0 : index
      %get3A_172 = tpu.vector_load %arg8[%get3A, %get3A_171] {strides = array<i32>} : memref<50x32xi32, #tpu.memory_space<vmem>>, vector<16xi32>,
      %get3A_173 = arith.index_cast %mul3A_46 : i32 to index
      %get3A_174 = arith.constant 0 : index
      %get3A_175 = tpu.vector_load %arg9[%get3A_173, %get3A_174] {strides = array<i32>} : memref<50x32xi32, #tpu.memory_space<vmem>>, vector<16xi32>,
      %jit3A = arith.constant 128 : i32
      %div3A = vector.broadcast %jit3A : i32 to vector<16xi32>
      %div3A_176 = arith.divsi %get3A_172, %div3A : vector<16xi32>
      %sign3A = arith.constant 0 : i32
      %sign3A_177 = vector.broadcast %sign3A : i32 to vector<16xi32>
      %sign3A_178 = arith.cmpi sgt, %get3A_172, %sign3A_177 : vector<16xi32>
      %sign3A_179 = arith.extui %sign3A_178 : vector<16xi1> to vector<16xi32>
      %sign3A_180 = arith.constant 0 : i32
      %sign3A_181 = vector.broadcast %sign3A_180 : i32 to vector<16xi32>
      %sign3A_182 = arith.cmpi slt, %get3A_172, %sign3A_181 : vector<16xi32>
      %sign3A_183 = arith.extui %sign3A_182 : vector<16xi1> to vector<16xi32>
      %sign3A_184 = arith.subi %sign3A_179, %sign3A_183 : vector<16xi32>
      %sign3A_185 = arith.constant 0 : i32
      %sign3A_186 = arith.cmpi sgt, %jit3A, %sign3A_185 : i32
      %sign3A_187 = arith.extui %sign3A_186 : i1 to i32
      %sign3A_188 = arith.constant 0 : i32
      %sign3A_189 = arith.cmpi slt, %jit3A, %sign3A_188 : i32
      %sign3A_190 = arith.extui %sign3A_189 : i1 to i32
      %sign3A_191 = arith.subi %sign3A_187, %sign3A_190 : i32
      %ne3A = vector.broadcast %sign3A_191 : i32 to vector<16xi32>
      %ne3A_192 = arith.cmpi ne, %sign3A_184, %ne3A : vector<16xi32>
      %rem3A = vector.broadcast %jit3A : i32 to vector<16xi32>
      %rem3A_193 = arith.remsi %get3A_172, %rem3A : vector<16xi32>
      %ne3A_194 = arith.constant 0 : i32
      %ne3A_195 = vector.broadcast %ne3A_194 : i32 to vector<16xi32>
      %ne3A_196 = arith.cmpi ne, %rem3A_193, %ne3A_195 : vector<16xi32>
      %and3A = arith.andi %ne3A_192, %ne3A_196 : vector<16xi1>
      %sub3A = arith.constant 1 : i32
      %sub3A_197 = vector.broadcast %sub3A : i32 to vector<16xi32>
      %sub3A_198 = arith.subi %div3A_176, %sub3A_197 : vector<16xi32>
      %select_n3A = arith.select %and3A, %sub3A_198, %div3A_176 : vector<16xi1>, vector<16xi32>
      %jit3A_199 = arith.constant 128 : i32
      %eq3A = arith.constant 0 : i32
      %eq3A_200 = arith.cmpi eq, %jit3A_199, %eq3A : i32
      %jit3A_201 = arith.constant 1 : i32
      %select_n3A_202 = arith.select %eq3A_200, %jit3A_201, %jit3A_199 : i32
      %rem3A_203 = vector.broadcast %select_n3A_202 : i32 to vector<16xi32>
      %rem3A_204 = arith.remsi %get3A_172, %rem3A_203 : vector<16xi32>
      %ne3A_205 = arith.constant 0 : i32
      %ne3A_206 = vector.broadcast %ne3A_205 : i32 to vector<16xi32>
      %ne3A_207 = arith.cmpi ne, %rem3A_204, %ne3A_206 : vector<16xi32>
      %lt3A = arith.constant 0 : i32
      %lt3A_208 = vector.broadcast %lt3A : i32 to vector<16xi32>
      %lt3A_209 = arith.cmpi slt, %rem3A_204, %lt3A_208 : vector<16xi32>
      %lt3A_210 = arith.constant 0 : i32
      %lt3A_211 = arith.cmpi slt, %select_n3A_202, %lt3A_210 : i32
      %ne3A_212 = vector.broadcast %lt3A_211 : i1 to vector<16xi1>
      %ne3A_213 = vector.broadcast %ne3A_212 : vector<16xi1> to vector<16xi1>
      %ne3A_214 = arith.xori %lt3A_209, %ne3A_213 : vector<16xi1>
      %and3A_215 = arith.andi %ne3A_214, %ne3A_207 : vector<16xi1>
      %add3A_216 = vector.broadcast %select_n3A_202 : i32 to vector<16xi32>
      %add3A_217 = arith.addi %rem3A_204, %add3A_216 : vector<16xi32>
      %select_n3A_218 = arith.select %and3A_215, %add3A_217, %rem3A_204 : vector<16xi1>, vector<16xi32>
      %gather3A = tpu.vector_load_idx %arg10[%select_n3A, %select_n3A_218] : memref<8x128xf32, #tpu.memory_space<vmem>>[vector<16xi32>, vector<16xi32>], vector<16xf32>,
      %add3A_219 = arith.constant 0 : i32
      %add3A_220 = vector.broadcast %add3A_219 : i32 to vector<16xi32>
      %add3A_221 = arith.addi %add3A_220, %iota3A : vector<16xi32>
      %jit3A_222 = arith.constant 128 : i32
      %div3A_223 = vector.broadcast %jit3A_222 : i32 to vector<16xi32>
      %div3A_224 = arith.divsi %get3A_175, %div3A_223 : vector<16xi32>
      %sign3A_225 = arith.constant 0 : i32
      %sign3A_226 = vector.broadcast %sign3A_225 : i32 to vector<16xi32>
      %sign3A_227 = arith.cmpi sgt, %get3A_175, %sign3A_226 : vector<16xi32>
      %sign3A_228 = arith.extui %sign3A_227 : vector<16xi1> to vector<16xi32>
      %sign3A_229 = arith.constant 0 : i32
      %sign3A_230 = vector.broadcast %sign3A_229 : i32 to vector<16xi32>
      %sign3A_231 = arith.cmpi slt, %get3A_175, %sign3A_230 : vector<16xi32>
      %sign3A_232 = arith.extui %sign3A_231 : vector<16xi1> to vector<16xi32>
      %sign3A_233 = arith.subi %sign3A_228, %sign3A_232 : vector<16xi32>
      %sign3A_234 = arith.constant 0 : i32
      %sign3A_235 = arith.cmpi sgt, %jit3A_222, %sign3A_234 : i32
      %sign3A_236 = arith.extui %sign3A_235 : i1 to i32
      %sign3A_237 = arith.constant 0 : i32
      %sign3A_238 = arith.cmpi slt, %jit3A_222, %sign3A_237 : i32
      %sign3A_239 = arith.extui %sign3A_238 : i1 to i32
      %sign3A_240 = arith.subi %sign3A_236, %sign3A_239 : i32
      %ne3A_241 = vector.broadcast %sign3A_240 : i32 to vector<16xi32>
      %ne3A_242 = arith.cmpi ne, %sign3A_233, %ne3A_241 : vector<16xi32>
      %rem3A_243 = vector.broadcast %jit3A_222 : i32 to vector<16xi32>
      %rem3A_244 = arith.remsi %get3A_175, %rem3A_243 : vector<16xi32>
      %ne3A_245 = arith.constant 0 : i32
      %ne3A_246 = vector.broadcast %ne3A_245 : i32 to vector<16xi32>
      %ne3A_247 = arith.cmpi ne, %rem3A_244, %ne3A_246 : vector<16xi32>
      %and3A_248 = arith.andi %ne3A_242, %ne3A_247 : vector<16xi1>
      %sub3A_249 = arith.constant 1 : i32
      %sub3A_250 = vector.broadcast %sub3A_249 : i32 to vector<16xi32>
      %sub3A_251 = arith.subi %div3A_224, %sub3A_250 : vector<16xi32>
      %select_n3A_252 = arith.select %and3A_248, %sub3A_251, %div3A_224 : vector<16xi1>, vector<16xi32>
      %jit3A_253 = arith.constant 128 : i32
      %eq3A_254 = arith.constant 0 : i32
      %eq3A_255 = arith.cmpi eq, %jit3A_253, %eq3A_254 : i32
      %jit3A_256 = arith.constant 1 : i32
      %select_n3A_257 = arith.select %eq3A_255, %jit3A_256, %jit3A_253 : i32
      %rem3A_258 = vector.broadcast %select_n3A_257 : i32 to vector<16xi32>
      %rem3A_259 = arith.remsi %get3A_175, %rem3A_258 : vector<16xi32>
      %ne3A_260 = arith.constant 0 : i32
      %ne3A_261 = vector.broadcast %ne3A_260 : i32 to vector<16xi32>
      %ne3A_262 = arith.cmpi ne, %rem3A_259, %ne3A_261 : vector<16xi32>
      %lt3A_263 = arith.constant 0 : i32
      %lt3A_264 = vector.broadcast %lt3A_263 : i32 to vector<16xi32>
      %lt3A_265 = arith.cmpi slt, %rem3A_259, %lt3A_264 : vector<16xi32>
      %lt3A_266 = arith.constant 0 : i32
      %lt3A_267 = arith.cmpi slt, %select_n3A_257, %lt3A_266 : i32
      %ne3A_268 = vector.broadcast %lt3A_267 : i1 to vector<16xi1>
      %ne3A_269 = vector.broadcast %ne3A_268 : vector<16xi1> to vector<16xi1>
      %ne3A_270 = arith.xori %lt3A_265, %ne3A_269 : vector<16xi1>
      %and3A_271 = arith.andi %ne3A_270, %ne3A_262 : vector<16xi1>
      %add3A_272 = vector.broadcast %select_n3A_257 : i32 to vector<16xi32>
      %add3A_273 = arith.addi %rem3A_259, %add3A_272 : vector<16xi32>
      %select_n3A_274 = arith.select %and3A_271, %add3A_273, %rem3A_259 : vector<16xi1>, vector<16xi32>
      %gather3A_275 = tpu.vector_load_idx %arg11[%add3A_221, %select_n3A_252, %select_n3A_274] : memref<32x8x128xf32, #tpu.memory_space<vmem>>[vector<16xi32>, vector<16xi32>, vector<16xi32>], vector<16xf32>,
      %sub3A_276 = arith.subf %gather3A, %gather3A_275 : vector<16xf32>
      %add3A_277 = arith.addf %scan3A_44, %sub3A_276 : vector<16xf32>
      %get3A_278 = arith.index_cast %mul3A_46 : i32 to index
      %get3A_279 = arith.constant 16 : index
      %get3A_280 = tpu.vector_load %arg8[%get3A_278, %get3A_279] {strides = array<i32>} : memref<50x32xi32, #tpu.memory_space<vmem>>, vector<16xi32>,
      %get3A_281 = arith.index_cast %mul3A_46 : i32 to index
      %get3A_282 = arith.constant 16 : index
      %get3A_283 = tpu.vector_load %arg9[%get3A_281, %get3A_282] {strides = array<i32>} : memref<50x32xi32, #tpu.memory_space<vmem>>, vector<16xi32>,
      %jit3A_284 = arith.constant 128 : i32
      %div3A_285 = vector.broadcast %jit3A_284 : i32 to vector<16xi32>
      %div3A_286 = arith.divsi %get3A_280, %div3A_285 : vector<16xi32>
      %sign3A_287 = arith.constant 0 : i32
      %sign3A_288 = vector.broadcast %sign3A_287 : i32 to vector<16xi32>
      %sign3A_289 = arith.cmpi sgt, %get3A_280, %sign3A_288 : vector<16xi32>
      %sign3A_290 = arith.extui %sign3A_289 : vector<16xi1> to vector<16xi32>
      %sign3A_291 = arith.constant 0 : i32
      %sign3A_292 = vector.broadcast %sign3A_291 : i32 to vector<16xi32>
      %sign3A_293 = arith.cmpi slt, %get3A_280, %sign3A_292 : vector<16xi32>
      %sign3A_294 = arith.extui %sign3A_293 : vector<16xi1> to vector<16xi32>
      %sign3A_295 = arith.subi %sign3A_290, %sign3A_294 : vector<16xi32>
      %sign3A_296 = arith.constant 0 : i32
      %sign3A_297 = arith.cmpi sgt, %jit3A_284, %sign3A_296 : i32
      %sign3A_298 = arith.extui %sign3A_297 : i1 to i32
      %sign3A_299 = arith.constant 0 : i32
      %sign3A_300 = arith.cmpi slt, %jit3A_284, %sign3A_299 : i32
      %sign3A_301 = arith.extui %sign3A_300 : i1 to i32
      %sign3A_302 = arith.subi %sign3A_298, %sign3A_301 : i32
      %ne3A_303 = vector.broadcast %sign3A_302 : i32 to vector<16xi32>
      %ne3A_304 = arith.cmpi ne, %sign3A_295, %ne3A_303 : vector<16xi32>
      %rem3A_305 = vector.broadcast %jit3A_284 : i32 to vector<16xi32>
      %rem3A_306 = arith.remsi %get3A_280, %rem3A_305 : vector<16xi32>
      %ne3A_307 = arith.constant 0 : i32
      %ne3A_308 = vector.broadcast %ne3A_307 : i32 to vector<16xi32>
      %ne3A_309 = arith.cmpi ne, %rem3A_306, %ne3A_308 : vector<16xi32>
      %and3A_310 = arith.andi %ne3A_304, %ne3A_309 : vector<16xi1>
      %sub3A_311 = arith.constant 1 : i32
      %sub3A_312 = vector.broadcast %sub3A_311 : i32 to vector<16xi32>
      %sub3A_313 = arith.subi %div3A_286, %sub3A_312 : vector<16xi32>
      %select_n3A_314 = arith.select %and3A_310, %sub3A_313, %div3A_286 : vector<16xi1>, vector<16xi32>
      %jit3A_315 = arith.constant 128 : i32
      %eq3A_316 = arith.constant 0 : i32
      %eq3A_317 = arith.cmpi eq, %jit3A_315, %eq3A_316 : i32
      %jit3A_318 = arith.constant 1 : i32
      %select_n3A_319 = arith.select %eq3A_317, %jit3A_318, %jit3A_315 : i32
      %rem3A_320 = vector.broadcast %select_n3A_319 : i32 to vector<16xi32>
      %rem3A_321 = arith.remsi %get3A_280, %rem3A_320 : vector<16xi32>
      %ne3A_322 = arith.constant 0 : i32
      %ne3A_323 = vector.broadcast %ne3A_322 : i32 to vector<16xi32>
      %ne3A_324 = arith.cmpi ne, %rem3A_321, %ne3A_323 : vector<16xi32>
      %lt3A_325 = arith.constant 0 : i32
      %lt3A_326 = vector.broadcast %lt3A_325 : i32 to vector<16xi32>
      %lt3A_327 = arith.cmpi slt, %rem3A_321, %lt3A_326 : vector<16xi32>
      %lt3A_328 = arith.constant 0 : i32
      %lt3A_329 = arith.cmpi slt, %select_n3A_319, %lt3A_328 : i32
      %ne3A_330 = vector.broadcast %lt3A_329 : i1 to vector<16xi1>
      %ne3A_331 = vector.broadcast %ne3A_330 : vector<16xi1> to vector<16xi1>
      %ne3A_332 = arith.xori %lt3A_327, %ne3A_331 : vector<16xi1>
      %and3A_333 = arith.andi %ne3A_332, %ne3A_324 : vector<16xi1>
      %add3A_334 = vector.broadcast %select_n3A_319 : i32 to vector<16xi32>
      %add3A_335 = arith.addi %rem3A_321, %add3A_334 : vector<16xi32>
      %select_n3A_336 = arith.select %and3A_333, %add3A_335, %rem3A_321 : vector<16xi1>, vector<16xi32>
      %gather3A_337 = tpu.vector_load_idx %arg10[%select_n3A_314, %select_n3A_336] : memref<8x128xf32, #tpu.memory_space<vmem>>[vector<16xi32>, vector<16xi32>], vector<16xf32>,
      %add3A_338 = arith.constant 16 : i32
      %add3A_339 = vector.broadcast %add3A_338 : i32 to vector<16xi32>
      %add3A_340 = arith.addi %add3A_339, %iota3A : vector<16xi32>
      %jit3A_341 = arith.constant 128 : i32
      %div3A_342 = vector.broadcast %jit3A_341 : i32 to vector<16xi32>
      %div3A_343 = arith.divsi %get3A_283, %div3A_342 : vector<16xi32>
      %sign3A_344 = arith.constant 0 : i32
      %sign3A_345 = vector.broadcast %sign3A_344 : i32 to vector<16xi32>
      %sign3A_346 = arith.cmpi sgt, %get3A_283, %sign3A_345 : vector<16xi32>
      %sign3A_347 = arith.extui %sign3A_346 : vector<16xi1> to vector<16xi32>
      %sign3A_348 = arith.constant 0 : i32
      %sign3A_349 = vector.broadcast %sign3A_348 : i32 to vector<16xi32>
      %sign3A_350 = arith.cmpi slt, %get3A_283, %sign3A_349 : vector<16xi32>
      %sign3A_351 = arith.extui %sign3A_350 : vector<16xi1> to vector<16xi32>
      %sign3A_352 = arith.subi %sign3A_347, %sign3A_351 : vector<16xi32>
      %sign3A_353 = arith.constant 0 : i32
      %sign3A_354 = arith.cmpi sgt, %jit3A_341, %sign3A_353 : i32
      %sign3A_355 = arith.extui %sign3A_354 : i1 to i32
      %sign3A_356 = arith.constant 0 : i32
      %sign3A_357 = arith.cmpi slt, %jit3A_341, %sign3A_356 : i32
      %sign3A_358 = arith.extui %sign3A_357 : i1 to i32
      %sign3A_359 = arith.subi %sign3A_355, %sign3A_358 : i32
      %ne3A_360 = vector.broadcast %sign3A_359 : i32 to vector<16xi32>
      %ne3A_361 = arith.cmpi ne, %sign3A_352, %ne3A_360 : vector<16xi32>
      %rem3A_362 = vector.broadcast %jit3A_341 : i32 to vector<16xi32>
      %rem3A_363 = arith.remsi %get3A_283, %rem3A_362 : vector<16xi32>
      %ne3A_364 = arith.constant 0 : i32
      %ne3A_365 = vector.broadcast %ne3A_364 : i32 to vector<16xi32>
      %ne3A_366 = arith.cmpi ne, %rem3A_363, %ne3A_365 : vector<16xi32>
      %and3A_367 = arith.andi %ne3A_361, %ne3A_366 : vector<16xi1>
      %sub3A_368 = arith.constant 1 : i32
      %sub3A_369 = vector.broadcast %sub3A_368 : i32 to vector<16xi32>
      %sub3A_370 = arith.subi %div3A_343, %sub3A_369 : vector<16xi32>
      %select_n3A_371 = arith.select %and3A_367, %sub3A_370, %div3A_343 : vector<16xi1>, vector<16xi32>
      %jit3A_372 = arith.constant 128 : i32
      %eq3A_373 = arith.constant 0 : i32
      %eq3A_374 = arith.cmpi eq, %jit3A_372, %eq3A_373 : i32
      %jit3A_375 = arith.constant 1 : i32
      %select_n3A_376 = arith.select %eq3A_374, %jit3A_375, %jit3A_372 : i32
      %rem3A_377 = vector.broadcast %select_n3A_376 : i32 to vector<16xi32>
      %rem3A_378 = arith.remsi %get3A_283, %rem3A_377 : vector<16xi32>
      %ne3A_379 = arith.constant 0 : i32
      %ne3A_380 = vector.broadcast %ne3A_379 : i32 to vector<16xi32>
      %ne3A_381 = arith.cmpi ne, %rem3A_378, %ne3A_380 : vector<16xi32>
      %lt3A_382 = arith.constant 0 : i32
      %lt3A_383 = vector.broadcast %lt3A_382 : i32 to vector<16xi32>
      %lt3A_384 = arith.cmpi slt, %rem3A_378, %lt3A_383 : vector<16xi32>
      %lt3A_385 = arith.constant 0 : i32
      %lt3A_386 = arith.cmpi slt, %select_n3A_376, %lt3A_385 : i32
      %ne3A_387 = vector.broadcast %lt3A_386 : i1 to vector<16xi1>
      %ne3A_388 = vector.broadcast %ne3A_387 : vector<16xi1> to vector<16xi1>
      %ne3A_389 = arith.xori %lt3A_384, %ne3A_388 : vector<16xi1>
      %and3A_390 = arith.andi %ne3A_389, %ne3A_381 : vector<16xi1>
      %add3A_391 = vector.broadcast %select_n3A_376 : i32 to vector<16xi32>
      %add3A_392 = arith.addi %rem3A_378, %add3A_391 : vector<16xi32>
      %select_n3A_393 = arith.select %and3A_390, %add3A_392, %rem3A_378 : vector<16xi1>, vector<16xi32>
      %gather3A_394 = tpu.vector_load_idx %arg11[%add3A_340, %select_n3A_371, %select_n3A_393] : memref<32x8x128xf32, #tpu.memory_space<vmem>>[vector<16xi32>, vector<16xi32>, vector<16xi32>], vector<16xf32>,
      %sub3A_395 = arith.subf %gather3A_337, %gather3A_394 : vector<16xf32>
      %add3A_396 = arith.addf %add3A_277, %sub3A_395 : vector<16xf32>
      %dma_wait3A_397 = arith.constant 0 : i32
      %dma_wait3A_398 = tpu.memref_slice %arg8[%add3A_54, %dma_wait3A_397] : memref<50x32xi32, #tpu.memory_space<vmem>> -> memref<1x32xi32, #tpu.memory_space<vmem>>
      %dma_wait3A_399 = tpu.memref_squeeze %dma_wait3A_398 : memref<1x32xi32, #tpu.memory_space<vmem>> -> memref<32xi32, #tpu.memory_space<vmem>>
      %dma_wait3A_400 = arith.constant 0 : i32
      %dma_wait3A_401 = arith.constant 0 : i32
      %dma_wait3A_402 = arith.constant 0 : i32
      %dma_wait3A_403 = tpu.memref_slice %arg2[%dma_wait3A_400, %dma_wait3A_401, %dma_wait3A_402] : memref<1000x8x128xf32, #tpu.memory_space<hbm>> -> memref<1000x8x128xf32, #tpu.memory_space<hbm>>
      tpu.wait_indirect_dma semaphore(%arg15 : memref<!tpu.dma_semaphore, #tpu.memory_space<semaphore_mem>>) src(%dma_wait3A_403 : memref<1000x8x128xf32, #tpu.memory_space<hbm>>) dst(%arg12 : memref<32x8x128xf32, #tpu.memory_space<vmem>>)
      %add3A_404 = arith.constant 1 : i32
      %add3A_405 = arith.addi %mul3A_46, %add3A_404 : i32
      %mul3A_406 = arith.constant 32 : i32
      %mul3A_407 = arith.muli %add3A_405, %mul3A_406 : i32
      %add3A_408 = arith.addi %mul3A_407, %add3A : i32
      %mul3A_409 = arith.constant 32 : i32
      %mul3A_410 = arith.muli %add3A_408, %mul3A_409 : i32
      %dma_start3A_411 = arith.constant 0 : i32
      %dma_start3A_412 = arith.constant 0 : i32
      %dma_start3A_413 = arith.constant 0 : i32
      %dma_start3A_414 = tpu.memref_slice %arg12[%dma_start3A_412, %dma_start3A_411, %dma_start3A_413] : memref<32x8x128xf32, #tpu.memory_space<vmem>> -> memref<32x1x128xf32, #tpu.memory_space<vmem>>
      %dma_start3A_415 = tpu.memref_squeeze %dma_start3A_414 : memref<32x1x128xf32, #tpu.memory_space<vmem>> -> memref<32x128xf32, #tpu.memory_space<vmem>>
      %dma_start3A_416 = arith.constant 0 : i32
      %dma_start3A_417 = tpu.memref_slice %arg6[%mul3A_410, %dma_start3A_416] : memref<51200x1024xf32, #tpu.memory_space<hbm>> -> memref<32x128xf32, #tpu.memory_space<hbm>>
      %dma_start3A_418 = arith.constant 0 : i32
      %dma_start3A_419 = tpu.memref_slice %arg6[%mul3A_410, %dma_start3A_418] : memref<51200x1024xf32, #tpu.memory_space<hbm>> -> memref<32x128xf32, #tpu.memory_space<hbm>>
      %dma_start3A_420 = arith.constant 0 : i32
      %dma_start3A_421 = arith.constant 0 : i32
      %dma_start3A_422 = tpu.memref_slice %arg12[%dma_start3A_420, %dma_start3A_411, %dma_start3A_421] : memref<32x8x128xf32, #tpu.memory_space<vmem>> -> memref<32x1x128xf32, #tpu.memory_space<vmem>>
      %dma_start3A_423 = tpu.memref_squeeze %dma_start3A_422 : memref<32x1x128xf32, #tpu.memory_space<vmem>> -> memref<32x128xf32, #tpu.memory_space<vmem>>
      tpu.enqueue_dma source(%dma_start3A_423 : memref<32x128xf32, #tpu.memory_space<vmem>>) target(%dma_start3A_419 : memref<32x128xf32, #tpu.memory_space<hbm>>) target_semaphore(%arg17 : memref<!tpu.dma_semaphore, #tpu.memory_space<semaphore_mem>>)
      %dma_start3A_424 = arith.constant 1 : i32
      %dma_start3A_425 = arith.constant 0 : i32
      %dma_start3A_426 = arith.constant 0 : i32
      %dma_start3A_427 = tpu.memref_slice %arg12[%dma_start3A_425, %dma_start3A_424, %dma_start3A_426] : memref<32x8x128xf32, #tpu.memory_space<vmem>> -> memref<32x1x128xf32, #tpu.memory_space<vmem>>
      %dma_start3A_428 = tpu.memref_squeeze %dma_start3A_427 : memref<32x1x128xf32, #tpu.memory_space<vmem>> -> memref<32x128xf32, #tpu.memory_space<vmem>>
      %dma_start3A_429 = arith.constant 128 : i32
      %dma_start3A_430 = tpu.memref_slice %arg6[%mul3A_410, %dma_start3A_429] : memref<51200x1024xf32, #tpu.memory_space<hbm>> -> memref<32x128xf32, #tpu.memory_space<hbm>>
      %dma_start3A_431 = arith.constant 128 : i32
      %dma_start3A_432 = tpu.memref_slice %arg6[%mul3A_410, %dma_start3A_431] : memref<51200x1024xf32, #tpu.memory_space<hbm>> -> memref<32x128xf32, #tpu.memory_space<hbm>>
      %dma_start3A_433 = arith.constant 0 : i32
      %dma_start3A_434 = arith.constant 0 : i32
      %dma_start3A_435 = tpu.memref_slice %arg12[%dma_start3A_433, %dma_start3A_424, %dma_start3A_434] : memref<32x8x128xf32, #tpu.memory_space<vmem>> -> memref<32x1x128xf32, #tpu.memory_space<vmem>>
      %dma_start3A_436 = tpu.memref_squeeze %dma_start3A_435 : memref<32x1x128xf32, #tpu.memory_space<vmem>> -> memref<32x128xf32, #tpu.memory_space<vmem>>
      tpu.enqueue_dma source(%dma_start3A_436 : memref<32x128xf32, #tpu.memory_space<vmem>>) target(%dma_start3A_432 : memref<32x128xf32, #tpu.memory_space<hbm>>) target_semaphore(%arg17 : memref<!tpu.dma_semaphore, #tpu.memory_space<semaphore_mem>>)
      %dma_start3A_437 = arith.constant 2 : i32
      %dma_start3A_438 = arith.constant 0 : i32
      %dma_start3A_439 = arith.constant 0 : i32
      %dma_start3A_440 = tpu.memref_slice %arg12[%dma_start3A_438, %dma_start3A_437, %dma_start3A_439] : memref<32x8x128xf32, #tpu.memory_space<vmem>> -> memref<32x1x128xf32, #tpu.memory_space<vmem>>
      %dma_start3A_441 = tpu.memref_squeeze %dma_start3A_440 : memref<32x1x128xf32, #tpu.memory_space<vmem>> -> memref<32x128xf32, #tpu.memory_space<vmem>>
      %dma_start3A_442 = arith.constant 256 : i32
      %dma_start3A_443 = tpu.memref_slice %arg6[%mul3A_410, %dma_start3A_442] : memref<51200x1024xf32, #tpu.memory_space<hbm>> -> memref<32x128xf32, #tpu.memory_space<hbm>>
      %dma_start3A_444 = arith.constant 256 : i32
      %dma_start3A_445 = tpu.memref_slice %arg6[%mul3A_410, %dma_start3A_444] : memref<51200x1024xf32, #tpu.memory_space<hbm>> -> memref<32x128xf32, #tpu.memory_space<hbm>>
      %dma_start3A_446 = arith.constant 0 : i32
      %dma_start3A_447 = arith.constant 0 : i32
      %dma_start3A_448 = tpu.memref_slice %arg12[%dma_start3A_446, %dma_start3A_437, %dma_start3A_447] : memref<32x8x128xf32, #tpu.memory_space<vmem>> -> memref<32x1x128xf32, #tpu.memory_space<vmem>>
      %dma_start3A_449 = tpu.memref_squeeze %dma_start3A_448 : memref<32x1x128xf32, #tpu.memory_space<vmem>> -> memref<32x128xf32, #tpu.memory_space<vmem>>
      tpu.enqueue_dma source(%dma_start3A_449 : memref<32x128xf32, #tpu.memory_space<vmem>>) target(%dma_start3A_445 : memref<32x128xf32, #tpu.memory_space<hbm>>) target_semaphore(%arg17 : memref<!tpu.dma_semaphore, #tpu.memory_space<semaphore_mem>>)
      %dma_start3A_450 = arith.constant 3 : i32
      %dma_start3A_451 = arith.constant 0 : i32
      %dma_start3A_452 = arith.constant 0 : i32
      %dma_start3A_453 = tpu.memref_slice %arg12[%dma_start3A_451, %dma_start3A_450, %dma_start3A_452] : memref<32x8x128xf32, #tpu.memory_space<vmem>> -> memref<32x1x128xf32, #tpu.memory_space<vmem>>
      %dma_start3A_454 = tpu.memref_squeeze %dma_start3A_453 : memref<32x1x128xf32, #tpu.memory_space<vmem>> -> memref<32x128xf32, #tpu.memory_space<vmem>>
      %dma_start3A_455 = arith.constant 384 : i32
      %dma_start3A_456 = tpu.memref_slice %arg6[%mul3A_410, %dma_start3A_455] : memref<51200x1024xf32, #tpu.memory_space<hbm>> -> memref<32x128xf32, #tpu.memory_space<hbm>>
      %dma_start3A_457 = arith.constant 384 : i32
      %dma_start3A_458 = tpu.memref_slice %arg6[%mul3A_410, %dma_start3A_457] : memref<51200x1024xf32, #tpu.memory_space<hbm>> -> memref<32x128xf32, #tpu.memory_space<hbm>>
      %dma_start3A_459 = arith.constant 0 : i32
      %dma_start3A_460 = arith.constant 0 : i32
      %dma_start3A_461 = tpu.memref_slice %arg12[%dma_start3A_459, %dma_start3A_450, %dma_start3A_460] : memref<32x8x128xf32, #tpu.memory_space<vmem>> -> memref<32x1x128xf32, #tpu.memory_space<vmem>>
      %dma_start3A_462 = tpu.memref_squeeze %dma_start3A_461 : memref<32x1x128xf32, #tpu.memory_space<vmem>> -> memref<32x128xf32, #tpu.memory_space<vmem>>
      tpu.enqueue_dma source(%dma_start3A_462 : memref<32x128xf32, #tpu.memory_space<vmem>>) target(%dma_start3A_458 : memref<32x128xf32, #tpu.memory_space<hbm>>) target_semaphore(%arg17 : memref<!tpu.dma_semaphore, #tpu.memory_space<semaphore_mem>>)
      %dma_start3A_463 = arith.constant 4 : i32
      %dma_start3A_464 = arith.constant 0 : i32
      %dma_start3A_465 = arith.constant 0 : i32
      %dma_start3A_466 = tpu.memref_slice %arg12[%dma_start3A_464, %dma_start3A_463, %dma_start3A_465] : memref<32x8x128xf32, #tpu.memory_space<vmem>> -> memref<32x1x128xf32, #tpu.memory_space<vmem>>
      %dma_start3A_467 = tpu.memref_squeeze %dma_start3A_466 : memref<32x1x128xf32, #tpu.memory_space<vmem>> -> memref<32x128xf32, #tpu.memory_space<vmem>>
      %dma_start3A_468 = arith.constant 512 : i32
      %dma_start3A_469 = tpu.memref_slice %arg6[%mul3A_410, %dma_start3A_468] : memref<51200x1024xf32, #tpu.memory_space<hbm>> -> memref<32x128xf32, #tpu.memory_space<hbm>>
      %dma_start3A_470 = arith.constant 512 : i32
      %dma_start3A_471 = tpu.memref_slice %arg6[%mul3A_410, %dma_start3A_470] : memref<51200x1024xf32, #tpu.memory_space<hbm>> -> memref<32x128xf32, #tpu.memory_space<hbm>>
      %dma_start3A_472 = arith.constant 0 : i32
      %dma_start3A_473 = arith.constant 0 : i32
      %dma_start3A_474 = tpu.memref_slice %arg12[%dma_start3A_472, %dma_start3A_463, %dma_start3A_473] : memref<32x8x128xf32, #tpu.memory_space<vmem>> -> memref<32x1x128xf32, #tpu.memory_space<vmem>>
      %dma_start3A_475 = tpu.memref_squeeze %dma_start3A_474 : memref<32x1x128xf32, #tpu.memory_space<vmem>> -> memref<32x128xf32, #tpu.memory_space<vmem>>
      tpu.enqueue_dma source(%dma_start3A_475 : memref<32x128xf32, #tpu.memory_space<vmem>>) target(%dma_start3A_471 : memref<32x128xf32, #tpu.memory_space<hbm>>) target_semaphore(%arg17 : memref<!tpu.dma_semaphore, #tpu.memory_space<semaphore_mem>>)
      %dma_start3A_476 = arith.constant 5 : i32
      %dma_start3A_477 = arith.constant 0 : i32
      %dma_start3A_478 = arith.constant 0 : i32
      %dma_start3A_479 = tpu.memref_slice %arg12[%dma_start3A_477, %dma_start3A_476, %dma_start3A_478] : memref<32x8x128xf32, #tpu.memory_space<vmem>> -> memref<32x1x128xf32, #tpu.memory_space<vmem>>
      %dma_start3A_480 = tpu.memref_squeeze %dma_start3A_479 : memref<32x1x128xf32, #tpu.memory_space<vmem>> -> memref<32x128xf32, #tpu.memory_space<vmem>>
      %dma_start3A_481 = arith.constant 640 : i32
      %dma_start3A_482 = tpu.memref_slice %arg6[%mul3A_410, %dma_start3A_481] : memref<51200x1024xf32, #tpu.memory_space<hbm>> -> memref<32x128xf32, #tpu.memory_space<hbm>>
      %dma_start3A_483 = arith.constant 640 : i32
      %dma_start3A_484 = tpu.memref_slice %arg6[%mul3A_410, %dma_start3A_483] : memref<51200x1024xf32, #tpu.memory_space<hbm>> -> memref<32x128xf32, #tpu.memory_space<hbm>>
      %dma_start3A_485 = arith.constant 0 : i32
      %dma_start3A_486 = arith.constant 0 : i32
      %dma_start3A_487 = tpu.memref_slice %arg12[%dma_start3A_485, %dma_start3A_476, %dma_start3A_486] : memref<32x8x128xf32, #tpu.memory_space<vmem>> -> memref<32x1x128xf32, #tpu.memory_space<vmem>>
      %dma_start3A_488 = tpu.memref_squeeze %dma_start3A_487 : memref<32x1x128xf32, #tpu.memory_space<vmem>> -> memref<32x128xf32, #tpu.memory_space<vmem>>
      tpu.enqueue_dma source(%dma_start3A_488 : memref<32x128xf32, #tpu.memory_space<vmem>>) target(%dma_start3A_484 : memref<32x128xf32, #tpu.memory_space<hbm>>) target_semaphore(%arg17 : memref<!tpu.dma_semaphore, #tpu.memory_space<semaphore_mem>>)
      %dma_start3A_489 = arith.constant 6 : i32
      %dma_start3A_490 = arith.constant 0 : i32
      %dma_start3A_491 = arith.constant 0 : i32
      %dma_start3A_492 = tpu.memref_slice %arg12[%dma_start3A_490, %dma_start3A_489, %dma_start3A_491] : memref<32x8x128xf32, #tpu.memory_space<vmem>> -> memref<32x1x128xf32, #tpu.memory_space<vmem>>
      %dma_start3A_493 = tpu.memref_squeeze %dma_start3A_492 : memref<32x1x128xf32, #tpu.memory_space<vmem>> -> memref<32x128xf32, #tpu.memory_space<vmem>>
      %dma_start3A_494 = arith.constant 768 : i32
      %dma_start3A_495 = tpu.memref_slice %arg6[%mul3A_410, %dma_start3A_494] : memref<51200x1024xf32, #tpu.memory_space<hbm>> -> memref<32x128xf32, #tpu.memory_space<hbm>>
      %dma_start3A_496 = arith.constant 768 : i32
      %dma_start3A_497 = tpu.memref_slice %arg6[%mul3A_410, %dma_start3A_496] : memref<51200x1024xf32, #tpu.memory_space<hbm>> -> memref<32x128xf32, #tpu.memory_space<hbm>>
      %dma_start3A_498 = arith.constant 0 : i32
      %dma_start3A_499 = arith.constant 0 : i32
      %dma_start3A_500 = tpu.memref_slice %arg12[%dma_start3A_498, %dma_start3A_489, %dma_start3A_499] : memref<32x8x128xf32, #tpu.memory_space<vmem>> -> memref<32x1x128xf32, #tpu.memory_space<vmem>>
      %dma_start3A_501 = tpu.memref_squeeze %dma_start3A_500 : memref<32x1x128xf32, #tpu.memory_space<vmem>> -> memref<32x128xf32, #tpu.memory_space<vmem>>
      tpu.enqueue_dma source(%dma_start3A_501 : memref<32x128xf32, #tpu.memory_space<vmem>>) target(%dma_start3A_497 : memref<32x128xf32, #tpu.memory_space<hbm>>) target_semaphore(%arg17 : memref<!tpu.dma_semaphore, #tpu.memory_space<semaphore_mem>>)
      %dma_start3A_502 = arith.constant 7 : i32
      %dma_start3A_503 = arith.constant 0 : i32
      %dma_start3A_504 = arith.constant 0 : i32
      %dma_start3A_505 = tpu.memref_slice %arg12[%dma_start3A_503, %dma_start3A_502, %dma_start3A_504] : memref<32x8x128xf32, #tpu.memory_space<vmem>> -> memref<32x1x128xf32, #tpu.memory_space<vmem>>
      %dma_start3A_506 = tpu.memref_squeeze %dma_start3A_505 : memref<32x1x128xf32, #tpu.memory_space<vmem>> -> memref<32x128xf32, #tpu.memory_space<vmem>>
      %dma_start3A_507 = arith.constant 896 : i32
      %dma_start3A_508 = tpu.memref_slice %arg6[%mul3A_410, %dma_start3A_507] : memref<51200x1024xf32, #tpu.memory_space<hbm>> -> memref<32x128xf32, #tpu.memory_space<hbm>>
      %dma_start3A_509 = arith.constant 896 : i32
      %dma_start3A_510 = tpu.memref_slice %arg6[%mul3A_410, %dma_start3A_509] : memref<51200x1024xf32, #tpu.memory_space<hbm>> -> memref<32x128xf32, #tpu.memory_space<hbm>>
      %dma_start3A_511 = arith.constant 0 : i32
      %dma_start3A_512 = arith.constant 0 : i32
      %dma_start3A_513 = tpu.memref_slice %arg12[%dma_start3A_511, %dma_start3A_502, %dma_start3A_512] : memref<32x8x128xf32, #tpu.memory_space<vmem>> -> memref<32x1x128xf32, #tpu.memory_space<vmem>>
      %dma_start3A_514 = tpu.memref_squeeze %dma_start3A_513 : memref<32x1x128xf32, #tpu.memory_space<vmem>> -> memref<32x128xf32, #tpu.memory_space<vmem>>
      tpu.enqueue_dma source(%dma_start3A_514 : memref<32x128xf32, #tpu.memory_space<vmem>>) target(%dma_start3A_510 : memref<32x128xf32, #tpu.memory_space<hbm>>) target_semaphore(%arg17 : memref<!tpu.dma_semaphore, #tpu.memory_space<semaphore_mem>>)
      %dma_wait3A_515 = arith.constant 0 : i32
      %dma_wait3A_516 = arith.constant 0 : i32
      %dma_wait3A_517 = arith.constant 0 : i32
      %dma_wait3A_518 = tpu.memref_slice %arg11[%dma_wait3A_516, %dma_wait3A_515, %dma_wait3A_517] : memref<32x8x128xf32, #tpu.memory_space<vmem>> -> memref<32x1x128xf32, #tpu.memory_space<vmem>>
      %dma_wait3A_519 = tpu.memref_squeeze %dma_wait3A_518 : memref<32x1x128xf32, #tpu.memory_space<vmem>> -> memref<32x128xf32, #tpu.memory_space<vmem>>
      %dma_wait3A_520 = arith.constant 0 : i32
      %dma_wait3A_521 = tpu.memref_slice %arg6[%mul3A_66, %dma_wait3A_520] : memref<51200x1024xf32, #tpu.memory_space<hbm>> -> memref<32x128xf32, #tpu.memory_space<hbm>>
      %dma_wait3A_522 = arith.constant 0 : i32
      %dma_wait3A_523 = tpu.memref_slice %arg6[%mul3A_66, %dma_wait3A_522] : memref<51200x1024xf32, #tpu.memory_space<hbm>> -> memref<32x128xf32, #tpu.memory_space<hbm>>
      %dma_wait3A_524 = arith.constant 0 : i32
      %dma_wait3A_525 = arith.constant 0 : i32
      %dma_wait3A_526 = tpu.memref_slice %arg11[%dma_wait3A_524, %dma_wait3A_515, %dma_wait3A_525] : memref<32x8x128xf32, #tpu.memory_space<vmem>> -> memref<32x1x128xf32, #tpu.memory_space<vmem>>
      %dma_wait3A_527 = tpu.memref_squeeze %dma_wait3A_526 : memref<32x1x128xf32, #tpu.memory_space<vmem>> -> memref<32x128xf32, #tpu.memory_space<vmem>>
      tpu.wait_dma2 semaphore(%arg16 : memref<!tpu.dma_semaphore, #tpu.memory_space<semaphore_mem>>) src(%dma_wait3A_527 : memref<32x128xf32, #tpu.memory_space<vmem>>) dst(%dma_wait3A_523 : memref<32x128xf32, #tpu.memory_space<hbm>>)
      %dma_wait3A_528 = arith.constant 1 : i32
      %dma_wait3A_529 = arith.constant 0 : i32
      %dma_wait3A_530 = arith.constant 0 : i32
      %dma_wait3A_531 = tpu.memref_slice %arg11[%dma_wait3A_529, %dma_wait3A_528, %dma_wait3A_530] : memref<32x8x128xf32, #tpu.memory_space<vmem>> -> memref<32x1x128xf32, #tpu.memory_space<vmem>>
      %dma_wait3A_532 = tpu.memref_squeeze %dma_wait3A_531 : memref<32x1x128xf32, #tpu.memory_space<vmem>> -> memref<32x128xf32, #tpu.memory_space<vmem>>
      %dma_wait3A_533 = arith.constant 128 : i32
      %dma_wait3A_534 = tpu.memref_slice %arg6[%mul3A_66, %dma_wait3A_533] : memref<51200x1024xf32, #tpu.memory_space<hbm>> -> memref<32x128xf32, #tpu.memory_space<hbm>>
      %dma_wait3A_535 = arith.constant 128 : i32
      %dma_wait3A_536 = tpu.memref_slice %arg6[%mul3A_66, %dma_wait3A_535] : memref<51200x1024xf32, #tpu.memory_space<hbm>> -> memref<32x128xf32, #tpu.memory_space<hbm>>
      %dma_wait3A_537 = arith.constant 0 : i32
      %dma_wait3A_538 = arith.constant 0 : i32
      %dma_wait3A_539 = tpu.memref_slice %arg11[%dma_wait3A_537, %dma_wait3A_528, %dma_wait3A_538] : memref<32x8x128xf32, #tpu.memory_space<vmem>> -> memref<32x1x128xf32, #tpu.memory_space<vmem>>
      %dma_wait3A_540 = tpu.memref_squeeze %dma_wait3A_539 : memref<32x1x128xf32, #tpu.memory_space<vmem>> -> memref<32x128xf32, #tpu.memory_space<vmem>>
      tpu.wait_dma2 semaphore(%arg16 : memref<!tpu.dma_semaphore, #tpu.memory_space<semaphore_mem>>) src(%dma_wait3A_540 : memref<32x128xf32, #tpu.memory_space<vmem>>) dst(%dma_wait3A_536 : memref<32x128xf32, #tpu.memory_space<hbm>>)
      %dma_wait3A_541 = arith.constant 2 : i32
      %dma_wait3A_542 = arith.constant 0 : i32
      %dma_wait3A_543 = arith.constant 0 : i32
      %dma_wait3A_544 = tpu.memref_slice %arg11[%dma_wait3A_542, %dma_wait3A_541, %dma_wait3A_543] : memref<32x8x128xf32, #tpu.memory_space<vmem>> -> memref<32x1x128xf32, #tpu.memory_space<vmem>>
      %dma_wait3A_545 = tpu.memref_squeeze %dma_wait3A_544 : memref<32x1x128xf32, #tpu.memory_space<vmem>> -> memref<32x128xf32, #tpu.memory_space<vmem>>
      %dma_wait3A_546 = arith.constant 256 : i32
      %dma_wait3A_547 = tpu.memref_slice %arg6[%mul3A_66, %dma_wait3A_546] : memref<51200x1024xf32, #tpu.memory_space<hbm>> -> memref<32x128xf32, #tpu.memory_space<hbm>>
      %dma_wait3A_548 = arith.constant 256 : i32
      %dma_wait3A_549 = tpu.memref_slice %arg6[%mul3A_66, %dma_wait3A_548] : memref<51200x1024xf32, #tpu.memory_space<hbm>> -> memref<32x128xf32, #tpu.memory_space<hbm>>
      %dma_wait3A_550 = arith.constant 0 : i32
      %dma_wait3A_551 = arith.constant 0 : i32
      %dma_wait3A_552 = tpu.memref_slice %arg11[%dma_wait3A_550, %dma_wait3A_541, %dma_wait3A_551] : memref<32x8x128xf32, #tpu.memory_space<vmem>> -> memref<32x1x128xf32, #tpu.memory_space<vmem>>
      %dma_wait3A_553 = tpu.memref_squeeze %dma_wait3A_552 : memref<32x1x128xf32, #tpu.memory_space<vmem>> -> memref<32x128xf32, #tpu.memory_space<vmem>>
      tpu.wait_dma2 semaphore(%arg16 : memref<!tpu.dma_semaphore, #tpu.memory_space<semaphore_mem>>) src(%dma_wait3A_553 : memref<32x128xf32, #tpu.memory_space<vmem>>) dst(%dma_wait3A_549 : memref<32x128xf32, #tpu.memory_space<hbm>>)
      %dma_wait3A_554 = arith.constant 3 : i32
      %dma_wait3A_555 = arith.constant 0 : i32
      %dma_wait3A_556 = arith.constant 0 : i32
      %dma_wait3A_557 = tpu.memref_slice %arg11[%dma_wait3A_555, %dma_wait3A_554, %dma_wait3A_556] : memref<32x8x128xf32, #tpu.memory_space<vmem>> -> memref<32x1x128xf32, #tpu.memory_space<vmem>>
      %dma_wait3A_558 = tpu.memref_squeeze %dma_wait3A_557 : memref<32x1x128xf32, #tpu.memory_space<vmem>> -> memref<32x128xf32, #tpu.memory_space<vmem>>
      %dma_wait3A_559 = arith.constant 384 : i32
      %dma_wait3A_560 = tpu.memref_slice %arg6[%mul3A_66, %dma_wait3A_559] : memref<51200x1024xf32, #tpu.memory_space<hbm>> -> memref<32x128xf32, #tpu.memory_space<hbm>>
      %dma_wait3A_561 = arith.constant 384 : i32
      %dma_wait3A_562 = tpu.memref_slice %arg6[%mul3A_66, %dma_wait3A_561] : memref<51200x1024xf32, #tpu.memory_space<hbm>> -> memref<32x128xf32, #tpu.memory_space<hbm>>
      %dma_wait3A_563 = arith.constant 0 : i32
      %dma_wait3A_564 = arith.constant 0 : i32
      %dma_wait3A_565 = tpu.memref_slice %arg11[%dma_wait3A_563, %dma_wait3A_554, %dma_wait3A_564] : memref<32x8x128xf32, #tpu.memory_space<vmem>> -> memref<32x1x128xf32, #tpu.memory_space<vmem>>
      %dma_wait3A_566 = tpu.memref_squeeze %dma_wait3A_565 : memref<32x1x128xf32, #tpu.memory_space<vmem>> -> memref<32x128xf32, #tpu.memory_space<vmem>>
      tpu.wait_dma2 semaphore(%arg16 : memref<!tpu.dma_semaphore, #tpu.memory_space<semaphore_mem>>) src(%dma_wait3A_566 : memref<32x128xf32, #tpu.memory_space<vmem>>) dst(%dma_wait3A_562 : memref<32x128xf32, #tpu.memory_space<hbm>>)
      %dma_wait3A_567 = arith.constant 4 : i32
      %dma_wait3A_568 = arith.constant 0 : i32
      %dma_wait3A_569 = arith.constant 0 : i32
      %dma_wait3A_570 = tpu.memref_slice %arg11[%dma_wait3A_568, %dma_wait3A_567, %dma_wait3A_569] : memref<32x8x128xf32, #tpu.memory_space<vmem>> -> memref<32x1x128xf32, #tpu.memory_space<vmem>>
      %dma_wait3A_571 = tpu.memref_squeeze %dma_wait3A_570 : memref<32x1x128xf32, #tpu.memory_space<vmem>> -> memref<32x128xf32, #tpu.memory_space<vmem>>
      %dma_wait3A_572 = arith.constant 512 : i32
      %dma_wait3A_573 = tpu.memref_slice %arg6[%mul3A_66, %dma_wait3A_572] : memref<51200x1024xf32, #tpu.memory_space<hbm>> -> memref<32x128xf32, #tpu.memory_space<hbm>>
      %dma_wait3A_574 = arith.constant 512 : i32
      %dma_wait3A_575 = tpu.memref_slice %arg6[%mul3A_66, %dma_wait3A_574] : memref<51200x1024xf32, #tpu.memory_space<hbm>> -> memref<32x128xf32, #tpu.memory_space<hbm>>
      %dma_wait3A_576 = arith.constant 0 : i32
      %dma_wait3A_577 = arith.constant 0 : i32
      %dma_wait3A_578 = tpu.memref_slice %arg11[%dma_wait3A_576, %dma_wait3A_567, %dma_wait3A_577] : memref<32x8x128xf32, #tpu.memory_space<vmem>> -> memref<32x1x128xf32, #tpu.memory_space<vmem>>
      %dma_wait3A_579 = tpu.memref_squeeze %dma_wait3A_578 : memref<32x1x128xf32, #tpu.memory_space<vmem>> -> memref<32x128xf32, #tpu.memory_space<vmem>>
      tpu.wait_dma2 semaphore(%arg16 : memref<!tpu.dma_semaphore, #tpu.memory_space<semaphore_mem>>) src(%dma_wait3A_579 : memref<32x128xf32, #tpu.memory_space<vmem>>) dst(%dma_wait3A_575 : memref<32x128xf32, #tpu.memory_space<hbm>>)
      %dma_wait3A_580 = arith.constant 5 : i32
      %dma_wait3A_581 = arith.constant 0 : i32
      %dma_wait3A_582 = arith.constant 0 : i32
      %dma_wait3A_583 = tpu.memref_slice %arg11[%dma_wait3A_581, %dma_wait3A_580, %dma_wait3A_582] : memref<32x8x128xf32, #tpu.memory_space<vmem>> -> memref<32x1x128xf32, #tpu.memory_space<vmem>>
      %dma_wait3A_584 = tpu.memref_squeeze %dma_wait3A_583 : memref<32x1x128xf32, #tpu.memory_space<vmem>> -> memref<32x128xf32, #tpu.memory_space<vmem>>
      %dma_wait3A_585 = arith.constant 640 : i32
      %dma_wait3A_586 = tpu.memref_slice %arg6[%mul3A_66, %dma_wait3A_585] : memref<51200x1024xf32, #tpu.memory_space<hbm>> -> memref<32x128xf32, #tpu.memory_space<hbm>>
      %dma_wait3A_587 = arith.constant 640 : i32
      %dma_wait3A_588 = tpu.memref_slice %arg6[%mul3A_66, %dma_wait3A_587] : memref<51200x1024xf32, #tpu.memory_space<hbm>> -> memref<32x128xf32, #tpu.memory_space<hbm>>
      %dma_wait3A_589 = arith.constant 0 : i32
      %dma_wait3A_590 = arith.constant 0 : i32
      %dma_wait3A_591 = tpu.memref_slice %arg11[%dma_wait3A_589, %dma_wait3A_580, %dma_wait3A_590] : memref<32x8x128xf32, #tpu.memory_space<vmem>> -> memref<32x1x128xf32, #tpu.memory_space<vmem>>
      %dma_wait3A_592 = tpu.memref_squeeze %dma_wait3A_591 : memref<32x1x128xf32, #tpu.memory_space<vmem>> -> memref<32x128xf32, #tpu.memory_space<vmem>>
      tpu.wait_dma2 semaphore(%arg16 : memref<!tpu.dma_semaphore, #tpu.memory_space<semaphore_mem>>) src(%dma_wait3A_592 : memref<32x128xf32, #tpu.memory_space<vmem>>) dst(%dma_wait3A_588 : memref<32x128xf32, #tpu.memory_space<hbm>>)
      %dma_wait3A_593 = arith.constant 6 : i32
      %dma_wait3A_594 = arith.constant 0 : i32
      %dma_wait3A_595 = arith.constant 0 : i32
      %dma_wait3A_596 = tpu.memref_slice %arg11[%dma_wait3A_594, %dma_wait3A_593, %dma_wait3A_595] : memref<32x8x128xf32, #tpu.memory_space<vmem>> -> memref<32x1x128xf32, #tpu.memory_space<vmem>>
      %dma_wait3A_597 = tpu.memref_squeeze %dma_wait3A_596 : memref<32x1x128xf32, #tpu.memory_space<vmem>> -> memref<32x128xf32, #tpu.memory_space<vmem>>
      %dma_wait3A_598 = arith.constant 768 : i32
      %dma_wait3A_599 = tpu.memref_slice %arg6[%mul3A_66, %dma_wait3A_598] : memref<51200x1024xf32, #tpu.memory_space<hbm>> -> memref<32x128xf32, #tpu.memory_space<hbm>>
      %dma_wait3A_600 = arith.constant 768 : i32
      %dma_wait3A_601 = tpu.memref_slice %arg6[%mul3A_66, %dma_wait3A_600] : memref<51200x1024xf32, #tpu.memory_space<hbm>> -> memref<32x128xf32, #tpu.memory_space<hbm>>
      %dma_wait3A_602 = arith.constant 0 : i32
      %dma_wait3A_603 = arith.constant 0 : i32
      %dma_wait3A_604 = tpu.memref_slice %arg11[%dma_wait3A_602, %dma_wait3A_593, %dma_wait3A_603] : memref<32x8x128xf32, #tpu.memory_space<vmem>> -> memref<32x1x128xf32, #tpu.memory_space<vmem>>
      %dma_wait3A_605 = tpu.memref_squeeze %dma_wait3A_604 : memref<32x1x128xf32, #tpu.memory_space<vmem>> -> memref<32x128xf32, #tpu.memory_space<vmem>>
      tpu.wait_dma2 semaphore(%arg16 : memref<!tpu.dma_semaphore, #tpu.memory_space<semaphore_mem>>) src(%dma_wait3A_605 : memref<32x128xf32, #tpu.memory_space<vmem>>) dst(%dma_wait3A_601 : memref<32x128xf32, #tpu.memory_space<hbm>>)
      %dma_wait3A_606 = arith.constant 7 : i32
      %dma_wait3A_607 = arith.constant 0 : i32
      %dma_wait3A_608 = arith.constant 0 : i32
      %dma_wait3A_609 = tpu.memref_slice %arg11[%dma_wait3A_607, %dma_wait3A_606, %dma_wait3A_608] : memref<32x8x128xf32, #tpu.memory_space<vmem>> -> memref<32x1x128xf32, #tpu.memory_space<vmem>>
      %dma_wait3A_610 = tpu.memref_squeeze %dma_wait3A_609 : memref<32x1x128xf32, #tpu.memory_space<vmem>> -> memref<32x128xf32, #tpu.memory_space<vmem>>
      %dma_wait3A_611 = arith.constant 896 : i32
      %dma_wait3A_612 = tpu.memref_slice %arg6[%mul3A_66, %dma_wait3A_611] : memref<51200x1024xf32, #tpu.memory_space<hbm>> -> memref<32x128xf32, #tpu.memory_space<hbm>>
      %dma_wait3A_613 = arith.constant 896 : i32
      %dma_wait3A_614 = tpu.memref_slice %arg6[%mul3A_66, %dma_wait3A_613] : memref<51200x1024xf32, #tpu.memory_space<hbm>> -> memref<32x128xf32, #tpu.memory_space<hbm>>
      %dma_wait3A_615 = arith.constant 0 : i32
      %dma_wait3A_616 = arith.constant 0 : i32
      %dma_wait3A_617 = tpu.memref_slice %arg11[%dma_wait3A_615, %dma_wait3A_606, %dma_wait3A_616] : memref<32x8x128xf32, #tpu.memory_space<vmem>> -> memref<32x1x128xf32, #tpu.memory_space<vmem>>
      %dma_wait3A_618 = tpu.memref_squeeze %dma_wait3A_617 : memref<32x1x128xf32, #tpu.memory_space<vmem>> -> memref<32x128xf32, #tpu.memory_space<vmem>>
      tpu.wait_dma2 semaphore(%arg16 : memref<!tpu.dma_semaphore, #tpu.memory_space<semaphore_mem>>) src(%dma_wait3A_618 : memref<32x128xf32, #tpu.memory_space<vmem>>) dst(%dma_wait3A_614 : memref<32x128xf32, #tpu.memory_space<hbm>>)
      %add3A_619 = arith.constant 1 : i32
      %add3A_620 = arith.addi %scan3A_43, %add3A_619 : i32
      %lt3A_621 = arith.constant 25 : i32
      %lt3A_622 = arith.cmpi slt, %add3A_620, %lt3A_621 : i32
      %convert_element_type3A = arith.extui %lt3A_622 : i1 to i32
      %cond3A = arith.constant 0 : i32
      %cond3A_623 = arith.cmpi ne, %convert_element_type3A, %cond3A : i32
      scf.if %cond3A_623 {
        %add3A_968 = arith.constant 2 : i32
        %add3A_969 = arith.addi %mul3A_46, %add3A_968 : i32
        %dma_start3A_970 = arith.constant 0 : i32
        %dma_start3A_971 = tpu.memref_slice %arg8[%add3A_969, %dma_start3A_970] : memref<50x32xi32, #tpu.memory_space<vmem>> -> memref<1x32xi32, #tpu.memory_space<vmem>>
        %dma_start3A_972 = tpu.memref_squeeze %dma_start3A_971 : memref<1x32xi32, #tpu.memory_space<vmem>> -> memref<32xi32, #tpu.memory_space<vmem>>
        %dma_start3A_973 = arith.constant 0 : i32
        %dma_start3A_974 = arith.constant 0 : i32
        %dma_start3A_975 = arith.constant 0 : i32
        %dma_start3A_976 = tpu.memref_slice %arg2[%dma_start3A_973, %dma_start3A_974, %dma_start3A_975] : memref<1000x8x128xf32, #tpu.memory_space<hbm>> -> memref<1000x8x128xf32, #tpu.memory_space<hbm>>
        tpu.enqueue_indirect_dma source(%dma_start3A_976 : memref<1000x8x128xf32, #tpu.memory_space<hbm>>) target(%arg11 : memref<32x8x128xf32, #tpu.memory_space<vmem>>) offsets(%dma_start3A_972 : memref<32xi32, #tpu.memory_space<vmem>>) semaphore(%arg14 : memref<!tpu.dma_semaphore, #tpu.memory_space<semaphore_mem>>)
      } else {
      }
      %add3A_624 = arith.constant 1 : i32
      %add3A_625 = arith.addi %mul3A_46, %add3A_624 : i32
      %get3A_626 = arith.index_cast %add3A_625 : i32 to index
      %get3A_627 = arith.constant 0 : index
      %get3A_628 = tpu.vector_load %arg8[%get3A_626, %get3A_627] {strides = array<i32>} : memref<50x32xi32, #tpu.memory_space<vmem>>, vector<16xi32>,
      %get3A_629 = arith.index_cast %add3A_625 : i32 to index
      %get3A_630 = arith.constant 0 : index
      %get3A_631 = tpu.vector_load %arg9[%get3A_629, %get3A_630] {strides = array<i32>} : memref<50x32xi32, #tpu.memory_space<vmem>>, vector<16xi32>,
      %jit3A_632 = arith.constant 128 : i32
      %div3A_633 = vector.broadcast %jit3A_632 : i32 to vector<16xi32>
      %div3A_634 = arith.divsi %get3A_628, %div3A_633 : vector<16xi32>
      %sign3A_635 = arith.constant 0 : i32
      %sign3A_636 = vector.broadcast %sign3A_635 : i32 to vector<16xi32>
      %sign3A_637 = arith.cmpi sgt, %get3A_628, %sign3A_636 : vector<16xi32>
      %sign3A_638 = arith.extui %sign3A_637 : vector<16xi1> to vector<16xi32>
      %sign3A_639 = arith.constant 0 : i32
      %sign3A_640 = vector.broadcast %sign3A_639 : i32 to vector<16xi32>
      %sign3A_641 = arith.cmpi slt, %get3A_628, %sign3A_640 : vector<16xi32>
      %sign3A_642 = arith.extui %sign3A_641 : vector<16xi1> to vector<16xi32>
      %sign3A_643 = arith.subi %sign3A_638, %sign3A_642 : vector<16xi32>
      %sign3A_644 = arith.constant 0 : i32
      %sign3A_645 = arith.cmpi sgt, %jit3A_632, %sign3A_644 : i32
      %sign3A_646 = arith.extui %sign3A_645 : i1 to i32
      %sign3A_647 = arith.constant 0 : i32
      %sign3A_648 = arith.cmpi slt, %jit3A_632, %sign3A_647 : i32
      %sign3A_649 = arith.extui %sign3A_648 : i1 to i32
      %sign3A_650 = arith.subi %sign3A_646, %sign3A_649 : i32
      %ne3A_651 = vector.broadcast %sign3A_650 : i32 to vector<16xi32>
      %ne3A_652 = arith.cmpi ne, %sign3A_643, %ne3A_651 : vector<16xi32>
      %rem3A_653 = vector.broadcast %jit3A_632 : i32 to vector<16xi32>
      %rem3A_654 = arith.remsi %get3A_628, %rem3A_653 : vector<16xi32>
      %ne3A_655 = arith.constant 0 : i32
      %ne3A_656 = vector.broadcast %ne3A_655 : i32 to vector<16xi32>
      %ne3A_657 = arith.cmpi ne, %rem3A_654, %ne3A_656 : vector<16xi32>
      %and3A_658 = arith.andi %ne3A_652, %ne3A_657 : vector<16xi1>
      %sub3A_659 = arith.constant 1 : i32
      %sub3A_660 = vector.broadcast %sub3A_659 : i32 to vector<16xi32>
      %sub3A_661 = arith.subi %div3A_634, %sub3A_660 : vector<16xi32>
      %select_n3A_662 = arith.select %and3A_658, %sub3A_661, %div3A_634 : vector<16xi1>, vector<16xi32>
      %jit3A_663 = arith.constant 128 : i32
      %eq3A_664 = arith.constant 0 : i32
      %eq3A_665 = arith.cmpi eq, %jit3A_663, %eq3A_664 : i32
      %jit3A_666 = arith.constant 1 : i32
      %select_n3A_667 = arith.select %eq3A_665, %jit3A_666, %jit3A_663 : i32
      %rem3A_668 = vector.broadcast %select_n3A_667 : i32 to vector<16xi32>
      %rem3A_669 = arith.remsi %get3A_628, %rem3A_668 : vector<16xi32>
      %ne3A_670 = arith.constant 0 : i32
      %ne3A_671 = vector.broadcast %ne3A_670 : i32 to vector<16xi32>
      %ne3A_672 = arith.cmpi ne, %rem3A_669, %ne3A_671 : vector<16xi32>
      %lt3A_673 = arith.constant 0 : i32
      %lt3A_674 = vector.broadcast %lt3A_673 : i32 to vector<16xi32>
      %lt3A_675 = arith.cmpi slt, %rem3A_669, %lt3A_674 : vector<16xi32>
      %lt3A_676 = arith.constant 0 : i32
      %lt3A_677 = arith.cmpi slt, %select_n3A_667, %lt3A_676 : i32
      %ne3A_678 = vector.broadcast %lt3A_677 : i1 to vector<16xi1>
      %ne3A_679 = vector.broadcast %ne3A_678 : vector<16xi1> to vector<16xi1>
      %ne3A_680 = arith.xori %lt3A_675, %ne3A_679 : vector<16xi1>
      %and3A_681 = arith.andi %ne3A_680, %ne3A_672 : vector<16xi1>
      %add3A_682 = vector.broadcast %select_n3A_667 : i32 to vector<16xi32>
      %add3A_683 = arith.addi %rem3A_669, %add3A_682 : vector<16xi32>
      %select_n3A_684 = arith.select %and3A_681, %add3A_683, %rem3A_669 : vector<16xi1>, vector<16xi32>
      %gather3A_685 = tpu.vector_load_idx %arg10[%select_n3A_662, %select_n3A_684] : memref<8x128xf32, #tpu.memory_space<vmem>>[vector<16xi32>, vector<16xi32>], vector<16xf32>,
      %add3A_686 = arith.constant 0 : i32
      %add3A_687 = vector.broadcast %add3A_686 : i32 to vector<16xi32>
      %add3A_688 = arith.addi %add3A_687, %iota3A : vector<16xi32>
      %jit3A_689 = arith.constant 128 : i32
      %div3A_690 = vector.broadcast %jit3A_689 : i32 to vector<16xi32>
      %div3A_691 = arith.divsi %get3A_631, %div3A_690 : vector<16xi32>
      %sign3A_692 = arith.constant 0 : i32
      %sign3A_693 = vector.broadcast %sign3A_692 : i32 to vector<16xi32>
      %sign3A_694 = arith.cmpi sgt, %get3A_631, %sign3A_693 : vector<16xi32>
      %sign3A_695 = arith.extui %sign3A_694 : vector<16xi1> to vector<16xi32>
      %sign3A_696 = arith.constant 0 : i32
      %sign3A_697 = vector.broadcast %sign3A_696 : i32 to vector<16xi32>
      %sign3A_698 = arith.cmpi slt, %get3A_631, %sign3A_697 : vector<16xi32>
      %sign3A_699 = arith.extui %sign3A_698 : vector<16xi1> to vector<16xi32>
      %sign3A_700 = arith.subi %sign3A_695, %sign3A_699 : vector<16xi32>
      %sign3A_701 = arith.constant 0 : i32
      %sign3A_702 = arith.cmpi sgt, %jit3A_689, %sign3A_701 : i32
      %sign3A_703 = arith.extui %sign3A_702 : i1 to i32
      %sign3A_704 = arith.constant 0 : i32
      %sign3A_705 = arith.cmpi slt, %jit3A_689, %sign3A_704 : i32
      %sign3A_706 = arith.extui %sign3A_705 : i1 to i32
      %sign3A_707 = arith.subi %sign3A_703, %sign3A_706 : i32
      %ne3A_708 = vector.broadcast %sign3A_707 : i32 to vector<16xi32>
      %ne3A_709 = arith.cmpi ne, %sign3A_700, %ne3A_708 : vector<16xi32>
      %rem3A_710 = vector.broadcast %jit3A_689 : i32 to vector<16xi32>
      %rem3A_711 = arith.remsi %get3A_631, %rem3A_710 : vector<16xi32>
      %ne3A_712 = arith.constant 0 : i32
      %ne3A_713 = vector.broadcast %ne3A_712 : i32 to vector<16xi32>
      %ne3A_714 = arith.cmpi ne, %rem3A_711, %ne3A_713 : vector<16xi32>
      %and3A_715 = arith.andi %ne3A_709, %ne3A_714 : vector<16xi1>
      %sub3A_716 = arith.constant 1 : i32
      %sub3A_717 = vector.broadcast %sub3A_716 : i32 to vector<16xi32>
      %sub3A_718 = arith.subi %div3A_691, %sub3A_717 : vector<16xi32>
      %select_n3A_719 = arith.select %and3A_715, %sub3A_718, %div3A_691 : vector<16xi1>, vector<16xi32>
      %jit3A_720 = arith.constant 128 : i32
      %eq3A_721 = arith.constant 0 : i32
      %eq3A_722 = arith.cmpi eq, %jit3A_720, %eq3A_721 : i32
      %jit3A_723 = arith.constant 1 : i32
      %select_n3A_724 = arith.select %eq3A_722, %jit3A_723, %jit3A_720 : i32
      %rem3A_725 = vector.broadcast %select_n3A_724 : i32 to vector<16xi32>
      %rem3A_726 = arith.remsi %get3A_631, %rem3A_725 : vector<16xi32>
      %ne3A_727 = arith.constant 0 : i32
      %ne3A_728 = vector.broadcast %ne3A_727 : i32 to vector<16xi32>
      %ne3A_729 = arith.cmpi ne, %rem3A_726, %ne3A_728 : vector<16xi32>
      %lt3A_730 = arith.constant 0 : i32
      %lt3A_731 = vector.broadcast %lt3A_730 : i32 to vector<16xi32>
      %lt3A_732 = arith.cmpi slt, %rem3A_726, %lt3A_731 : vector<16xi32>
      %lt3A_733 = arith.constant 0 : i32
      %lt3A_734 = arith.cmpi slt, %select_n3A_724, %lt3A_733 : i32
      %ne3A_735 = vector.broadcast %lt3A_734 : i1 to vector<16xi1>
      %ne3A_736 = vector.broadcast %ne3A_735 : vector<16xi1> to vector<16xi1>
      %ne3A_737 = arith.xori %lt3A_732, %ne3A_736 : vector<16xi1>
      %and3A_738 = arith.andi %ne3A_737, %ne3A_729 : vector<16xi1>
      %add3A_739 = vector.broadcast %select_n3A_724 : i32 to vector<16xi32>
      %add3A_740 = arith.addi %rem3A_726, %add3A_739 : vector<16xi32>
      %select_n3A_741 = arith.select %and3A_738, %add3A_740, %rem3A_726 : vector<16xi1>, vector<16xi32>
      %gather3A_742 = tpu.vector_load_idx %arg12[%add3A_688, %select_n3A_719, %select_n3A_741] : memref<32x8x128xf32, #tpu.memory_space<vmem>>[vector<16xi32>, vector<16xi32>, vector<16xi32>], vector<16xf32>,
      %sub3A_743 = arith.subf %gather3A_685, %gather3A_742 : vector<16xf32>
      %add3A_744 = arith.addf %add3A_396, %sub3A_743 : vector<16xf32>
      %get3A_745 = arith.index_cast %add3A_625 : i32 to index
      %get3A_746 = arith.constant 16 : index
      %get3A_747 = tpu.vector_load %arg8[%get3A_745, %get3A_746] {strides = array<i32>} : memref<50x32xi32, #tpu.memory_space<vmem>>, vector<16xi32>,
      %get3A_748 = arith.index_cast %add3A_625 : i32 to index
      %get3A_749 = arith.constant 16 : index
      %get3A_750 = tpu.vector_load %arg9[%get3A_748, %get3A_749] {strides = array<i32>} : memref<50x32xi32, #tpu.memory_space<vmem>>, vector<16xi32>,
      %jit3A_751 = arith.constant 128 : i32
      %div3A_752 = vector.broadcast %jit3A_751 : i32 to vector<16xi32>
      %div3A_753 = arith.divsi %get3A_747, %div3A_752 : vector<16xi32>
      %sign3A_754 = arith.constant 0 : i32
      %sign3A_755 = vector.broadcast %sign3A_754 : i32 to vector<16xi32>
      %sign3A_756 = arith.cmpi sgt, %get3A_747, %sign3A_755 : vector<16xi32>
      %sign3A_757 = arith.extui %sign3A_756 : vector<16xi1> to vector<16xi32>
      %sign3A_758 = arith.constant 0 : i32
      %sign3A_759 = vector.broadcast %sign3A_758 : i32 to vector<16xi32>
      %sign3A_760 = arith.cmpi slt, %get3A_747, %sign3A_759 : vector<16xi32>
      %sign3A_761 = arith.extui %sign3A_760 : vector<16xi1> to vector<16xi32>
      %sign3A_762 = arith.subi %sign3A_757, %sign3A_761 : vector<16xi32>
      %sign3A_763 = arith.constant 0 : i32
      %sign3A_764 = arith.cmpi sgt, %jit3A_751, %sign3A_763 : i32
      %sign3A_765 = arith.extui %sign3A_764 : i1 to i32
      %sign3A_766 = arith.constant 0 : i32
      %sign3A_767 = arith.cmpi slt, %jit3A_751, %sign3A_766 : i32
      %sign3A_768 = arith.extui %sign3A_767 : i1 to i32
      %sign3A_769 = arith.subi %sign3A_765, %sign3A_768 : i32
      %ne3A_770 = vector.broadcast %sign3A_769 : i32 to vector<16xi32>
      %ne3A_771 = arith.cmpi ne, %sign3A_762, %ne3A_770 : vector<16xi32>
      %rem3A_772 = vector.broadcast %jit3A_751 : i32 to vector<16xi32>
      %rem3A_773 = arith.remsi %get3A_747, %rem3A_772 : vector<16xi32>
      %ne3A_774 = arith.constant 0 : i32
      %ne3A_775 = vector.broadcast %ne3A_774 : i32 to vector<16xi32>
      %ne3A_776 = arith.cmpi ne, %rem3A_773, %ne3A_775 : vector<16xi32>
      %and3A_777 = arith.andi %ne3A_771, %ne3A_776 : vector<16xi1>
      %sub3A_778 = arith.constant 1 : i32
      %sub3A_779 = vector.broadcast %sub3A_778 : i32 to vector<16xi32>
      %sub3A_780 = arith.subi %div3A_753, %sub3A_779 : vector<16xi32>
      %select_n3A_781 = arith.select %and3A_777, %sub3A_780, %div3A_753 : vector<16xi1>, vector<16xi32>
      %jit3A_782 = arith.constant 128 : i32
      %eq3A_783 = arith.constant 0 : i32
      %eq3A_784 = arith.cmpi eq, %jit3A_782, %eq3A_783 : i32
      %jit3A_785 = arith.constant 1 : i32
      %select_n3A_786 = arith.select %eq3A_784, %jit3A_785, %jit3A_782 : i32
      %rem3A_787 = vector.broadcast %select_n3A_786 : i32 to vector<16xi32>
      %rem3A_788 = arith.remsi %get3A_747, %rem3A_787 : vector<16xi32>
      %ne3A_789 = arith.constant 0 : i32
      %ne3A_790 = vector.broadcast %ne3A_789 : i32 to vector<16xi32>
      %ne3A_791 = arith.cmpi ne, %rem3A_788, %ne3A_790 : vector<16xi32>
      %lt3A_792 = arith.constant 0 : i32
      %lt3A_793 = vector.broadcast %lt3A_792 : i32 to vector<16xi32>
      %lt3A_794 = arith.cmpi slt, %rem3A_788, %lt3A_793 : vector<16xi32>
      %lt3A_795 = arith.constant 0 : i32
      %lt3A_796 = arith.cmpi slt, %select_n3A_786, %lt3A_795 : i32
      %ne3A_797 = vector.broadcast %lt3A_796 : i1 to vector<16xi1>
      %ne3A_798 = vector.broadcast %ne3A_797 : vector<16xi1> to vector<16xi1>
      %ne3A_799 = arith.xori %lt3A_794, %ne3A_798 : vector<16xi1>
      %and3A_800 = arith.andi %ne3A_799, %ne3A_791 : vector<16xi1>
      %add3A_801 = vector.broadcast %select_n3A_786 : i32 to vector<16xi32>
      %add3A_802 = arith.addi %rem3A_788, %add3A_801 : vector<16xi32>
      %select_n3A_803 = arith.select %and3A_800, %add3A_802, %rem3A_788 : vector<16xi1>, vector<16xi32>
      %gather3A_804 = tpu.vector_load_idx %arg10[%select_n3A_781, %select_n3A_803] : memref<8x128xf32, #tpu.memory_space<vmem>>[vector<16xi32>, vector<16xi32>], vector<16xf32>,
      %add3A_805 = arith.constant 16 : i32
      %add3A_806 = vector.broadcast %add3A_805 : i32 to vector<16xi32>
      %add3A_807 = arith.addi %add3A_806, %iota3A : vector<16xi32>
      %jit3A_808 = arith.constant 128 : i32
      %div3A_809 = vector.broadcast %jit3A_808 : i32 to vector<16xi32>
      %div3A_810 = arith.divsi %get3A_750, %div3A_809 : vector<16xi32>
      %sign3A_811 = arith.constant 0 : i32
      %sign3A_812 = vector.broadcast %sign3A_811 : i32 to vector<16xi32>
      %sign3A_813 = arith.cmpi sgt, %get3A_750, %sign3A_812 : vector<16xi32>
      %sign3A_814 = arith.extui %sign3A_813 : vector<16xi1> to vector<16xi32>
      %sign3A_815 = arith.constant 0 : i32
      %sign3A_816 = vector.broadcast %sign3A_815 : i32 to vector<16xi32>
      %sign3A_817 = arith.cmpi slt, %get3A_750, %sign3A_816 : vector<16xi32>
      %sign3A_818 = arith.extui %sign3A_817 : vector<16xi1> to vector<16xi32>
      %sign3A_819 = arith.subi %sign3A_814, %sign3A_818 : vector<16xi32>
      %sign3A_820 = arith.constant 0 : i32
      %sign3A_821 = arith.cmpi sgt, %jit3A_808, %sign3A_820 : i32
      %sign3A_822 = arith.extui %sign3A_821 : i1 to i32
      %sign3A_823 = arith.constant 0 : i32
      %sign3A_824 = arith.cmpi slt, %jit3A_808, %sign3A_823 : i32
      %sign3A_825 = arith.extui %sign3A_824 : i1 to i32
      %sign3A_826 = arith.subi %sign3A_822, %sign3A_825 : i32
      %ne3A_827 = vector.broadcast %sign3A_826 : i32 to vector<16xi32>
      %ne3A_828 = arith.cmpi ne, %sign3A_819, %ne3A_827 : vector<16xi32>
      %rem3A_829 = vector.broadcast %jit3A_808 : i32 to vector<16xi32>
      %rem3A_830 = arith.remsi %get3A_750, %rem3A_829 : vector<16xi32>
      %ne3A_831 = arith.constant 0 : i32
      %ne3A_832 = vector.broadcast %ne3A_831 : i32 to vector<16xi32>
      %ne3A_833 = arith.cmpi ne, %rem3A_830, %ne3A_832 : vector<16xi32>
      %and3A_834 = arith.andi %ne3A_828, %ne3A_833 : vector<16xi1>
      %sub3A_835 = arith.constant 1 : i32
      %sub3A_836 = vector.broadcast %sub3A_835 : i32 to vector<16xi32>
      %sub3A_837 = arith.subi %div3A_810, %sub3A_836 : vector<16xi32>
      %select_n3A_838 = arith.select %and3A_834, %sub3A_837, %div3A_810 : vector<16xi1>, vector<16xi32>
      %jit3A_839 = arith.constant 128 : i32
      %eq3A_840 = arith.constant 0 : i32
      %eq3A_841 = arith.cmpi eq, %jit3A_839, %eq3A_840 : i32
      %jit3A_842 = arith.constant 1 : i32
      %select_n3A_843 = arith.select %eq3A_841, %jit3A_842, %jit3A_839 : i32
      %rem3A_844 = vector.broadcast %select_n3A_843 : i32 to vector<16xi32>
      %rem3A_845 = arith.remsi %get3A_750, %rem3A_844 : vector<16xi32>
      %ne3A_846 = arith.constant 0 : i32
      %ne3A_847 = vector.broadcast %ne3A_846 : i32 to vector<16xi32>
      %ne3A_848 = arith.cmpi ne, %rem3A_845, %ne3A_847 : vector<16xi32>
      %lt3A_849 = arith.constant 0 : i32
      %lt3A_850 = vector.broadcast %lt3A_849 : i32 to vector<16xi32>
      %lt3A_851 = arith.cmpi slt, %rem3A_845, %lt3A_850 : vector<16xi32>
      %lt3A_852 = arith.constant 0 : i32
      %lt3A_853 = arith.cmpi slt, %select_n3A_843, %lt3A_852 : i32
      %ne3A_854 = vector.broadcast %lt3A_853 : i1 to vector<16xi1>
      %ne3A_855 = vector.broadcast %ne3A_854 : vector<16xi1> to vector<16xi1>
      %ne3A_856 = arith.xori %lt3A_851, %ne3A_855 : vector<16xi1>
      %and3A_857 = arith.andi %ne3A_856, %ne3A_848 : vector<16xi1>
      %add3A_858 = vector.broadcast %select_n3A_843 : i32 to vector<16xi32>
      %add3A_859 = arith.addi %rem3A_845, %add3A_858 : vector<16xi32>
      %select_n3A_860 = arith.select %and3A_857, %add3A_859, %rem3A_845 : vector<16xi1>, vector<16xi32>
      %gather3A_861 = tpu.vector_load_idx %arg12[%add3A_807, %select_n3A_838, %select_n3A_860] : memref<32x8x128xf32, #tpu.memory_space<vmem>>[vector<16xi32>, vector<16xi32>, vector<16xi32>], vector<16xf32>,
      %sub3A_862 = arith.subf %gather3A_804, %gather3A_861 : vector<16xf32>
      %add3A_863 = arith.addf %add3A_744, %sub3A_862 : vector<16xf32>
      %dma_wait3A_864 = arith.constant 0 : i32
      %dma_wait3A_865 = arith.constant 0 : i32
      %dma_wait3A_866 = arith.constant 0 : i32
      %dma_wait3A_867 = tpu.memref_slice %arg12[%dma_wait3A_865, %dma_wait3A_864, %dma_wait3A_866] : memref<32x8x128xf32, #tpu.memory_space<vmem>> -> memref<32x1x128xf32, #tpu.memory_space<vmem>>
      %dma_wait3A_868 = tpu.memref_squeeze %dma_wait3A_867 : memref<32x1x128xf32, #tpu.memory_space<vmem>> -> memref<32x128xf32, #tpu.memory_space<vmem>>
      %dma_wait3A_869 = arith.constant 0 : i32
      %dma_wait3A_870 = tpu.memref_slice %arg6[%mul3A_410, %dma_wait3A_869] : memref<51200x1024xf32, #tpu.memory_space<hbm>> -> memref<32x128xf32, #tpu.memory_space<hbm>>
      %dma_wait3A_871 = arith.constant 0 : i32
      %dma_wait3A_872 = tpu.memref_slice %arg6[%mul3A_410, %dma_wait3A_871] : memref<51200x1024xf32, #tpu.memory_space<hbm>> -> memref<32x128xf32, #tpu.memory_space<hbm>>
      %dma_wait3A_873 = arith.constant 0 : i32
      %dma_wait3A_874 = arith.constant 0 : i32
      %dma_wait3A_875 = tpu.memref_slice %arg12[%dma_wait3A_873, %dma_wait3A_864, %dma_wait3A_874] : memref<32x8x128xf32, #tpu.memory_space<vmem>> -> memref<32x1x128xf32, #tpu.memory_space<vmem>>
      %dma_wait3A_876 = tpu.memref_squeeze %dma_wait3A_875 : memref<32x1x128xf32, #tpu.memory_space<vmem>> -> memref<32x128xf32, #tpu.memory_space<vmem>>
      tpu.wait_dma2 semaphore(%arg17 : memref<!tpu.dma_semaphore, #tpu.memory_space<semaphore_mem>>) src(%dma_wait3A_876 : memref<32x128xf32, #tpu.memory_space<vmem>>) dst(%dma_wait3A_872 : memref<32x128xf32, #tpu.memory_space<hbm>>)
      %dma_wait3A_877 = arith.constant 1 : i32
      %dma_wait3A_878 = arith.constant 0 : i32
      %dma_wait3A_879 = arith.constant 0 : i32
      %dma_wait3A_880 = tpu.memref_slice %arg12[%dma_wait3A_878, %dma_wait3A_877, %dma_wait3A_879] : memref<32x8x128xf32, #tpu.memory_space<vmem>> -> memref<32x1x128xf32, #tpu.memory_space<vmem>>
      %dma_wait3A_881 = tpu.memref_squeeze %dma_wait3A_880 : memref<32x1x128xf32, #tpu.memory_space<vmem>> -> memref<32x128xf32, #tpu.memory_space<vmem>>
      %dma_wait3A_882 = arith.constant 128 : i32
      %dma_wait3A_883 = tpu.memref_slice %arg6[%mul3A_410, %dma_wait3A_882] : memref<51200x1024xf32, #tpu.memory_space<hbm>> -> memref<32x128xf32, #tpu.memory_space<hbm>>
      %dma_wait3A_884 = arith.constant 128 : i32
      %dma_wait3A_885 = tpu.memref_slice %arg6[%mul3A_410, %dma_wait3A_884] : memref<51200x1024xf32, #tpu.memory_space<hbm>> -> memref<32x128xf32, #tpu.memory_space<hbm>>
      %dma_wait3A_886 = arith.constant 0 : i32
      %dma_wait3A_887 = arith.constant 0 : i32
      %dma_wait3A_888 = tpu.memref_slice %arg12[%dma_wait3A_886, %dma_wait3A_877, %dma_wait3A_887] : memref<32x8x128xf32, #tpu.memory_space<vmem>> -> memref<32x1x128xf32, #tpu.memory_space<vmem>>
      %dma_wait3A_889 = tpu.memref_squeeze %dma_wait3A_888 : memref<32x1x128xf32, #tpu.memory_space<vmem>> -> memref<32x128xf32, #tpu.memory_space<vmem>>
      tpu.wait_dma2 semaphore(%arg17 : memref<!tpu.dma_semaphore, #tpu.memory_space<semaphore_mem>>) src(%dma_wait3A_889 : memref<32x128xf32, #tpu.memory_space<vmem>>) dst(%dma_wait3A_885 : memref<32x128xf32, #tpu.memory_space<hbm>>)
      %dma_wait3A_890 = arith.constant 2 : i32
      %dma_wait3A_891 = arith.constant 0 : i32
      %dma_wait3A_892 = arith.constant 0 : i32
      %dma_wait3A_893 = tpu.memref_slice %arg12[%dma_wait3A_891, %dma_wait3A_890, %dma_wait3A_892] : memref<32x8x128xf32, #tpu.memory_space<vmem>> -> memref<32x1x128xf32, #tpu.memory_space<vmem>>
      %dma_wait3A_894 = tpu.memref_squeeze %dma_wait3A_893 : memref<32x1x128xf32, #tpu.memory_space<vmem>> -> memref<32x128xf32, #tpu.memory_space<vmem>>
      %dma_wait3A_895 = arith.constant 256 : i32
      %dma_wait3A_896 = tpu.memref_slice %arg6[%mul3A_410, %dma_wait3A_895] : memref<51200x1024xf32, #tpu.memory_space<hbm>> -> memref<32x128xf32, #tpu.memory_space<hbm>>
      %dma_wait3A_897 = arith.constant 256 : i32
      %dma_wait3A_898 = tpu.memref_slice %arg6[%mul3A_410, %dma_wait3A_897] : memref<51200x1024xf32, #tpu.memory_space<hbm>> -> memref<32x128xf32, #tpu.memory_space<hbm>>
      %dma_wait3A_899 = arith.constant 0 : i32
      %dma_wait3A_900 = arith.constant 0 : i32
      %dma_wait3A_901 = tpu.memref_slice %arg12[%dma_wait3A_899, %dma_wait3A_890, %dma_wait3A_900] : memref<32x8x128xf32, #tpu.memory_space<vmem>> -> memref<32x1x128xf32, #tpu.memory_space<vmem>>
      %dma_wait3A_902 = tpu.memref_squeeze %dma_wait3A_901 : memref<32x1x128xf32, #tpu.memory_space<vmem>> -> memref<32x128xf32, #tpu.memory_space<vmem>>
      tpu.wait_dma2 semaphore(%arg17 : memref<!tpu.dma_semaphore, #tpu.memory_space<semaphore_mem>>) src(%dma_wait3A_902 : memref<32x128xf32, #tpu.memory_space<vmem>>) dst(%dma_wait3A_898 : memref<32x128xf32, #tpu.memory_space<hbm>>)
      %dma_wait3A_903 = arith.constant 3 : i32
      %dma_wait3A_904 = arith.constant 0 : i32
      %dma_wait3A_905 = arith.constant 0 : i32
      %dma_wait3A_906 = tpu.memref_slice %arg12[%dma_wait3A_904, %dma_wait3A_903, %dma_wait3A_905] : memref<32x8x128xf32, #tpu.memory_space<vmem>> -> memref<32x1x128xf32, #tpu.memory_space<vmem>>
      %dma_wait3A_907 = tpu.memref_squeeze %dma_wait3A_906 : memref<32x1x128xf32, #tpu.memory_space<vmem>> -> memref<32x128xf32, #tpu.memory_space<vmem>>
      %dma_wait3A_908 = arith.constant 384 : i32
      %dma_wait3A_909 = tpu.memref_slice %arg6[%mul3A_410, %dma_wait3A_908] : memref<51200x1024xf32, #tpu.memory_space<hbm>> -> memref<32x128xf32, #tpu.memory_space<hbm>>
      %dma_wait3A_910 = arith.constant 384 : i32
      %dma_wait3A_911 = tpu.memref_slice %arg6[%mul3A_410, %dma_wait3A_910] : memref<51200x1024xf32, #tpu.memory_space<hbm>> -> memref<32x128xf32, #tpu.memory_space<hbm>>
      %dma_wait3A_912 = arith.constant 0 : i32
      %dma_wait3A_913 = arith.constant 0 : i32
      %dma_wait3A_914 = tpu.memref_slice %arg12[%dma_wait3A_912, %dma_wait3A_903, %dma_wait3A_913] : memref<32x8x128xf32, #tpu.memory_space<vmem>> -> memref<32x1x128xf32, #tpu.memory_space<vmem>>
      %dma_wait3A_915 = tpu.memref_squeeze %dma_wait3A_914 : memref<32x1x128xf32, #tpu.memory_space<vmem>> -> memref<32x128xf32, #tpu.memory_space<vmem>>
      tpu.wait_dma2 semaphore(%arg17 : memref<!tpu.dma_semaphore, #tpu.memory_space<semaphore_mem>>) src(%dma_wait3A_915 : memref<32x128xf32, #tpu.memory_space<vmem>>) dst(%dma_wait3A_911 : memref<32x128xf32, #tpu.memory_space<hbm>>)
      %dma_wait3A_916 = arith.constant 4 : i32
      %dma_wait3A_917 = arith.constant 0 : i32
      %dma_wait3A_918 = arith.constant 0 : i32
      %dma_wait3A_919 = tpu.memref_slice %arg12[%dma_wait3A_917, %dma_wait3A_916, %dma_wait3A_918] : memref<32x8x128xf32, #tpu.memory_space<vmem>> -> memref<32x1x128xf32, #tpu.memory_space<vmem>>
      %dma_wait3A_920 = tpu.memref_squeeze %dma_wait3A_919 : memref<32x1x128xf32, #tpu.memory_space<vmem>> -> memref<32x128xf32, #tpu.memory_space<vmem>>
      %dma_wait3A_921 = arith.constant 512 : i32
      %dma_wait3A_922 = tpu.memref_slice %arg6[%mul3A_410, %dma_wait3A_921] : memref<51200x1024xf32, #tpu.memory_space<hbm>> -> memref<32x128xf32, #tpu.memory_space<hbm>>
      %dma_wait3A_923 = arith.constant 512 : i32
      %dma_wait3A_924 = tpu.memref_slice %arg6[%mul3A_410, %dma_wait3A_923] : memref<51200x1024xf32, #tpu.memory_space<hbm>> -> memref<32x128xf32, #tpu.memory_space<hbm>>
      %dma_wait3A_925 = arith.constant 0 : i32
      %dma_wait3A_926 = arith.constant 0 : i32
      %dma_wait3A_927 = tpu.memref_slice %arg12[%dma_wait3A_925, %dma_wait3A_916, %dma_wait3A_926] : memref<32x8x128xf32, #tpu.memory_space<vmem>> -> memref<32x1x128xf32, #tpu.memory_space<vmem>>
      %dma_wait3A_928 = tpu.memref_squeeze %dma_wait3A_927 : memref<32x1x128xf32, #tpu.memory_space<vmem>> -> memref<32x128xf32, #tpu.memory_space<vmem>>
      tpu.wait_dma2 semaphore(%arg17 : memref<!tpu.dma_semaphore, #tpu.memory_space<semaphore_mem>>) src(%dma_wait3A_928 : memref<32x128xf32, #tpu.memory_space<vmem>>) dst(%dma_wait3A_924 : memref<32x128xf32, #tpu.memory_space<hbm>>)
      %dma_wait3A_929 = arith.constant 5 : i32
      %dma_wait3A_930 = arith.constant 0 : i32
      %dma_wait3A_931 = arith.constant 0 : i32
      %dma_wait3A_932 = tpu.memref_slice %arg12[%dma_wait3A_930, %dma_wait3A_929, %dma_wait3A_931] : memref<32x8x128xf32, #tpu.memory_space<vmem>> -> memref<32x1x128xf32, #tpu.memory_space<vmem>>
      %dma_wait3A_933 = tpu.memref_squeeze %dma_wait3A_932 : memref<32x1x128xf32, #tpu.memory_space<vmem>> -> memref<32x128xf32, #tpu.memory_space<vmem>>
      %dma_wait3A_934 = arith.constant 640 : i32
      %dma_wait3A_935 = tpu.memref_slice %arg6[%mul3A_410, %dma_wait3A_934] : memref<51200x1024xf32, #tpu.memory_space<hbm>> -> memref<32x128xf32, #tpu.memory_space<hbm>>
      %dma_wait3A_936 = arith.constant 640 : i32
      %dma_wait3A_937 = tpu.memref_slice %arg6[%mul3A_410, %dma_wait3A_936] : memref<51200x1024xf32, #tpu.memory_space<hbm>> -> memref<32x128xf32, #tpu.memory_space<hbm>>
      %dma_wait3A_938 = arith.constant 0 : i32
      %dma_wait3A_939 = arith.constant 0 : i32
      %dma_wait3A_940 = tpu.memref_slice %arg12[%dma_wait3A_938, %dma_wait3A_929, %dma_wait3A_939] : memref<32x8x128xf32, #tpu.memory_space<vmem>> -> memref<32x1x128xf32, #tpu.memory_space<vmem>>
      %dma_wait3A_941 = tpu.memref_squeeze %dma_wait3A_940 : memref<32x1x128xf32, #tpu.memory_space<vmem>> -> memref<32x128xf32, #tpu.memory_space<vmem>>
      tpu.wait_dma2 semaphore(%arg17 : memref<!tpu.dma_semaphore, #tpu.memory_space<semaphore_mem>>) src(%dma_wait3A_941 : memref<32x128xf32, #tpu.memory_space<vmem>>) dst(%dma_wait3A_937 : memref<32x128xf32, #tpu.memory_space<hbm>>)
      %dma_wait3A_942 = arith.constant 6 : i32
      %dma_wait3A_943 = arith.constant 0 : i32
      %dma_wait3A_944 = arith.constant 0 : i32
      %dma_wait3A_945 = tpu.memref_slice %arg12[%dma_wait3A_943, %dma_wait3A_942, %dma_wait3A_944] : memref<32x8x128xf32, #tpu.memory_space<vmem>> -> memref<32x1x128xf32, #tpu.memory_space<vmem>>
      %dma_wait3A_946 = tpu.memref_squeeze %dma_wait3A_945 : memref<32x1x128xf32, #tpu.memory_space<vmem>> -> memref<32x128xf32, #tpu.memory_space<vmem>>
      %dma_wait3A_947 = arith.constant 768 : i32
      %dma_wait3A_948 = tpu.memref_slice %arg6[%mul3A_410, %dma_wait3A_947] : memref<51200x1024xf32, #tpu.memory_space<hbm>> -> memref<32x128xf32, #tpu.memory_space<hbm>>
      %dma_wait3A_949 = arith.constant 768 : i32
      %dma_wait3A_950 = tpu.memref_slice %arg6[%mul3A_410, %dma_wait3A_949] : memref<51200x1024xf32, #tpu.memory_space<hbm>> -> memref<32x128xf32, #tpu.memory_space<hbm>>
      %dma_wait3A_951 = arith.constant 0 : i32
      %dma_wait3A_952 = arith.constant 0 : i32
      %dma_wait3A_953 = tpu.memref_slice %arg12[%dma_wait3A_951, %dma_wait3A_942, %dma_wait3A_952] : memref<32x8x128xf32, #tpu.memory_space<vmem>> -> memref<32x1x128xf32, #tpu.memory_space<vmem>>
      %dma_wait3A_954 = tpu.memref_squeeze %dma_wait3A_953 : memref<32x1x128xf32, #tpu.memory_space<vmem>> -> memref<32x128xf32, #tpu.memory_space<vmem>>
      tpu.wait_dma2 semaphore(%arg17 : memref<!tpu.dma_semaphore, #tpu.memory_space<semaphore_mem>>) src(%dma_wait3A_954 : memref<32x128xf32, #tpu.memory_space<vmem>>) dst(%dma_wait3A_950 : memref<32x128xf32, #tpu.memory_space<hbm>>)
      %dma_wait3A_955 = arith.constant 7 : i32
      %dma_wait3A_956 = arith.constant 0 : i32
      %dma_wait3A_957 = arith.constant 0 : i32
      %dma_wait3A_958 = tpu.memref_slice %arg12[%dma_wait3A_956, %dma_wait3A_955, %dma_wait3A_957] : memref<32x8x128xf32, #tpu.memory_space<vmem>> -> memref<32x1x128xf32, #tpu.memory_space<vmem>>
      %dma_wait3A_959 = tpu.memref_squeeze %dma_wait3A_958 : memref<32x1x128xf32, #tpu.memory_space<vmem>> -> memref<32x128xf32, #tpu.memory_space<vmem>>
      %dma_wait3A_960 = arith.constant 896 : i32
      %dma_wait3A_961 = tpu.memref_slice %arg6[%mul3A_410, %dma_wait3A_960] : memref<51200x1024xf32, #tpu.memory_space<hbm>> -> memref<32x128xf32, #tpu.memory_space<hbm>>
      %dma_wait3A_962 = arith.constant 896 : i32
      %dma_wait3A_963 = tpu.memref_slice %arg6[%mul3A_410, %dma_wait3A_962] : memref<51200x1024xf32, #tpu.memory_space<hbm>> -> memref<32x128xf32, #tpu.memory_space<hbm>>
      %dma_wait3A_964 = arith.constant 0 : i32
      %dma_wait3A_965 = arith.constant 0 : i32
      %dma_wait3A_966 = tpu.memref_slice %arg12[%dma_wait3A_964, %dma_wait3A_955, %dma_wait3A_965] : memref<32x8x128xf32, #tpu.memory_space<vmem>> -> memref<32x1x128xf32, #tpu.memory_space<vmem>>
      %dma_wait3A_967 = tpu.memref_squeeze %dma_wait3A_966 : memref<32x1x128xf32, #tpu.memory_space<vmem>> -> memref<32x128xf32, #tpu.memory_space<vmem>>
      tpu.wait_dma2 semaphore(%arg17 : memref<!tpu.dma_semaphore, #tpu.memory_space<semaphore_mem>>) src(%dma_wait3A_967 : memref<32x128xf32, #tpu.memory_space<vmem>>) dst(%dma_wait3A_963 : memref<32x128xf32, #tpu.memory_space<hbm>>)
      scf.yield %add3A_863 : vector<16xf32>
    }
    %scan3A_13 = arith.constant 25 : i32
    %swap3A = arith.constant 0 : index
    %swap3A_14 = tpu.vector_load %arg13[%swap3A] {strides = array<i32>} : memref<128xf32, #tpu.memory_space<vmem>>, vector<16xf32>,
    tpu.vector_store %arg13[%swap3A], %scan3A_12 {strides = array<i32>} : memref<128xf32, #tpu.memory_space<vmem>>, vector<16xf32>,
    %broadcast_in_dim3A_15 = arith.constant 0.000000e+00 : f32
    %broadcast_in_dim3A_16 = vector.broadcast %broadcast_in_dim3A_15 : f32 to vector<16xf32>
    %swap3A_17 = arith.constant 16 : index
    %swap3A_18 = tpu.vector_load %arg13[%swap3A_17] {strides = array<i32>} : memref<128xf32, #tpu.memory_space<vmem>>, vector<16xf32>,
    tpu.vector_store %arg13[%swap3A_17], %broadcast_in_dim3A_16 {strides = array<i32>} : memref<128xf32, #tpu.memory_space<vmem>>, vector<16xf32>,
    %broadcast_in_dim3A_19 = arith.constant 0.000000e+00 : f32
    %broadcast_in_dim3A_20 = vector.broadcast %broadcast_in_dim3A_19 : f32 to vector<16xf32>
    %swap3A_21 = arith.constant 32 : index
    %swap3A_22 = tpu.vector_load %arg13[%swap3A_21] {strides = array<i32>} : memref<128xf32, #tpu.memory_space<vmem>>, vector<16xf32>,
    tpu.vector_store %arg13[%swap3A_21], %broadcast_in_dim3A_20 {strides = array<i32>} : memref<128xf32, #tpu.memory_space<vmem>>, vector<16xf32>,
    %broadcast_in_dim3A_23 = arith.constant 0.000000e+00 : f32
    %broadcast_in_dim3A_24 = vector.broadcast %broadcast_in_dim3A_23 : f32 to vector<16xf32>
    %swap3A_25 = arith.constant 48 : index
    %swap3A_26 = tpu.vector_load %arg13[%swap3A_25] {strides = array<i32>} : memref<128xf32, #tpu.memory_space<vmem>>, vector<16xf32>,
    tpu.vector_store %arg13[%swap3A_25], %broadcast_in_dim3A_24 {strides = array<i32>} : memref<128xf32, #tpu.memory_space<vmem>>, vector<16xf32>,
    %broadcast_in_dim3A_27 = arith.constant 0.000000e+00 : f32
    %broadcast_in_dim3A_28 = vector.broadcast %broadcast_in_dim3A_27 : f32 to vector<16xf32>
    %swap3A_29 = arith.constant 64 : index
    %swap3A_30 = tpu.vector_load %arg13[%swap3A_29] {strides = array<i32>} : memref<128xf32, #tpu.memory_space<vmem>>, vector<16xf32>,
    tpu.vector_store %arg13[%swap3A_29], %broadcast_in_dim3A_28 {strides = array<i32>} : memref<128xf32, #tpu.memory_space<vmem>>, vector<16xf32>,
    %broadcast_in_dim3A_31 = arith.constant 0.000000e+00 : f32
    %broadcast_in_dim3A_32 = vector.broadcast %broadcast_in_dim3A_31 : f32 to vector<16xf32>
    %swap3A_33 = arith.constant 80 : index
    %swap3A_34 = tpu.vector_load %arg13[%swap3A_33] {strides = array<i32>} : memref<128xf32, #tpu.memory_space<vmem>>, vector<16xf32>,
    tpu.vector_store %arg13[%swap3A_33], %broadcast_in_dim3A_32 {strides = array<i32>} : memref<128xf32, #tpu.memory_space<vmem>>, vector<16xf32>,
    %broadcast_in_dim3A_35 = arith.constant 0.000000e+00 : f32
    %broadcast_in_dim3A_36 = vector.broadcast %broadcast_in_dim3A_35 : f32 to vector<16xf32>
    %swap3A_37 = arith.constant 96 : index
    %swap3A_38 = tpu.vector_load %arg13[%swap3A_37] {strides = array<i32>} : memref<128xf32, #tpu.memory_space<vmem>>, vector<16xf32>,
    tpu.vector_store %arg13[%swap3A_37], %broadcast_in_dim3A_36 {strides = array<i32>} : memref<128xf32, #tpu.memory_space<vmem>>, vector<16xf32>,
    %broadcast_in_dim3A_39 = arith.constant 0.000000e+00 : f32
    %broadcast_in_dim3A_40 = vector.broadcast %broadcast_in_dim3A_39 : f32 to vector<16xf32>
    %swap3A_41 = arith.constant 112 : index
    %swap3A_42 = tpu.vector_load %arg13[%swap3A_41] {strides = array<i32>} : memref<128xf32, #tpu.memory_space<vmem>>, vector<16xf32>,
    tpu.vector_store %arg13[%swap3A_41], %broadcast_in_dim3A_40 {strides = array<i32>} : memref<128xf32, #tpu.memory_space<vmem>>, vector<16xf32>,
    "tpu.region"() ({
      %run_scoped3A = tpu.sem_alloc : memref<!tpu.dma_semaphore, #tpu.memory_space<semaphore_mem>>
      %dma_start3A_43 = arith.constant 0 : i32
      %dma_start3A_44 = tpu.memref_slice %arg7[%add3A, %dma_start3A_43] : memref<32x128xf32, #tpu.memory_space<hbm>> -> memref<1x128xf32, #tpu.memory_space<hbm>>
      %dma_start3A_45 = tpu.memref_squeeze %dma_start3A_44 : memref<1x128xf32, #tpu.memory_space<hbm>> -> memref<128xf32, #tpu.memory_space<hbm>>
      %dma_start3A_46 = arith.constant 0 : i32
      %dma_start3A_47 = tpu.memref_slice %arg7[%add3A, %dma_start3A_46] : memref<32x128xf32, #tpu.memory_space<hbm>> -> memref<1x128xf32, #tpu.memory_space<hbm>>
      %dma_start3A_48 = tpu.memref_squeeze %dma_start3A_47 : memref<1x128xf32, #tpu.memory_space<hbm>> -> memref<128xf32, #tpu.memory_space<hbm>>
      tpu.enqueue_dma source(%arg13 : memref<128xf32, #tpu.memory_space<vmem>>) target(%dma_start3A_48 : memref<128xf32, #tpu.memory_space<hbm>>) target_semaphore(%run_scoped3A : memref<!tpu.dma_semaphore, #tpu.memory_space<semaphore_mem>>)
      %dma_wait3A = arith.constant 0 : i32
      %dma_wait3A_49 = tpu.memref_slice %arg7[%add3A, %dma_wait3A] : memref<32x128xf32, #tpu.memory_space<hbm>> -> memref<1x128xf32, #tpu.memory_space<hbm>>
      %dma_wait3A_50 = tpu.memref_squeeze %dma_wait3A_49 : memref<1x128xf32, #tpu.memory_space<hbm>> -> memref<128xf32, #tpu.memory_space<hbm>>
      %dma_wait3A_51 = arith.constant 0 : i32
      %dma_wait3A_52 = tpu.memref_slice %arg7[%add3A, %dma_wait3A_51] : memref<32x128xf32, #tpu.memory_space<hbm>> -> memref<1x128xf32, #tpu.memory_space<hbm>>
      %dma_wait3A_53 = tpu.memref_squeeze %dma_wait3A_52 : memref<1x128xf32, #tpu.memory_space<hbm>> -> memref<128xf32, #tpu.memory_space<hbm>>
      tpu.wait_dma2 semaphore(%run_scoped3A : memref<!tpu.dma_semaphore, #tpu.memory_space<semaphore_mem>>) src(%arg13 : memref<128xf32, #tpu.memory_space<vmem>>) dst(%dma_wait3A_53 : memref<128xf32, #tpu.memory_space<hbm>>)
      tpu.yield
    }) : () -> ()
    return
  }
}

module attributes {stable_mosaic.version = 14 : i64} {
  func.func @_rowlz_body(%arg0: memref<1000x1000xf32, #tpu.memory_space<vmem>>, %arg1: memref<8x128xf32, #tpu.memory_space<vmem>>) attributes {dimension_semantics = [], scalar_prefetch = 0 : i64, scratch_operands = 0 : i64, tpu.core_type = #tpu.core_type<tc>} {
    %get3A = arith.constant 0 : index
    %get3A_0 = arith.constant 0 : index
    %get3A_1 = vector.load %arg0[%get3A, %get3A_0] : memref<1000x1000xf32, #tpu.memory_space<vmem>>, vector<1000x1000xf32>
    %reduce_max3A = arith.constant dense<0xFF800000> : vector<1000xf32>
    %reduce_max3A_2 = vector.multi_reduction <maximumf>, %get3A_1, %reduce_max3A [1] : vector<1000x1000xf32> to vector<1000xf32>
    %broadcast_in_dim3A = vector.shape_cast %reduce_max3A_2 : vector<1000xf32> to vector<1000x1xf32>
    %sub3A = vector.broadcast %broadcast_in_dim3A : vector<1000x1xf32> to vector<1000x1000xf32>
    %sub3A_3 = arith.subf %get3A_1, %sub3A : vector<1000x1000xf32>
    %exp3A = math.exp %sub3A_3 : vector<1000x1000xf32>
    %reduce_sum3A = arith.constant dense<0.000000e+00> : vector<1000xf32>
    %reduce_sum3A_4 = vector.multi_reduction <add>, %exp3A, %reduce_sum3A [1] : vector<1000x1000xf32> to vector<1000xf32>
    %log3A = math.log %reduce_sum3A_4 : vector<1000xf32>
    %add3A = arith.addf %reduce_max3A_2, %log3A : vector<1000xf32>
    %broadcast_in_dim3A_5 = arith.constant 0.000000e+00 : f32
    %broadcast_in_dim3A_6 = vector.broadcast %broadcast_in_dim3A_5 : f32 to vector<24xf32>
    %concatenate3A = tpu.concatenate %add3A, %broadcast_in_dim3A_6 in 0 : vector<1000xf32>, vector<24xf32> -> vector<1024xf32>
    %reshape3A = vector.shape_cast %concatenate3A : vector<1024xf32> to vector<8x128xf32>
    %swap3A = arith.constant 0 : index
    %swap3A_7 = arith.constant 0 : index
    %swap3A_8 = vector.load %arg1[%swap3A, %swap3A_7] : memref<8x128xf32, #tpu.memory_space<vmem>>, vector<8x128xf32>
    tpu.vector_store %arg1[%swap3A, %swap3A_7], %reshape3A {strides = array<i32>} : memref<8x128xf32, #tpu.memory_space<vmem>>, vector<8x128xf32>,
    return
  }
}

</mosaic_0001>

<sc_bundles>
// kernel: kernel.4.cloned.1.call-start
scs
__scs_entry_jumppad:
0x0: {  	(pc) =	sbr.rel $0x88, $3  }
0x1: {  	(tag) =	ssettag $0x0;
	lr =	simm.s32 $0x1  }
0x2: {  	[smem:$0x3F9E] =	sst lr;
	_ =	strace $0xD0000000  }
0x3: {  	_ = 	snop  }
0x4: {  	_ = 	snop  }
0x5: {  	_ = 	snop  }
0x6: {  	_ = 	snop  }
0x7: {  	_ = 	snop  }
__scs_overlays_trampoline_lowered:
0x8: {  	[smem:$0x3FAD] =	sst s0  }
0x9: {  	[smem:$0x3FAE] =	sst s1  }
0xa: {  	[smem:$0x3FAF] =	sst s2  }
0xb: {  	[smem:$0x3FB0] =	sst s3  }
0xc: {  	[smem:$0x3FB1] =	sst s4  }
0xd: {  	[smem:$0x3FB2] =	sst s5  }
0xe: {  	[smem:$0x3FB3] =	sst s6  }
0xf: {  	[smem:$0x3FB4] =	sst s7  }
0x10: {  	[smem:$0x3FB5] =	sst s8  }
0x11: {  	[smem:$0x3FB6] =	sst s9;
	s0 =	simm.s32 @!p0 $0x0  }
0x12: {  	s1 =	sld [smem:$0x3F9C];
	s0 =	simm.s32 @p0 $0x1  }
0x13: {  	[smem:$0x3FB7] =	sst s0;
	s0 =	simm.s32 @!p1 $0x0  }
0x14: {  	s2 =	sld [smem:$0x3F9B];
	s0 =	simm.s32 @p1 $0x1  }
0x15: {  	[smem:$0x3FB8] =	sst s0;
	s0 =	simm.s32 @!p2 $0x0  }
0x16: {  	s3 =	sld [smem:$0x3FDB];
	s0 =	simm.s32 @p2 $0x1  }
0x17: {  	s4 =	simm.s32 $0x1BF5;
	[smem:$0x3FBA] =	sst s0  }
0x18: {  	s0 =	sld [smem:$0x3F9D];
	_ =	swait.ge [sflag:s4], $0x0  }
0x19: {  	s7 =	sld [smem:$0x3F9E]  }
0x1a: {  	s8 =	sadd.s32 $0xFFFFE003, lr  }
0x1b: {  	s9 =	sadd.s32 $0xFFFFFEF7, lr;
	s5 =	simm.s32 $0xFFFFFFFF;
	p2 =	slt.u32 s8, $0xFFFFF086  }
0x1c: {  	p1 =	slt.u32 s9, $0xF7A;
	s5 =	simm.s32 @!p2 $0x0  }
0x1d: {  	s5 =	simm.s32 @p1 $0x1;
	p0 =	seq.s32 s7, s2  }
0x1e: {  	s7 =	smul.u32 @!p0 $0xF7A, s2;
	p2 =	seq.s32 @!p0 s5, $0x0  }
0x1f: {  	s9 =	smul.u32 $0xF7A, s1;
	s8 =	simm.s32 @!p0 $0x1BF5;
	p2 =	por !p2, p0  }
0x20: {  	[sflag:s8] =	ssyncset.s32 @!p0 $0xFFFFF086;
	s6 =	sadd.s32 @!p0 s3, s7;
	s7 =	simm.s32 @!p0 $0x108  }
0x21: {  	s3 =	sadd.s32 s3, s9;
	s6 =	sadd.s32 @!p0 $0x88, s6;
	s7 =	simm.s32 @p2 $0x1082  }
0x22: {  	[simem:s7], [sflag:s8] =	dma.local @!p0 [hbm:s6], $0xF7A  }
0x23: {  	s9 =	sor.u32 $0xD0000000, s2;
	s6 =	simm.s32 $0x108;
	_ =	swait.ge @!p0 [sflag:s8], $0x0  }
0x24: {  	s3 =	sadd.s32 $0x88, s3;
	s6 =	simm.s32 @!p1 $0x1082;
	[sflag:s4] =	ssyncset.s32 $0xFFFFF086  }
0x25: {  	[simem:s6], [sflag:s4] =	dma.local [hbm:s3], $0xF7A  }
0x26: {  	[smem:$0x3F9E] =	sst s1;
	(tag) =	ssettag s2;
	_ =	strace s9  }
0x27: {  	s1 =	sld [smem:$0x3FAE]  }
0x28: {  	s2 =	sld [smem:$0x3FAF]  }
0x29: {  	s4 =	sld [smem:$0x3FB1]  }
0x2a: {  	p0 =	seq.s32 s5, $0x0;
	s5 =	sld [smem:$0x3FB2]  }
0x2b: {  	s6 =	sld [smem:$0x3FB3]  }
0x2c: {  	s7 =	sld [smem:$0x3FB4]  }
0x2d: {  	s3 =	simm.s32 $0x108;
	s8 =	sld [smem:$0x3FB5]  }
0x2e: {  	s3 =	simm.s32 @!p0 $0x1082;
	s9 =	sld [smem:$0x3FB6]  }
0x2f: {  	lr =	sadd.s32 s0, s3;
	s0 =	sld [smem:$0x3FAD]  }
0x30: {  	s3 =	sld [smem:$0x3FB0]  }
0x31: {  	[smem:$0x3FB9] =	sst s10  }
0x32: {  	s10 =	sld [smem:$0x3FB7];
	_ =	sdelay $0x3  }
0x33: {  	p0 =	seq.s32 s10, $0x1;
	s10 =	sld [smem:$0x3FB9];
	_ =	sdelay $0x3  }
0x34: {  	[smem:$0x3FB9] =	sst s10  }
0x35: {  	s10 =	sld [smem:$0x3FB8];
	_ =	sdelay $0x3  }
0x36: {  	p1 =	seq.s32 s10, $0x1;
	s10 =	sld [smem:$0x3FB9];
	_ =	sdelay $0x3  }
0x37: {  	[smem:$0x3FB9] =	sst s10  }
0x38: {  	s10 =	sld [smem:$0x3FBA]  }
0x39: {  	_ = 	snop;
	(pc) =	sbr.ind lr, $3  }
0x3a: {  	_ = 	snop  }
0x3b: {  	_ = 	snop  }
0x3c: {  	p2 =	seq.s32 s10, $0x1;
	s10 =	sld [smem:$0x3FB9]  }
0x3d: {  	_ =	shalt  }
0x3e: {  	_ =	shalt  }
0x3f: {  	_ =	shalt  }
0x40: {  	_ =	shalt  }
0x41: {  	_ =	shalt  }
0x42: {  	_ =	shalt  }
0x43: {  	_ =	shalt  }
0x44: {  	_ =	shalt  }
0x45: {  	_ =	shalt  }
0x46: {  	_ =	shalt  }
0x47: {  	_ =	shalt  }
0x48: {  	_ =	shalt  }
0x49: {  	_ =	shalt  }
0x4a: {  	_ =	shalt  }
0x4b: {  	_ =	shalt  }
0x4c: {  	_ =	shalt  }
0x4d: {  	_ =	shalt  }
0x4e: {  	_ =	shalt  }
0x4f: {  	_ =	shalt  }
0x50: {  	_ =	shalt  }
0x51: {  	_ =	shalt  }
0x52: {  	_ =	shalt  }
0x53: {  	_ =	shalt  }
0x54: {  	_ =	shalt  }
0x55: {  	_ =	shalt  }
0x56: {  	_ =	shalt  }
0x57: {  	_ =	shalt  }
0x58: {  	_ =	shalt  }
0x59: {  	_ =	shalt  }
0x5a: {  	_ =	shalt  }
0x5b: {  	_ =	shalt  }
0x5c: {  	_ =	shalt  }
0x5d: {  	_ =	shalt  }
0x5e: {  	_ =	shalt  }
0x5f: {  	_ =	shalt  }
0x60: {  	_ =	shalt  }
0x61: {  	_ =	shalt  }
0x62: {  	_ =	shalt  }
0x63: {  	_ =	shalt  }
0x64: {  	_ =	shalt  }
0x65: {  	_ =	shalt  }
0x66: {  	_ =	shalt  }
0x67: {  	_ =	shalt  }
0x68: {  	_ =	shalt  }
0x69: {  	_ =	shalt  }
0x6a: {  	_ =	shalt  }
0x6b: {  	_ =	shalt  }
0x6c: {  	_ =	shalt  }
0x6d: {  	_ =	shalt  }
0x6e: {  	_ =	shalt  }
0x6f: {  	_ =	shalt  }
0x70: {  	_ =	shalt  }
0x71: {  	_ =	shalt  }
0x72: {  	_ =	shalt  }
0x73: {  	_ =	shalt  }
0x74: {  	_ =	shalt  }
0x75: {  	_ =	shalt  }
0x76: {  	_ =	shalt  }
0x77: {  	_ =	shalt  }
0x78: {  	_ =	shalt  }
0x79: {  	_ =	shalt  }
0x7a: {  	_ =	shalt  }
0x7b: {  	_ =	shalt  }
0x7c: {  	_ =	shalt  }
0x7d: {  	_ =	shalt  }
0x7e: {  	_ =	shalt  }
0x7f: {  	_ =	shalt  }
0x80: {  	_ =	shalt  }
0x81: {  	_ =	shalt  }
0x82: {  	_ =	shalt  }
0x83: {  	_ =	shalt  }
0x84: {  	_ =	shalt  }
0x85: {  	_ =	shalt  }
0x86: {  	_ =	shalt  }
0x87: {  	_ =	shalt  }
.Lfunc_end0:
.L_simem_size_0:
called_computation.1_lowered:
.L_overlay_start_0:
0x88: {  	s2 =	sld [smem:$0x3FD9]  }
0x89: {  	s3 =	sld [smem:$0x3FFE];
	_ =	sdelay $0x1  }
0x8a: {  	s1 =	srdreg.scid  }
0x8b: {  	s0 =	sand.u32 $0x1, s1  }
0x8c: {  	s14 =	sshll.u32 s0, $0xA;
	s2 =	sadd.s32 s3, s2  }
0x8d: {  	s2 =	sadd.s32 s2, s14  }
0x8e: {  	[smem:$0x3FC5] =	sst s2  }
0x8f: {  	_ = 	snop  }
0x90: {  	s2 =	sld [smem:$0x3FD0];
	_ =	sdelay $0x2  }
0x91: {  	s15 =	simm.s32 $0xA;
	s4 =	simm.s32 $0x10  }
0x92: {  	[smem:s4], [sflag:s15] =	dma.local [hbm:s2], $0x1  }
0x93: {  	_ =	swait.eq [sflag:s15], $0x1  }
0x94: {  	[sflag:s15] =	ssyncset.done $0x0  }
0x95: {  	[sflag:s15] =	ssyncadd.s32 $0xFFFFFFFF  }
0x96: {  	s16 =	sld [smem:$0x10];
	(tm) =	ssettm $0x1  }
0x97: {  	s17 =	sld [smem:$0x3FFB];
	_ =	sdelay $0x3  }
0x98: {  	_ =	strace s17  }
0x99: {  	s3 =	sld [smem:$0x3FFC];
	_ =	sdelay $0x3  }
0x9a: {  	_ =	strace s3  }
0x9b: {  	s3 =	sld [smem:$0x3FFD];
	_ =	sdelay $0x3  }
0x9c: {  	_ =	strace s3  }
0x9d: {  	_ =	strace $0x8FFFFFFF  }
0x9e: {  	s18 =	sld [smem:$0x3FDB];
	_ =	sdelay $0x1  }
0x9f: {  	s19 =	simm.s32 $_scs_section_size  }
0xa0: {  	s5 =	simm.s32 $_size__tile_overlayer_lowered;
	s6 =	simm.s32 $_tile_overlayer_lowered  }
0xa1: {  	s22 =	simm.s32 $0x1BFF;
	s21 =	sshll.u32 s6, $0x1;
	s3 =	sadd.s32 s19, s18  }
0xa2: {  	s7 =	simm.s32 $0x0;
	s20 =	sshll.u32 s5, $0x1;
	s5 =	sadd.s32 s21, s3  }
0xa3: {  	[timem:s7], [sflag:s22] =	dma.local [hbm:s5], s20  }
0xa4: {  	_ =	swait.ge [sflag:s22], s20  }
0xa5: {  	s4 =	ssub.s32 $0x0, s20;
	[sflag:s22] =	ssyncset.done $0x0  }
0xa6: {  	[sflag:s22] =	ssyncadd.s32 s4;
	_ =	sdelay $0x1  }
0xa7: {  	s23 =	simm.s32 $0x1B8B  }
0xa8: {  	_ =	swait.ge [sflag:s23], $0x1  }
0xa9: {  	[sflag:s23] =	ssyncset.done $0x0  }
0xaa: {  	s25 =	simm.s32 $0x1B8E;
	s24 =	sld [smem:$0x3FFE];
	[sflag:s23] =	ssyncadd.s32 $0xFFFFFFFF  }
0xab: {  	s26 =	simm.s32 $execute0_lowered;
	[smem:$0x3FD2] =	sst s25  }
0xac: {  	s5 =	sshll.u32 s26, $0x1;
	_ =	strace $0x80000046;
	[dreg:$0x1] =	wrdreg $0xFFFFFFFF  }
0xad: {  	s28 =	simm.s32 $_size_execute0_lowered;
	s3 =	sadd.s32 s3, s5;
	[dreg:$0x0] =	wrdreg $0x0  }
0xae: {  	s5 =	sshll.u32 s28, $0x1;
	[dreg:$0x2] =	wrdreg s3  }
0xaf: {  	[dreg:$0x3] =	wrdreg s5  }
0xb0: {  	[dreg:$0x4] =	wrdreg $0xC0  }
0xb1: {  	_ =	task [dreg:s7], $0x5FFFF  }
0xb2: {  	[dreg:$0x1] =	wrdreg $0xFFFFFFFF  }
0xb3: {  	[dreg:$0x0] =	wrdreg $0x60  }
0xb4: {  	[dreg:$0x2] =	wrdreg s16  }
0xb5: {  	[dreg:$0x3] =	wrdreg s24  }
0xb6: {  	[dreg:$0x4] =	wrdreg $0x9  }
0xb7: {  	_ =	task.clear_ibuf [dreg:s7], $0x5FFFF;
	_ =	strace $0x90000046  }
0xb8: {  	s29 =	simm.s32 $0x9;
	_ =	strace $0x80000048  }
0xb9: {  	_ =	swait.ge [sflag:s29], $0x1  }
0xba: {  	[sflag:s29] =	ssyncadd.s32 $0xFFFFFFFF  }
0xbb: {  	_ =	strace $0x90000048  }
0xbc: {  	_ =	sfence  }
0xbd: {  	s30 =	sld [smem:$0x0];
	_ =	sdelay $0x2  }
0xbe: {  	s31 =	sshll.u32 s1, $0xD;
	s1 =	sshrl.u32 s1, $0x2  }
0xbf: {  	s3 =	sand.u32 $0x4000, s31;
	s1 =	sadd.s32 s1, s30  }
0xc0: {  	s0 =	sor.u32 s3, s0;
	s1 =	sshll.u32 s1, $0x11  }
0xc1: {  	s0 =	sor.u32 s1, s0  }
0xc2: {  	s0 =	sadd.s32 $0x8F2B, s0  }
0xc3: {  	[sflag:s0] =	ssyncadd.remote.s32 $0x1  }
0xc4: {  	_ =	sfence.sel $0xFFFF  }
0xc5: {  	[dreg:$0x0] =	wrdreg $0xFFFFFFFF;
	(pc) =	sbr.abs _section_cstart, $3  }
0xc6: {  	[dreg:$0x1] =	wrdreg $0xFFFFFFFF  }
0xc7: {  	_ =	task.clear_ibuf [dreg:s7], $0x2FFFF;
	_ =	strace $0x9FFFFFFF  }
0xc8: {  	(tm) =	ssettm $0x7FFFFFFF  }
0xc9: {  	_ =	shalt  }
tec
execute0_lowered:
.L_overlay_start_1:
0x0: {  	(tag) =	ssettag $0x1  }
0x1: {  	s1 =	rddreg [dreg:$0x0]  }
0x2: {  	s0 =	rddreg [dreg:$0x1]  }
0x3: {  	s3 =	simm.s32 $0x0;
	s2 =	srdreg.scid;
	s4 =	stileid.u32  }
0x4: {  	s20 =	simm.s32 $0x5;
	s22 =	simm.s32 $0x3800;
	s23 =	simm.s32 $0x20  }
0x5: {  	s28 =	simm.s32 $0x2;
	s29 =	simm.s32 $0x3;
	s30 =	simm.s32 $0x4  }
0x6: {  	[smem:$0x7FF] =	sst s3;
	s2 =	sand.u32 $0x1, s2;
	s4 =	sshll.u32 s4, $0x1  }
0x7: {  	s5 =	sadd.s32 $0x1200, s0;
	s9 =	sadd.s32 $0xDE80, s0;
	s10 =	sadd.s32 $0xDF00, s0  }
0x8: {  	s11 =	sadd.s32 $0xDF80, s0;
	s12 =	sadd.s32 $0xE000, s0;
	s4 =	sor.u32 s2, s4  }
0x9: {  	s13 =	sadd.s32 $0xE080, s0;
	s14 =	sadd.s32 $0xE100, s0;
	s6 =	sshll.u32 s4, $0x4  }
0xa: {  	s15 =	sadd.s32 $0xE180, s0;
	_ =	strace $0x80000047;
	s6 =	sadd.s32 s6, s0  }
0xb: {  	[dreg:$0x3] =	wrdreg s5;
	s2 =	ssub.s32 $0x2, s2;
	s24 =	sadd.s32 $0x1400, s6  }
0xc: {  	s7 =	sshrl.u32 s2, $0x1;
	s25 =	sadd.s32 $0x7800, s6;
	[dreg:$0x4] =	wrdreg s24  }
0xd: {  	v0 =	vlaneseq.u32;
	s2 =	ssub.s32 s2, s7;
	s26 =	sadd.s32 $0xDC00, s6;
	[dreg:$0x5] =	wrdreg s25  }
0xe: {  	v0 =	vmul.u32 $0x400, v0;
	s5 =	sadd.s32 $0xDE00, s0;
	s31 =	smax.u32 s2, $0x1;
	[dreg:$0x6] =	wrdreg s26  }
0xf: {  	s8 =	sshll.u32 s4, $0xF;
	s0 =	simm.s32 $0x0;
	[dreg:$0x7] =	wrdreg s31  }
0x10: {  	v1 =	vimm.s32 $0x0;
	v3 =	vimm.f32 $0.0e+00;
	v2 =	vor.u32 $0x4000, v0;
	s24 =	simm.s32 $0x3C00;
	s25 =	simm.s32 $0x1;
	s26 =	simm.s32 $0xBC00  }
.LBB2_1:
0x11: {  	s2 =	rddreg [dreg:$0x4];
	s4 =	simm.s32 $0x80;
	s6 =	simm.s32 $0x1000  }
0x12: {  	[tilespmem:s3], [sflag:$0x5] =	stream.strided.gather [hbm4b:s2+s4], $0x1900, s6, s4, $0x38;
	[tilespmem:$0x13C80] =	vst v63  }
0x13: {  	_ =	swait.ge [sflag:s20], $0x1900  }
0x14: {  	[sflag:s20] =	ssyncset.done $0x0  }
0x15: {  	s7 =	simm.s32 $0x1C00;
	s21 =	rddreg [dreg:$0x5];
	[sflag:s20] =	ssyncadd.s32 $0xFFFFE700  }
0x16: {  	[tilespmem:s7], [sflag:$0x5] =	stream.strided.gather [hbm4b:s21+s4], $0x1900, s6, s4, $0x38;
	[tilespmem:$0x13C80] =	vst v63  }
0x17: {  	_ =	swait.ge [sflag:s20], $0x1900  }
0x18: {  	[sflag:s20] =	ssyncset.done $0x0  }
0x19: {  	s31 =	rddreg [dreg:$0x3];
	[sflag:s20] =	ssyncadd.s32 $0xFFFFE700  }
0x1a: {  	[tilespmem:s22], [sflag:$0x5] =	stream.linear.gather [hbm4b:s31+s3], $0x400, $0x38;
	[tilespmem:$0x13C80] =	vst v63  }
0x1b: {  	_ =	swait.ge [sflag:s20], $0x400  }
0x1c: {  	[sflag:s20] =	ssyncset.done $0x0  }
0x1d: {  	s2 =	simm.s32 $0x0;
	[sflag:s20] =	ssyncadd.s32 $0xFFFFFC00  }
0x1e: {  	v4 =	vimm.f32 $0.0e+00;
	[tilespmem:s24], [sflag:$0x1] =	stream.indirect.gather [hbm4b:s1+s23], $0x400, s3, s23, $0xb8;
	[tilespmem:$0x13C80] =	vst v63  }
.LBB2_2:
0x1f: {  	_ =	swait.ge [sflag:s25], $0x8000;
	s4 =	sshll.u32 s2, $0x15  }
0x20: {  	s31 =	sshllo.u32 s2, $0x1;
	[sflag:s25] =	ssyncset.done $0x0;
	s4 =	sor.u32 s8, s4  }
0x21: {  	s21 =	sshll.u32 s31, $0x7;
	[sflag:s25] =	ssyncadd.s32 $0xFFFF8000;
	s18 =	sshrl.u32 s4, $0x3  }
0x22: {  	[tilespmem:s26], [sflag:$0x2] =	stream.indirect.gather [hbm4b:s1+s23], $0x400, s21, s23, $0xb8;
	[tilespmem:$0x13C80] =	vst v63  }
0x23: {  	s6 =	simm.s32 $0x3C00;
	s4 =	sadd.s32 s5, s18  }
0x24: {  	[hbm4b:s4+s3] =	stream.linear.scatter [tilespmem:s6], [sflag:$0x3], $0x80, $0x38;
	[tilespmem:$0x13C80] =	vst v63  }
0x25: {  	s16 =	simm.s32 $0x4000;
	s7 =	sadd.s32 $0x10, s4  }
0x26: {  	[hbm4b:s7+s3] =	stream.linear.scatter [tilespmem:s16], [sflag:$0x3], $0x80, $0x38;
	[tilespmem:$0x13C80] =	vst v63  }
0x27: {  	s17 =	simm.s32 $0x4400;
	s19 =	sadd.s32 $0x20, s4  }
0x28: {  	[hbm4b:s19+s3] =	stream.linear.scatter [tilespmem:s17], [sflag:$0x3], $0x80, $0x38;
	[tilespmem:$0x13C80] =	vst v63  }
0x29: {  	s7 =	simm.s32 $0x4800;
	s16 =	sadd.s32 $0x30, s4  }
0x2a: {  	[hbm4b:s16+s3] =	stream.linear.scatter [tilespmem:s7], [sflag:$0x3], $0x80, $0x38;
	[tilespmem:$0x13C80] =	vst v63  }
0x2b: {  	s17 =	simm.s32 $0x4C00;
	s19 =	sadd.s32 $0x40, s4  }
0x2c: {  	[hbm4b:s19+s3] =	stream.linear.scatter [tilespmem:s17], [sflag:$0x3], $0x80, $0x38;
	[tilespmem:$0x13C80] =	vst v63  }
0x2d: {  	s6 =	simm.s32 $0x10000;
	s7 =	simm.s32 $0x5000;
	s16 =	sadd.s32 $0x50, s4  }
0x2e: {  	[hbm4b:s16+s3] =	stream.linear.scatter [tilespmem:s7], [sflag:$0x3], $0x80, $0x38;
	[tilespmem:$0x13C80] =	vst v63  }
0x2f: {  	s17 =	simm.s32 $0x5400;
	s19 =	sadd.s32 $0x60, s4;
	s7 =	simm.s32 $0x5800  }
0x30: {  	[hbm4b:s19+s3] =	stream.linear.scatter [tilespmem:s17], [sflag:$0x3], $0x80, $0x38;
	[tilespmem:$0x13C80] =	vst v63  }
0x31: {  	s16 =	sadd.s32 $0x70, s4;
	s4 =	sadd.s32 $0x400, s4;
	s19 =	simm.s32 $0x2000  }
.LBB2_3:
0x32: {  	[hbm4b:s16+s3] =	stream.linear.scatter [tilespmem:s7], [sflag:$0x3], $0x80, $0x38;
	[tilespmem:$0x13C80] =	vst v63  }
0x33: {  	s7 =	smov.u32 s19;
	s16 =	smov.u32 s6  }
0x34: {  	s17 =	sadd.s32 $0x8000, s6;
	s19 =	sshra.s32 s16, $0x2;
	s16 =	sadd.s32 $0x3C00, s7  }
0x35: {  	[hbm4b:s4+s3] =	stream.linear.scatter [tilespmem:s16], [sflag:$0x3], $0x80, $0x38;
	[tilespmem:$0x13C80] =	vst v63  }
0x36: {  	p0 =	sne.s32 s6, $0x18000;
	s6 =	sadd.s32 $0x4000, s7;
	s16 =	sadd.s32 $0x10, s4  }
0x37: {  	[hbm4b:s16+s3] =	stream.linear.scatter [tilespmem:s6], [sflag:$0x3], $0x80, $0x38;
	[tilespmem:$0x13C80] =	vst v63  }
0x38: {  	s6 =	sadd.s32 $0x4400, s7;
	s16 =	sadd.s32 $0x20, s4  }
0x39: {  	[hbm4b:s16+s3] =	stream.linear.scatter [tilespmem:s6], [sflag:$0x3], $0x80, $0x38;
	[tilespmem:$0x13C80] =	vst v63  }
0x3a: {  	s6 =	sadd.s32 $0x4800, s7;
	s16 =	sadd.s32 $0x30, s4  }
0x3b: {  	[hbm4b:s16+s3] =	stream.linear.scatter [tilespmem:s6], [sflag:$0x3], $0x80, $0x38;
	[tilespmem:$0x13C80] =	vst v63  }
0x3c: {  	s6 =	sadd.s32 $0x4C00, s7;
	s16 =	sadd.s32 $0x40, s4  }
0x3d: {  	[hbm4b:s16+s3] =	stream.linear.scatter [tilespmem:s6], [sflag:$0x3], $0x80, $0x38;
	[tilespmem:$0x13C80] =	vst v63  }
.Ltmp0:
0x3e: {  	s6 =	sadd.s32 $0x5000, s7;
	s16 =	sadd.s32 $0x50, s4;
	(pc) =	sbr.rel @p0 .LBB2_3-.Ltmp0, $4  }
0x3f: {  	[hbm4b:s16+s3] =	stream.linear.scatter [tilespmem:s6], [sflag:$0x3], $0x80, $0x38;
	[tilespmem:$0x13C80] =	vst v63  }
0x40: {  	s6 =	sadd.s32 $0x5400, s7;
	s16 =	sadd.s32 $0x60, s4;
	s7 =	sadd.s32 $0x5800, s7  }
0x41: {  	[hbm4b:s16+s3] =	stream.linear.scatter [tilespmem:s6], [sflag:$0x3], $0x80, $0x38;
	[tilespmem:$0x13C80] =	vst v63  }
0x42: {  	s16 =	sadd.s32 $0x70, s4;
	s4 =	sadd.s32 $0x400, s4;
	s6 =	smov.u32 s17  }
0x43: {  	[hbm4b:s16+s3] =	stream.linear.scatter [tilespmem:s7], [sflag:$0x3], $0x80, $0x38;
	[tilespmem:$0x13C80] =	vst v63  }
0x44: {  	s6 =	sadd.s32 $0x3C00, s19  }
0x45: {  	[hbm4b:s4+s3] =	stream.linear.scatter [tilespmem:s6], [sflag:$0x3], $0x80, $0x38;
	[tilespmem:$0x13C80] =	vst v63  }
0x46: {  	s16 =	sadd.s32 $0x4000, s19;
	s17 =	sadd.s32 $0x10, s4  }
0x47: {  	[hbm4b:s17+s3] =	stream.linear.scatter [tilespmem:s16], [sflag:$0x3], $0x80, $0x38;
	[tilespmem:$0x13C80] =	vst v63  }
0x48: {  	s16 =	sadd.s32 $0x4400, s19;
	s17 =	sadd.s32 $0x20, s4  }
0x49: {  	[hbm4b:s17+s3] =	stream.linear.scatter [tilespmem:s16], [sflag:$0x3], $0x80, $0x38;
	[tilespmem:$0x13C80] =	vst v63  }
0x4a: {  	s16 =	sadd.s32 $0x4800, s19;
	s17 =	sadd.s32 $0x30, s4  }
0x4b: {  	[hbm4b:s17+s3] =	stream.linear.scatter [tilespmem:s16], [sflag:$0x3], $0x80, $0x38;
	[tilespmem:$0x13C80] =	vst v63  }
0x4c: {  	s16 =	sadd.s32 $0x4C00, s19;
	s17 =	sadd.s32 $0x40, s4  }
0x4d: {  	[hbm4b:s17+s3] =	stream.linear.scatter [tilespmem:s16], [sflag:$0x3], $0x80, $0x38;
	[tilespmem:$0x13C80] =	vst v63  }
0x4e: {  	s16 =	sadd.s32 $0x5000, s19;
	s17 =	sadd.s32 $0x50, s4  }
0x4f: {  	[hbm4b:s17+s3] =	stream.linear.scatter [tilespmem:s16], [sflag:$0x3], $0x80, $0x38;
	[tilespmem:$0x13C80] =	vst v63  }
0x50: {  	s16 =	sadd.s32 $0x5400, s19;
	s17 =	sadd.s32 $0x60, s4  }
0x51: {  	[hbm4b:s17+s3] =	stream.linear.scatter [tilespmem:s16], [sflag:$0x3], $0x80, $0x38;
	[tilespmem:$0x13C80] =	vst v63  }
0x52: {  	s16 =	sadd.s32 $0x5800, s19;
	s17 =	sadd.s32 $0x70, s4  }
0x53: {  	[hbm4b:s17+s3] =	stream.linear.scatter [tilespmem:s16], [sflag:$0x3], $0x80, $0x38;
	[tilespmem:$0x13C80] =	vst v63  }
0x54: {  	s19 =	simm.s32 $0x3C80;
	s17 =	sadd.s32 s18, s9  }
0x55: {  	[hbm4b:s17+s3] =	stream.linear.scatter [tilespmem:s19], [sflag:$0x3], $0x80, $0x38;
	[tilespmem:$0x13C80] =	vst v63  }
0x56: {  	s6 =	simm.s32 $0x4080;
	s7 =	sadd.s32 $0x10, s17  }
0x57: {  	[hbm4b:s7+s3] =	stream.linear.scatter [tilespmem:s6], [sflag:$0x3], $0x80, $0x38;
	[tilespmem:$0x13C80] =	vst v63  }
0x58: {  	s16 =	simm.s32 $0x4480;
	s19 =	sadd.s32 $0x20, s17  }
0x59: {  	[hbm4b:s19+s3] =	stream.linear.scatter [tilespmem:s16], [sflag:$0x3], $0x80, $0x38;
	[tilespmem:$0x13C80] =	vst v63  }
0x5a: {  	s6 =	simm.s32 $0x4880;
	s7 =	sadd.s32 $0x30, s17  }
0x5b: {  	[hbm4b:s7+s3] =	stream.linear.scatter [tilespmem:s6], [sflag:$0x3], $0x80, $0x38;
	[tilespmem:$0x13C80] =	vst v63  }
0x5c: {  	s16 =	simm.s32 $0x4C80;
	s19 =	sadd.s32 $0x40, s17  }
0x5d: {  	[hbm4b:s19+s3] =	stream.linear.scatter [tilespmem:s16], [sflag:$0x3], $0x80, $0x38;
	[tilespmem:$0x13C80] =	vst v63  }
0x5e: {  	s4 =	simm.s32 $0x2000;
	s6 =	simm.s32 $0x5080;
	s7 =	sadd.s32 $0x50, s17  }
0x5f: {  	[hbm4b:s7+s3] =	stream.linear.scatter [tilespmem:s6], [sflag:$0x3], $0x80, $0x38;
	[tilespmem:$0x13C80] =	vst v63  }
0x60: {  	s16 =	simm.s32 $0x5480;
	s19 =	sadd.s32 $0x60, s17;
	s6 =	simm.s32 $0x10000  }
0x61: {  	[hbm4b:s19+s3] =	stream.linear.scatter [tilespmem:s16], [sflag:$0x3], $0x80, $0x38;
	[tilespmem:$0x13C80] =	vst v63  }
0x62: {  	s7 =	simm.s32 $0x5880;
	s16 =	sadd.s32 $0x70, s17;
	s19 =	sadd.s32 $0x400, s17  }
.LBB2_5:
0x63: {  	[hbm4b:s16+s3] =	stream.linear.scatter [tilespmem:s7], [sflag:$0x3], $0x80, $0x38;
	[tilespmem:$0x13C80] =	vst v63  }
0x64: {  	s7 =	smov.u32 s4;
	s4 =	smov.u32 s6  }
0x65: {  	s17 =	sadd.s32 $0x8000, s6;
	s4 =	sshra.s32 s4, $0x2;
	s16 =	sadd.s32 $0x3C80, s7  }
0x66: {  	[hbm4b:s19+s3] =	stream.linear.scatter [tilespmem:s16], [sflag:$0x3], $0x80, $0x38;
	[tilespmem:$0x13C80] =	vst v63  }
0x67: {  	p0 =	sne.s32 s6, $0x18000;
	s6 =	sadd.s32 $0x4080, s7;
	s16 =	sadd.s32 $0x10, s19  }
0x68: {  	[hbm4b:s16+s3] =	stream.linear.scatter [tilespmem:s6], [sflag:$0x3], $0x80, $0x38;
	[tilespmem:$0x13C80] =	vst v63  }
0x69: {  	s6 =	sadd.s32 $0x4480, s7;
	s16 =	sadd.s32 $0x20, s19  }
0x6a: {  	[hbm4b:s16+s3] =	stream.linear.scatter [tilespmem:s6], [sflag:$0x3], $0x80, $0x38;
	[tilespmem:$0x13C80] =	vst v63  }
0x6b: {  	s6 =	sadd.s32 $0x4880, s7;
	s16 =	sadd.s32 $0x30, s19  }
0x6c: {  	[hbm4b:s16+s3] =	stream.linear.scatter [tilespmem:s6], [sflag:$0x3], $0x80, $0x38;
	[tilespmem:$0x13C80] =	vst v63  }
0x6d: {  	s6 =	sadd.s32 $0x4C80, s7;
	s16 =	sadd.s32 $0x40, s19  }
0x6e: {  	[hbm4b:s16+s3] =	stream.linear.scatter [tilespmem:s6], [sflag:$0x3], $0x80, $0x38;
	[tilespmem:$0x13C80] =	vst v63  }
.Ltmp1:
0x6f: {  	s6 =	sadd.s32 $0x5080, s7;
	s16 =	sadd.s32 $0x50, s19;
	(pc) =	sbr.rel @p0 .LBB2_5-.Ltmp1, $4  }
0x70: {  	[hbm4b:s16+s3] =	stream.linear.scatter [tilespmem:s6], [sflag:$0x3], $0x80, $0x38;
	[tilespmem:$0x13C80] =	vst v63  }
0x71: {  	s6 =	sadd.s32 $0x5480, s7;
	s16 =	sadd.s32 $0x60, s19;
	s7 =	sadd.s32 $0x5880, s7  }
0x72: {  	[hbm4b:s16+s3] =	stream.linear.scatter [tilespmem:s6], [sflag:$0x3], $0x80, $0x38;
	[tilespmem:$0x13C80] =	vst v63  }
0x73: {  	s16 =	sadd.s32 $0x70, s19;
	s19 =	sadd.s32 $0x400, s19;
	s6 =	smov.u32 s17  }
0x74: {  	[hbm4b:s16+s3] =	stream.linear.scatter [tilespmem:s7], [sflag:$0x3], $0x80, $0x38;
	[tilespmem:$0x13C80] =	vst v63  }
0x75: {  	s6 =	sadd.s32 $0x3C80, s4  }
0x76: {  	[hbm4b:s19+s3] =	stream.linear.scatter [tilespmem:s6], [sflag:$0x3], $0x80, $0x38;
	[tilespmem:$0x13C80] =	vst v63  }
0x77: {  	s16 =	sadd.s32 $0x4080, s4;
	s17 =	sadd.s32 $0x10, s19  }
0x78: {  	[hbm4b:s17+s3] =	stream.linear.scatter [tilespmem:s16], [sflag:$0x3], $0x80, $0x38;
	[tilespmem:$0x13C80] =	vst v63  }
0x79: {  	s16 =	sadd.s32 $0x4480, s4;
	s17 =	sadd.s32 $0x20, s19  }
0x7a: {  	[hbm4b:s17+s3] =	stream.linear.scatter [tilespmem:s16], [sflag:$0x3], $0x80, $0x38;
	[tilespmem:$0x13C80] =	vst v63  }
0x7b: {  	s16 =	sadd.s32 $0x4880, s4;
	s17 =	sadd.s32 $0x30, s19  }
0x7c: {  	[hbm4b:s17+s3] =	stream.linear.scatter [tilespmem:s16], [sflag:$0x3], $0x80, $0x38;
	[tilespmem:$0x13C80] =	vst v63  }
0x7d: {  	s16 =	sadd.s32 $0x4C80, s4;
	s17 =	sadd.s32 $0x40, s19  }
0x7e: {  	[hbm4b:s17+s3] =	stream.linear.scatter [tilespmem:s16], [sflag:$0x3], $0x80, $0x38;
	[tilespmem:$0x13C80] =	vst v63  }
0x7f: {  	s16 =	sadd.s32 $0x5080, s4;
	s17 =	sadd.s32 $0x50, s19  }
0x80: {  	[hbm4b:s17+s3] =	stream.linear.scatter [tilespmem:s16], [sflag:$0x3], $0x80, $0x38;
	[tilespmem:$0x13C80] =	vst v63  }
0x81: {  	s16 =	sadd.s32 $0x5480, s4;
	s17 =	sadd.s32 $0x60, s19  }
0x82: {  	[hbm4b:s17+s3] =	stream.linear.scatter [tilespmem:s16], [sflag:$0x3], $0x80, $0x38;
	[tilespmem:$0x13C80] =	vst v63  }
0x83: {  	s16 =	sadd.s32 $0x5880, s4;
	s17 =	sadd.s32 $0x70, s19  }
0x84: {  	[hbm4b:s17+s3] =	stream.linear.scatter [tilespmem:s16], [sflag:$0x3], $0x80, $0x38;
	[tilespmem:$0x13C80] =	vst v63  }
0x85: {  	s19 =	simm.s32 $0x3D00;
	s17 =	sadd.s32 s18, s10  }
0x86: {  	[hbm4b:s17+s3] =	stream.linear.scatter [tilespmem:s19], [sflag:$0x3], $0x80, $0x38;
	[tilespmem:$0x13C80] =	vst v63  }
0x87: {  	s6 =	simm.s32 $0x4100;
	s7 =	sadd.s32 $0x10, s17  }
0x88: {  	[hbm4b:s7+s3] =	stream.linear.scatter [tilespmem:s6], [sflag:$0x3], $0x80, $0x38;
	[tilespmem:$0x13C80] =	vst v63  }
0x89: {  	s16 =	simm.s32 $0x4500;
	s19 =	sadd.s32 $0x20, s17  }
0x8a: {  	[hbm4b:s19+s3] =	stream.linear.scatter [tilespmem:s16], [sflag:$0x3], $0x80, $0x38;
	[tilespmem:$0x13C80] =	vst v63  }
0x8b: {  	s6 =	simm.s32 $0x4900;
	s7 =	sadd.s32 $0x30, s17  }
0x8c: {  	[hbm4b:s7+s3] =	stream.linear.scatter [tilespmem:s6], [sflag:$0x3], $0x80, $0x38;
	[tilespmem:$0x13C80] =	vst v63  }
0x8d: {  	s16 =	simm.s32 $0x4D00;
	s19 =	sadd.s32 $0x40, s17  }
0x8e: {  	[hbm4b:s19+s3] =	stream.linear.scatter [tilespmem:s16], [sflag:$0x3], $0x80, $0x38;
	[tilespmem:$0x13C80] =	vst v63  }
0x8f: {  	s4 =	simm.s32 $0x2000;
	s6 =	simm.s32 $0x5100;
	s7 =	sadd.s32 $0x50, s17  }
0x90: {  	[hbm4b:s7+s3] =	stream.linear.scatter [tilespmem:s6], [sflag:$0x3], $0x80, $0x38;
	[tilespmem:$0x13C80] =	vst v63  }
0x91: {  	s16 =	simm.s32 $0x5500;
	s19 =	sadd.s32 $0x60, s17;
	s6 =	simm.s32 $0x10000  }
0x92: {  	[hbm4b:s19+s3] =	stream.linear.scatter [tilespmem:s16], [sflag:$0x3], $0x80, $0x38;
	[tilespmem:$0x13C80] =	vst v63  }
0x93: {  	s7 =	simm.s32 $0x5900;
	s16 =	sadd.s32 $0x70, s17;
	s19 =	sadd.s32 $0x400, s17  }
.LBB2_7:
0x94: {  	[hbm4b:s16+s3] =	stream.linear.scatter [tilespmem:s7], [sflag:$0x3], $0x80, $0x38;
	[tilespmem:$0x13C80] =	vst v63  }
0x95: {  	s7 =	smov.u32 s4;
	s4 =	smov.u32 s6  }
0x96: {  	s17 =	sadd.s32 $0x8000, s6;
	s4 =	sshra.s32 s4, $0x2;
	s16 =	sadd.s32 $0x3D00, s7  }
0x97: {  	[hbm4b:s19+s3] =	stream.linear.scatter [tilespmem:s16], [sflag:$0x3], $0x80, $0x38;
	[tilespmem:$0x13C80] =	vst v63  }
0x98: {  	p0 =	sne.s32 s6, $0x18000;
	s6 =	sadd.s32 $0x4100, s7;
	s16 =	sadd.s32 $0x10, s19  }
0x99: {  	[hbm4b:s16+s3] =	stream.linear.scatter [tilespmem:s6], [sflag:$0x3], $0x80, $0x38;
	[tilespmem:$0x13C80] =	vst v63  }
0x9a: {  	s6 =	sadd.s32 $0x4500, s7;
	s16 =	sadd.s32 $0x20, s19  }
0x9b: {  	[hbm4b:s16+s3] =	stream.linear.scatter [tilespmem:s6], [sflag:$0x3], $0x80, $0x38;
	[tilespmem:$0x13C80] =	vst v63  }
0x9c: {  	s6 =	sadd.s32 $0x4900, s7;
	s16 =	sadd.s32 $0x30, s19  }
0x9d: {  	[hbm4b:s16+s3] =	stream.linear.scatter [tilespmem:s6], [sflag:$0x3], $0x80, $0x38;
	[tilespmem:$0x13C80] =	vst v63  }
0x9e: {  	s6 =	sadd.s32 $0x4D00, s7;
	s16 =	sadd.s32 $0x40, s19  }
0x9f: {  	[hbm4b:s16+s3] =	stream.linear.scatter [tilespmem:s6], [sflag:$0x3], $0x80, $0x38;
	[tilespmem:$0x13C80] =	vst v63  }
.Ltmp2:
0xa0: {  	s6 =	sadd.s32 $0x5100, s7;
	s16 =	sadd.s32 $0x50, s19;
	(pc) =	sbr.rel @p0 .LBB2_7-.Ltmp2, $4  }
0xa1: {  	[hbm4b:s16+s3] =	stream.linear.scatter [tilespmem:s6], [sflag:$0x3], $0x80, $0x38;
	[tilespmem:$0x13C80] =	vst v63  }
0xa2: {  	s6 =	sadd.s32 $0x5500, s7;
	s16 =	sadd.s32 $0x60, s19;
	s7 =	sadd.s32 $0x5900, s7  }
0xa3: {  	[hbm4b:s16+s3] =	stream.linear.scatter [tilespmem:s6], [sflag:$0x3], $0x80, $0x38;
	[tilespmem:$0x13C80] =	vst v63  }
0xa4: {  	s16 =	sadd.s32 $0x70, s19;
	s19 =	sadd.s32 $0x400, s19;
	s6 =	smov.u32 s17  }
0xa5: {  	[hbm4b:s16+s3] =	stream.linear.scatter [tilespmem:s7], [sflag:$0x3], $0x80, $0x38;
	[tilespmem:$0x13C80] =	vst v63  }
0xa6: {  	s6 =	sadd.s32 $0x3D00, s4  }
0xa7: {  	[hbm4b:s19+s3] =	stream.linear.scatter [tilespmem:s6], [sflag:$0x3], $0x80, $0x38;
	[tilespmem:$0x13C80] =	vst v63  }
0xa8: {  	s16 =	sadd.s32 $0x4100, s4;
	s17 =	sadd.s32 $0x10, s19  }
0xa9: {  	[hbm4b:s17+s3] =	stream.linear.scatter [tilespmem:s16], [sflag:$0x3], $0x80, $0x38;
	[tilespmem:$0x13C80] =	vst v63  }
0xaa: {  	s16 =	sadd.s32 $0x4500, s4;
	s17 =	sadd.s32 $0x20, s19  }
0xab: {  	[hbm4b:s17+s3] =	stream.linear.scatter [tilespmem:s16], [sflag:$0x3], $0x80, $0x38;
	[tilespmem:$0x13C80] =	vst v63  }
0xac: {  	s16 =	sadd.s32 $0x4900, s4;
	s17 =	sadd.s32 $0x30, s19  }
0xad: {  	[hbm4b:s17+s3] =	stream.linear.scatter [tilespmem:s16], [sflag:$0x3], $0x80, $0x38;
	[tilespmem:$0x13C80] =	vst v63  }
0xae: {  	s16 =	sadd.s32 $0x4D00, s4;
	s17 =	sadd.s32 $0x40, s19  }
0xaf: {  	[hbm4b:s17+s3] =	stream.linear.scatter [tilespmem:s16], [sflag:$0x3], $0x80, $0x38;
	[tilespmem:$0x13C80] =	vst v63  }
0xb0: {  	s16 =	sadd.s32 $0x5100, s4;
	s17 =	sadd.s32 $0x50, s19  }
0xb1: {  	[hbm4b:s17+s3] =	stream.linear.scatter [tilespmem:s16], [sflag:$0x3], $0x80, $0x38;
	[tilespmem:$0x13C80] =	vst v63  }
0xb2: {  	s16 =	sadd.s32 $0x5500, s4;
	s17 =	sadd.s32 $0x60, s19  }
0xb3: {  	[hbm4b:s17+s3] =	stream.linear.scatter [tilespmem:s16], [sflag:$0x3], $0x80, $0x38;
	[tilespmem:$0x13C80] =	vst v63  }
0xb4: {  	s16 =	sadd.s32 $0x5900, s4;
	s17 =	sadd.s32 $0x70, s19  }
0xb5: {  	[hbm4b:s17+s3] =	stream.linear.scatter [tilespmem:s16], [sflag:$0x3], $0x80, $0x38;
	[tilespmem:$0x13C80] =	vst v63  }
0xb6: {  	s19 =	simm.s32 $0x3D80;
	s17 =	sadd.s32 s18, s11  }
0xb7: {  	[hbm4b:s17+s3] =	stream.linear.scatter [tilespmem:s19], [sflag:$0x3], $0x80, $0x38;
	[tilespmem:$0x13C80] =	vst v63  }
0xb8: {  	s6 =	simm.s32 $0x4180;
	s7 =	sadd.s32 $0x10, s17  }
0xb9: {  	[hbm4b:s7+s3] =	stream.linear.scatter [tilespmem:s6], [sflag:$0x3], $0x80, $0x38;
	[tilespmem:$0x13C80] =	vst v63  }
0xba: {  	s16 =	simm.s32 $0x4580;
	s19 =	sadd.s32 $0x20, s17  }
0xbb: {  	[hbm4b:s19+s3] =	stream.linear.scatter [tilespmem:s16], [sflag:$0x3], $0x80, $0x38;
	[tilespmem:$0x13C80] =	vst v63  }
0xbc: {  	s6 =	simm.s32 $0x4980;
	s7 =	sadd.s32 $0x30, s17  }
0xbd: {  	[hbm4b:s7+s3] =	stream.linear.scatter [tilespmem:s6], [sflag:$0x3], $0x80, $0x38;
	[tilespmem:$0x13C80] =	vst v63  }
0xbe: {  	s16 =	simm.s32 $0x4D80;
	s19 =	sadd.s32 $0x40, s17  }
0xbf: {  	[hbm4b:s19+s3] =	stream.linear.scatter [tilespmem:s16], [sflag:$0x3], $0x80, $0x38;
	[tilespmem:$0x13C80] =	vst v63  }
0xc0: {  	s4 =	simm.s32 $0x2000;
	s6 =	simm.s32 $0x5180;
	s7 =	sadd.s32 $0x50, s17  }
0xc1: {  	[hbm4b:s7+s3] =	stream.linear.scatter [tilespmem:s6], [sflag:$0x3], $0x80, $0x38;
	[tilespmem:$0x13C80] =	vst v63  }
0xc2: {  	s16 =	simm.s32 $0x5580;
	s19 =	sadd.s32 $0x60, s17;
	s6 =	simm.s32 $0x10000  }
0xc3: {  	[hbm4b:s19+s3] =	stream.linear.scatter [tilespmem:s16], [sflag:$0x3], $0x80, $0x38;
	[tilespmem:$0x13C80] =	vst v63  }
0xc4: {  	s7 =	simm.s32 $0x5980;
	s16 =	sadd.s32 $0x70, s17;
	s19 =	sadd.s32 $0x400, s17  }
.LBB2_9:
0xc5: {  	[hbm4b:s16+s3] =	stream.linear.scatter [tilespmem:s7], [sflag:$0x3], $0x80, $0x38;
	[tilespmem:$0x13C80] =	vst v63  }
0xc6: {  	s7 =	smov.u32 s4;
	s4 =	smov.u32 s6  }
0xc7: {  	s17 =	sadd.s32 $0x8000, s6;
	s4 =	sshra.s32 s4, $0x2;
	s16 =	sadd.s32 $0x3D80, s7  }
0xc8: {  	[hbm4b:s19+s3] =	stream.linear.scatter [tilespmem:s16], [sflag:$0x3], $0x80, $0x38;
	[tilespmem:$0x13C80] =	vst v63  }
0xc9: {  	p0 =	sne.s32 s6, $0x18000;
	s6 =	sadd.s32 $0x4180, s7;
	s16 =	sadd.s32 $0x10, s19  }
0xca: {  	[hbm4b:s16+s3] =	stream.linear.scatter [tilespmem:s6], [sflag:$0x3], $0x80, $0x38;
	[tilespmem:$0x13C80] =	vst v63  }
0xcb: {  	s6 =	sadd.s32 $0x4580, s7;
	s16 =	sadd.s32 $0x20, s19  }
0xcc: {  	[hbm4b:s16+s3] =	stream.linear.scatter [tilespmem:s6], [sflag:$0x3], $0x80, $0x38;
	[tilespmem:$0x13C80] =	vst v63  }
0xcd: {  	s6 =	sadd.s32 $0x4980, s7;
	s16 =	sadd.s32 $0x30, s19  }
0xce: {  	[hbm4b:s16+s3] =	stream.linear.scatter [tilespmem:s6], [sflag:$0x3], $0x80, $0x38;
	[tilespmem:$0x13C80] =	vst v63  }
0xcf: {  	s6 =	sadd.s32 $0x4D80, s7;
	s16 =	sadd.s32 $0x40, s19  }
0xd0: {  	[hbm4b:s16+s3] =	stream.linear.scatter [tilespmem:s6], [sflag:$0x3], $0x80, $0x38;
	[tilespmem:$0x13C80] =	vst v63  }
.Ltmp3:
0xd1: {  	s6 =	sadd.s32 $0x5180, s7;
	s16 =	sadd.s32 $0x50, s19;
	(pc) =	sbr.rel @p0 .LBB2_9-.Ltmp3, $4  }
0xd2: {  	[hbm4b:s16+s3] =	stream.linear.scatter [tilespmem:s6], [sflag:$0x3], $0x80, $0x38;
	[tilespmem:$0x13C80] =	vst v63  }
0xd3: {  	s6 =	sadd.s32 $0x5580, s7;
	s16 =	sadd.s32 $0x60, s19;
	s7 =	sadd.s32 $0x5980, s7  }
0xd4: {  	[hbm4b:s16+s3] =	stream.linear.scatter [tilespmem:s6], [sflag:$0x3], $0x80, $0x38;
	[tilespmem:$0x13C80] =	vst v63  }
0xd5: {  	s16 =	sadd.s32 $0x70, s19;
	s19 =	sadd.s32 $0x400, s19;
	s6 =	smov.u32 s17  }
0xd6: {  	[hbm4b:s16+s3] =	stream.linear.scatter [tilespmem:s7], [sflag:$0x3], $0x80, $0x38;
	[tilespmem:$0x13C80] =	vst v63  }
0xd7: {  	s6 =	sadd.s32 $0x3D80, s4  }
0xd8: {  	[hbm4b:s19+s3] =	stream.linear.scatter [tilespmem:s6], [sflag:$0x3], $0x80, $0x38;
	[tilespmem:$0x13C80] =	vst v63  }
0xd9: {  	s16 =	sadd.s32 $0x4180, s4;
	s17 =	sadd.s32 $0x10, s19  }
0xda: {  	[hbm4b:s17+s3] =	stream.linear.scatter [tilespmem:s16], [sflag:$0x3], $0x80, $0x38;
	[tilespmem:$0x13C80] =	vst v63  }
0xdb: {  	s16 =	sadd.s32 $0x4580, s4;
	s17 =	sadd.s32 $0x20, s19  }
0xdc: {  	[hbm4b:s17+s3] =	stream.linear.scatter [tilespmem:s16], [sflag:$0x3], $0x80, $0x38;
	[tilespmem:$0x13C80] =	vst v63  }
0xdd: {  	s16 =	sadd.s32 $0x4980, s4;
	s17 =	sadd.s32 $0x30, s19  }
0xde: {  	[hbm4b:s17+s3] =	stream.linear.scatter [tilespmem:s16], [sflag:$0x3], $0x80, $0x38;
	[tilespmem:$0x13C80] =	vst v63  }
0xdf: {  	s16 =	sadd.s32 $0x4D80, s4;
	s17 =	sadd.s32 $0x40, s19  }
0xe0: {  	[hbm4b:s17+s3] =	stream.linear.scatter [tilespmem:s16], [sflag:$0x3], $0x80, $0x38;
	[tilespmem:$0x13C80] =	vst v63  }
0xe1: {  	s16 =	sadd.s32 $0x5180, s4;
	s17 =	sadd.s32 $0x50, s19  }
0xe2: {  	[hbm4b:s17+s3] =	stream.linear.scatter [tilespmem:s16], [sflag:$0x3], $0x80, $0x38;
	[tilespmem:$0x13C80] =	vst v63  }
0xe3: {  	s16 =	sadd.s32 $0x5580, s4;
	s17 =	sadd.s32 $0x60, s19  }
0xe4: {  	[hbm4b:s17+s3] =	stream.linear.scatter [tilespmem:s16], [sflag:$0x3], $0x80, $0x38;
	[tilespmem:$0x13C80] =	vst v63  }
0xe5: {  	s16 =	sadd.s32 $0x5980, s4;
	s17 =	sadd.s32 $0x70, s19  }
0xe6: {  	[hbm4b:s17+s3] =	stream.linear.scatter [tilespmem:s16], [sflag:$0x3], $0x80, $0x38;
	[tilespmem:$0x13C80] =	vst v63  }
0xe7: {  	s19 =	simm.s32 $0x3E00;
	s17 =	sadd.s32 s18, s12  }
0xe8: {  	[hbm4b:s17+s3] =	stream.linear.scatter [tilespmem:s19], [sflag:$0x3], $0x80, $0x38;
	[tilespmem:$0x13C80] =	vst v63  }
0xe9: {  	s6 =	simm.s32 $0x4200;
	s7 =	sadd.s32 $0x10, s17  }
0xea: {  	[hbm4b:s7+s3] =	stream.linear.scatter [tilespmem:s6], [sflag:$0x3], $0x80, $0x38;
	[tilespmem:$0x13C80] =	vst v63  }
0xeb: {  	s16 =	simm.s32 $0x4600;
	s19 =	sadd.s32 $0x20, s17  }
0xec: {  	[hbm4b:s19+s3] =	stream.linear.scatter [tilespmem:s16], [sflag:$0x3], $0x80, $0x38;
	[tilespmem:$0x13C80] =	vst v63  }
0xed: {  	s6 =	simm.s32 $0x4A00;
	s7 =	sadd.s32 $0x30, s17  }
0xee: {  	[hbm4b:s7+s3] =	stream.linear.scatter [tilespmem:s6], [sflag:$0x3], $0x80, $0x38;
	[tilespmem:$0x13C80] =	vst v63  }
0xef: {  	s16 =	simm.s32 $0x4E00;
	s19 =	sadd.s32 $0x40, s17  }
0xf0: {  	[hbm4b:s19+s3] =	stream.linear.scatter [tilespmem:s16], [sflag:$0x3], $0x80, $0x38;
	[tilespmem:$0x13C80] =	vst v63  }
0xf1: {  	s4 =	simm.s32 $0x2000;
	s6 =	simm.s32 $0x5200;
	s7 =	sadd.s32 $0x50, s17  }
0xf2: {  	[hbm4b:s7+s3] =	stream.linear.scatter [tilespmem:s6], [sflag:$0x3], $0x80, $0x38;
	[tilespmem:$0x13C80] =	vst v63  }
0xf3: {  	s16 =	simm.s32 $0x5600;
	s19 =	sadd.s32 $0x60, s17;
	s6 =	simm.s32 $0x10000  }
0xf4: {  	[hbm4b:s19+s3] =	stream.linear.scatter [tilespmem:s16], [sflag:$0x3], $0x80, $0x38;
	[tilespmem:$0x13C80] =	vst v63  }
0xf5: {  	s7 =	simm.s32 $0x5A00;
	s16 =	sadd.s32 $0x70, s17;
	s19 =	sadd.s32 $0x400, s17  }
.LBB2_11:
0xf6: {  	[hbm4b:s16+s3] =	stream.linear.scatter [tilespmem:s7], [sflag:$0x3], $0x80, $0x38;
	[tilespmem:$0x13C80] =	vst v63  }
0xf7: {  	s7 =	smov.u32 s4;
	s4 =	smov.u32 s6  }
0xf8: {  	s17 =	sadd.s32 $0x8000, s6;
	s4 =	sshra.s32 s4, $0x2;
	s16 =	sadd.s32 $0x3E00, s7  }
0xf9: {  	[hbm4b:s19+s3] =	stream.linear.scatter [tilespmem:s16], [sflag:$0x3], $0x80, $0x38;
	[tilespmem:$0x13C80] =	vst v63  }
0xfa: {  	p0 =	sne.s32 s6, $0x18000;
	s6 =	sadd.s32 $0x4200, s7;
	s16 =	sadd.s32 $0x10, s19  }
0xfb: {  	[hbm4b:s16+s3] =	stream.linear.scatter [tilespmem:s6], [sflag:$0x3], $0x80, $0x38;
	[tilespmem:$0x13C80] =	vst v63  }
0xfc: {  	s6 =	sadd.s32 $0x4600, s7;
	s16 =	sadd.s32 $0x20, s19  }
0xfd: {  	[hbm4b:s16+s3] =	stream.linear.scatter [tilespmem:s6], [sflag:$0x3], $0x80, $0x38;
	[tilespmem:$0x13C80] =	vst v63  }
0xfe: {  	s6 =	sadd.s32 $0x4A00, s7;
	s16 =	sadd.s32 $0x30, s19  }
0xff: {  	[hbm4b:s16+s3] =	stream.linear.scatter [tilespmem:s6], [sflag:$0x3], $0x80, $0x38;
	[tilespmem:$0x13C80] =	vst v63  }
0x100: {  	s6 =	sadd.s32 $0x4E00, s7;
	s16 =	sadd.s32 $0x40, s19  }
0x101: {  	[hbm4b:s16+s3] =	stream.linear.scatter [tilespmem:s6], [sflag:$0x3], $0x80, $0x38;
	[tilespmem:$0x13C80] =	vst v63  }
.Ltmp4:
0x102: {  	s6 =	sadd.s32 $0x5200, s7;
	s16 =	sadd.s32 $0x50, s19;
	(pc) =	sbr.rel @p0 .LBB2_11-.Ltmp4, $4  }
0x103: {  	[hbm4b:s16+s3] =	stream.linear.scatter [tilespmem:s6], [sflag:$0x3], $0x80, $0x38;
	[tilespmem:$0x13C80] =	vst v63  }
0x104: {  	s6 =	sadd.s32 $0x5600, s7;
	s16 =	sadd.s32 $0x60, s19;
	s7 =	sadd.s32 $0x5A00, s7  }
0x105: {  	[hbm4b:s16+s3] =	stream.linear.scatter [tilespmem:s6], [sflag:$0x3], $0x80, $0x38;
	[tilespmem:$0x13C80] =	vst v63  }
0x106: {  	s16 =	sadd.s32 $0x70, s19;
	s19 =	sadd.s32 $0x400, s19;
	s6 =	smov.u32 s17  }
0x107: {  	[hbm4b:s16+s3] =	stream.linear.scatter [tilespmem:s7], [sflag:$0x3], $0x80, $0x38;
	[tilespmem:$0x13C80] =	vst v63  }
0x108: {  	s6 =	sadd.s32 $0x3E00, s4  }
0x109: {  	[hbm4b:s19+s3] =	stream.linear.scatter [tilespmem:s6], [sflag:$0x3], $0x80, $0x38;
	[tilespmem:$0x13C80] =	vst v63  }
0x10a: {  	s16 =	sadd.s32 $0x4200, s4;
	s17 =	sadd.s32 $0x10, s19  }
0x10b: {  	[hbm4b:s17+s3] =	stream.linear.scatter [tilespmem:s16], [sflag:$0x3], $0x80, $0x38;
	[tilespmem:$0x13C80] =	vst v63  }
0x10c: {  	s16 =	sadd.s32 $0x4600, s4;
	s17 =	sadd.s32 $0x20, s19  }
0x10d: {  	[hbm4b:s17+s3] =	stream.linear.scatter [tilespmem:s16], [sflag:$0x3], $0x80, $0x38;
	[tilespmem:$0x13C80] =	vst v63  }
0x10e: {  	s16 =	sadd.s32 $0x4A00, s4;
	s17 =	sadd.s32 $0x30, s19  }
0x10f: {  	[hbm4b:s17+s3] =	stream.linear.scatter [tilespmem:s16], [sflag:$0x3], $0x80, $0x38;
	[tilespmem:$0x13C80] =	vst v63  }
0x110: {  	s16 =	sadd.s32 $0x4E00, s4;
	s17 =	sadd.s32 $0x40, s19  }
0x111: {  	[hbm4b:s17+s3] =	stream.linear.scatter [tilespmem:s16], [sflag:$0x3], $0x80, $0x38;
	[tilespmem:$0x13C80] =	vst v63  }
0x112: {  	s16 =	sadd.s32 $0x5200, s4;
	s17 =	sadd.s32 $0x50, s19  }
0x113: {  	[hbm4b:s17+s3] =	stream.linear.scatter [tilespmem:s16], [sflag:$0x3], $0x80, $0x38;
	[tilespmem:$0x13C80] =	vst v63  }
0x114: {  	s16 =	sadd.s32 $0x5600, s4;
	s17 =	sadd.s32 $0x60, s19  }
0x115: {  	[hbm4b:s17+s3] =	stream.linear.scatter [tilespmem:s16], [sflag:$0x3], $0x80, $0x38;
	[tilespmem:$0x13C80] =	vst v63  }
0x116: {  	s16 =	sadd.s32 $0x5A00, s4;
	s17 =	sadd.s32 $0x70, s19  }
0x117: {  	[hbm4b:s17+s3] =	stream.linear.scatter [tilespmem:s16], [sflag:$0x3], $0x80, $0x38;
	[tilespmem:$0x13C80] =	vst v63  }
0x118: {  	s19 =	simm.s32 $0x3E80;
	s17 =	sadd.s32 s18, s13  }
0x119: {  	[hbm4b:s17+s3] =	stream.linear.scatter [tilespmem:s19], [sflag:$0x3], $0x80, $0x38;
	[tilespmem:$0x13C80] =	vst v63  }
0x11a: {  	s6 =	simm.s32 $0x4280;
	s7 =	sadd.s32 $0x10, s17  }
0x11b: {  	[hbm4b:s7+s3] =	stream.linear.scatter [tilespmem:s6], [sflag:$0x3], $0x80, $0x38;
	[tilespmem:$0x13C80] =	vst v63  }
0x11c: {  	s16 =	simm.s32 $0x4680;
	s19 =	sadd.s32 $0x20, s17  }
0x11d: {  	[hbm4b:s19+s3] =	stream.linear.scatter [tilespmem:s16], [sflag:$0x3], $0x80, $0x38;
	[tilespmem:$0x13C80] =	vst v63  }
0x11e: {  	s6 =	simm.s32 $0x4A80;
	s7 =	sadd.s32 $0x30, s17  }
0x11f: {  	[hbm4b:s7+s3] =	stream.linear.scatter [tilespmem:s6], [sflag:$0x3], $0x80, $0x38;
	[tilespmem:$0x13C80] =	vst v63  }
0x120: {  	s16 =	simm.s32 $0x4E80;
	s19 =	sadd.s32 $0x40, s17  }
0x121: {  	[hbm4b:s19+s3] =	stream.linear.scatter [tilespmem:s16], [sflag:$0x3], $0x80, $0x38;
	[tilespmem:$0x13C80] =	vst v63  }
0x122: {  	s4 =	simm.s32 $0x2000;
	s6 =	simm.s32 $0x5280;
	s7 =	sadd.s32 $0x50, s17  }
0x123: {  	[hbm4b:s7+s3] =	stream.linear.scatter [tilespmem:s6], [sflag:$0x3], $0x80, $0x38;
	[tilespmem:$0x13C80] =	vst v63  }
0x124: {  	s16 =	simm.s32 $0x5680;
	s19 =	sadd.s32 $0x60, s17;
	s6 =	simm.s32 $0x10000  }
0x125: {  	[hbm4b:s19+s3] =	stream.linear.scatter [tilespmem:s16], [sflag:$0x3], $0x80, $0x38;
	[tilespmem:$0x13C80] =	vst v63  }
0x126: {  	s7 =	simm.s32 $0x5A80;
	s16 =	sadd.s32 $0x70, s17;
	s19 =	sadd.s32 $0x400, s17  }
.LBB2_13:
0x127: {  	[hbm4b:s16+s3] =	stream.linear.scatter [tilespmem:s7], [sflag:$0x3], $0x80, $0x38;
	[tilespmem:$0x13C80] =	vst v63  }
0x128: {  	s7 =	smov.u32 s4;
	s4 =	smov.u32 s6  }
0x129: {  	s17 =	sadd.s32 $0x8000, s6;
	s4 =	sshra.s32 s4, $0x2;
	s16 =	sadd.s32 $0x3E80, s7  }
0x12a: {  	[hbm4b:s19+s3] =	stream.linear.scatter [tilespmem:s16], [sflag:$0x3], $0x80, $0x38;
	[tilespmem:$0x13C80] =	vst v63  }
0x12b: {  	p0 =	sne.s32 s6, $0x18000;
	s6 =	sadd.s32 $0x4280, s7;
	s16 =	sadd.s32 $0x10, s19  }
0x12c: {  	[hbm4b:s16+s3] =	stream.linear.scatter [tilespmem:s6], [sflag:$0x3], $0x80, $0x38;
	[tilespmem:$0x13C80] =	vst v63  }
0x12d: {  	s6 =	sadd.s32 $0x4680, s7;
	s16 =	sadd.s32 $0x20, s19  }
0x12e: {  	[hbm4b:s16+s3] =	stream.linear.scatter [tilespmem:s6], [sflag:$0x3], $0x80, $0x38;
	[tilespmem:$0x13C80] =	vst v63  }
0x12f: {  	s6 =	sadd.s32 $0x4A80, s7;
	s16 =	sadd.s32 $0x30, s19  }
0x130: {  	[hbm4b:s16+s3] =	stream.linear.scatter [tilespmem:s6], [sflag:$0x3], $0x80, $0x38;
	[tilespmem:$0x13C80] =	vst v63  }
0x131: {  	s6 =	sadd.s32 $0x4E80, s7;
	s16 =	sadd.s32 $0x40, s19  }
0x132: {  	[hbm4b:s16+s3] =	stream.linear.scatter [tilespmem:s6], [sflag:$0x3], $0x80, $0x38;
	[tilespmem:$0x13C80] =	vst v63  }
.Ltmp5:
0x133: {  	s6 =	sadd.s32 $0x5280, s7;
	s16 =	sadd.s32 $0x50, s19;
	(pc) =	sbr.rel @p0 .LBB2_13-.Ltmp5, $4  }
0x134: {  	[hbm4b:s16+s3] =	stream.linear.scatter [tilespmem:s6], [sflag:$0x3], $0x80, $0x38;
	[tilespmem:$0x13C80] =	vst v63  }
0x135: {  	s6 =	sadd.s32 $0x5680, s7;
	s16 =	sadd.s32 $0x60, s19;
	s7 =	sadd.s32 $0x5A80, s7  }
0x136: {  	[hbm4b:s16+s3] =	stream.linear.scatter [tilespmem:s6], [sflag:$0x3], $0x80, $0x38;
	[tilespmem:$0x13C80] =	vst v63  }
0x137: {  	s16 =	sadd.s32 $0x70, s19;
	s19 =	sadd.s32 $0x400, s19;
	s6 =	smov.u32 s17  }
0x138: {  	[hbm4b:s16+s3] =	stream.linear.scatter [tilespmem:s7], [sflag:$0x3], $0x80, $0x38;
	[tilespmem:$0x13C80] =	vst v63  }
0x139: {  	s6 =	sadd.s32 $0x3E80, s4  }
0x13a: {  	[hbm4b:s19+s3] =	stream.linear.scatter [tilespmem:s6], [sflag:$0x3], $0x80, $0x38;
	[tilespmem:$0x13C80] =	vst v63  }
0x13b: {  	s16 =	sadd.s32 $0x4280, s4;
	s17 =	sadd.s32 $0x10, s19  }
0x13c: {  	[hbm4b:s17+s3] =	stream.linear.scatter [tilespmem:s16], [sflag:$0x3], $0x80, $0x38;
	[tilespmem:$0x13C80] =	vst v63  }
0x13d: {  	s16 =	sadd.s32 $0x4680, s4;
	s17 =	sadd.s32 $0x20, s19  }
0x13e: {  	[hbm4b:s17+s3] =	stream.linear.scatter [tilespmem:s16], [sflag:$0x3], $0x80, $0x38;
	[tilespmem:$0x13C80] =	vst v63  }
0x13f: {  	s16 =	sadd.s32 $0x4A80, s4;
	s17 =	sadd.s32 $0x30, s19  }
0x140: {  	[hbm4b:s17+s3] =	stream.linear.scatter [tilespmem:s16], [sflag:$0x3], $0x80, $0x38;
	[tilespmem:$0x13C80] =	vst v63  }
0x141: {  	s16 =	sadd.s32 $0x4E80, s4;
	s17 =	sadd.s32 $0x40, s19  }
0x142: {  	[hbm4b:s17+s3] =	stream.linear.scatter [tilespmem:s16], [sflag:$0x3], $0x80, $0x38;
	[tilespmem:$0x13C80] =	vst v63  }
0x143: {  	s16 =	sadd.s32 $0x5280, s4;
	s17 =	sadd.s32 $0x50, s19  }
0x144: {  	[hbm4b:s17+s3] =	stream.linear.scatter [tilespmem:s16], [sflag:$0x3], $0x80, $0x38;
	[tilespmem:$0x13C80] =	vst v63  }
0x145: {  	s16 =	sadd.s32 $0x5680, s4;
	s17 =	sadd.s32 $0x60, s19  }
0x146: {  	[hbm4b:s17+s3] =	stream.linear.scatter [tilespmem:s16], [sflag:$0x3], $0x80, $0x38;
	[tilespmem:$0x13C80] =	vst v63  }
0x147: {  	s16 =	sadd.s32 $0x5A80, s4;
	s17 =	sadd.s32 $0x70, s19  }
0x148: {  	[hbm4b:s17+s3] =	stream.linear.scatter [tilespmem:s16], [sflag:$0x3], $0x80, $0x38;
	[tilespmem:$0x13C80] =	vst v63  }
0x149: {  	s19 =	simm.s32 $0x3F00;
	s17 =	sadd.s32 s18, s14  }
0x14a: {  	[hbm4b:s17+s3] =	stream.linear.scatter [tilespmem:s19], [sflag:$0x3], $0x80, $0x38;
	[tilespmem:$0x13C80] =	vst v63  }
0x14b: {  	s6 =	simm.s32 $0x4300;
	s7 =	sadd.s32 $0x10, s17  }
0x14c: {  	[hbm4b:s7+s3] =	stream.linear.scatter [tilespmem:s6], [sflag:$0x3], $0x80, $0x38;
	[tilespmem:$0x13C80] =	vst v63  }
0x14d: {  	s16 =	simm.s32 $0x4700;
	s19 =	sadd.s32 $0x20, s17  }
0x14e: {  	[hbm4b:s19+s3] =	stream.linear.scatter [tilespmem:s16], [sflag:$0x3], $0x80, $0x38;
	[tilespmem:$0x13C80] =	vst v63  }
0x14f: {  	s6 =	simm.s32 $0x4B00;
	s7 =	sadd.s32 $0x30, s17  }
0x150: {  	[hbm4b:s7+s3] =	stream.linear.scatter [tilespmem:s6], [sflag:$0x3], $0x80, $0x38;
	[tilespmem:$0x13C80] =	vst v63  }
0x151: {  	s16 =	simm.s32 $0x4F00;
	s19 =	sadd.s32 $0x40, s17  }
0x152: {  	[hbm4b:s19+s3] =	stream.linear.scatter [tilespmem:s16], [sflag:$0x3], $0x80, $0x38;
	[tilespmem:$0x13C80] =	vst v63  }
0x153: {  	s4 =	simm.s32 $0x2000;
	s6 =	simm.s32 $0x5300;
	s7 =	sadd.s32 $0x50, s17  }
0x154: {  	[hbm4b:s7+s3] =	stream.linear.scatter [tilespmem:s6], [sflag:$0x3], $0x80, $0x38;
	[tilespmem:$0x13C80] =	vst v63  }
0x155: {  	s16 =	simm.s32 $0x5700;
	s19 =	sadd.s32 $0x60, s17;
	s6 =	simm.s32 $0x10000  }
0x156: {  	[hbm4b:s19+s3] =	stream.linear.scatter [tilespmem:s16], [sflag:$0x3], $0x80, $0x38;
	[tilespmem:$0x13C80] =	vst v63  }
0x157: {  	s7 =	simm.s32 $0x5B00;
	s16 =	sadd.s32 $0x70, s17;
	s19 =	sadd.s32 $0x400, s17  }
.LBB2_15:
0x158: {  	[hbm4b:s16+s3] =	stream.linear.scatter [tilespmem:s7], [sflag:$0x3], $0x80, $0x38;
	[tilespmem:$0x13C80] =	vst v63  }
0x159: {  	s7 =	smov.u32 s4;
	s4 =	smov.u32 s6  }
0x15a: {  	s17 =	sadd.s32 $0x8000, s6;
	s4 =	sshra.s32 s4, $0x2;
	s16 =	sadd.s32 $0x3F00, s7  }
0x15b: {  	[hbm4b:s19+s3] =	stream.linear.scatter [tilespmem:s16], [sflag:$0x3], $0x80, $0x38;
	[tilespmem:$0x13C80] =	vst v63  }
0x15c: {  	p0 =	sne.s32 s6, $0x18000;
	s6 =	sadd.s32 $0x4300, s7;
	s16 =	sadd.s32 $0x10, s19  }
0x15d: {  	[hbm4b:s16+s3] =	stream.linear.scatter [tilespmem:s6], [sflag:$0x3], $0x80, $0x38;
	[tilespmem:$0x13C80] =	vst v63  }
0x15e: {  	s6 =	sadd.s32 $0x4700, s7;
	s16 =	sadd.s32 $0x20, s19  }
0x15f: {  	[hbm4b:s16+s3] =	stream.linear.scatter [tilespmem:s6], [sflag:$0x3], $0x80, $0x38;
	[tilespmem:$0x13C80] =	vst v63  }
0x160: {  	s6 =	sadd.s32 $0x4B00, s7;
	s16 =	sadd.s32 $0x30, s19  }
0x161: {  	[hbm4b:s16+s3] =	stream.linear.scatter [tilespmem:s6], [sflag:$0x3], $0x80, $0x38;
	[tilespmem:$0x13C80] =	vst v63  }
0x162: {  	s6 =	sadd.s32 $0x4F00, s7;
	s16 =	sadd.s32 $0x40, s19  }
0x163: {  	[hbm4b:s16+s3] =	stream.linear.scatter [tilespmem:s6], [sflag:$0x3], $0x80, $0x38;
	[tilespmem:$0x13C80] =	vst v63  }
.Ltmp6:
0x164: {  	s6 =	sadd.s32 $0x5300, s7;
	s16 =	sadd.s32 $0x50, s19;
	(pc) =	sbr.rel @p0 .LBB2_15-.Ltmp6, $4  }
0x165: {  	[hbm4b:s16+s3] =	stream.linear.scatter [tilespmem:s6], [sflag:$0x3], $0x80, $0x38;
	[tilespmem:$0x13C80] =	vst v63  }
0x166: {  	s6 =	sadd.s32 $0x5700, s7;
	s16 =	sadd.s32 $0x60, s19;
	s7 =	sadd.s32 $0x5B00, s7  }
0x167: {  	[hbm4b:s16+s3] =	stream.linear.scatter [tilespmem:s6], [sflag:$0x3], $0x80, $0x38;
	[tilespmem:$0x13C80] =	vst v63  }
0x168: {  	s16 =	sadd.s32 $0x70, s19;
	s19 =	sadd.s32 $0x400, s19;
	s6 =	smov.u32 s17  }
0x169: {  	[hbm4b:s16+s3] =	stream.linear.scatter [tilespmem:s7], [sflag:$0x3], $0x80, $0x38;
	[tilespmem:$0x13C80] =	vst v63  }
0x16a: {  	s6 =	sadd.s32 $0x3F00, s4  }
0x16b: {  	[hbm4b:s19+s3] =	stream.linear.scatter [tilespmem:s6], [sflag:$0x3], $0x80, $0x38;
	[tilespmem:$0x13C80] =	vst v63  }
0x16c: {  	s16 =	sadd.s32 $0x4300, s4;
	s17 =	sadd.s32 $0x10, s19  }
0x16d: {  	[hbm4b:s17+s3] =	stream.linear.scatter [tilespmem:s16], [sflag:$0x3], $0x80, $0x38;
	[tilespmem:$0x13C80] =	vst v63  }
0x16e: {  	s16 =	sadd.s32 $0x4700, s4;
	s17 =	sadd.s32 $0x20, s19  }
0x16f: {  	[hbm4b:s17+s3] =	stream.linear.scatter [tilespmem:s16], [sflag:$0x3], $0x80, $0x38;
	[tilespmem:$0x13C80] =	vst v63  }
0x170: {  	s16 =	sadd.s32 $0x4B00, s4;
	s17 =	sadd.s32 $0x30, s19  }
0x171: {  	[hbm4b:s17+s3] =	stream.linear.scatter [tilespmem:s16], [sflag:$0x3], $0x80, $0x38;
	[tilespmem:$0x13C80] =	vst v63  }
0x172: {  	s16 =	sadd.s32 $0x4F00, s4;
	s17 =	sadd.s32 $0x40, s19  }
0x173: {  	[hbm4b:s17+s3] =	stream.linear.scatter [tilespmem:s16], [sflag:$0x3], $0x80, $0x38;
	[tilespmem:$0x13C80] =	vst v63  }
0x174: {  	s16 =	sadd.s32 $0x5300, s4;
	s17 =	sadd.s32 $0x50, s19  }
0x175: {  	[hbm4b:s17+s3] =	stream.linear.scatter [tilespmem:s16], [sflag:$0x3], $0x80, $0x38;
	[tilespmem:$0x13C80] =	vst v63  }
0x176: {  	s7 =	sadd.s32 $0x5700, s4;
	s16 =	sadd.s32 $0x60, s19  }
0x177: {  	[hbm4b:s16+s3] =	stream.linear.scatter [tilespmem:s7], [sflag:$0x3], $0x80, $0x38;
	[tilespmem:$0x13C80] =	vst v63  }
0x178: {  	s17 =	sadd.s32 $0x5B00, s4;
	s19 =	sadd.s32 $0x70, s19  }
0x179: {  	[hbm4b:s19+s3] =	stream.linear.scatter [tilespmem:s17], [sflag:$0x3], $0x80, $0x38;
	[tilespmem:$0x13C80] =	vst v63  }
0x17a: {  	s6 =	simm.s32 $0x3F80;
	s17 =	sadd.s32 s18, s15  }
0x17b: {  	[hbm4b:s17+s3] =	stream.linear.scatter [tilespmem:s6], [sflag:$0x3], $0x80, $0x38;
	[tilespmem:$0x13C80] =	vst v63  }
0x17c: {  	s7 =	simm.s32 $0x4380;
	s16 =	sadd.s32 $0x10, s17  }
0x17d: {  	[hbm4b:s16+s3] =	stream.linear.scatter [tilespmem:s7], [sflag:$0x3], $0x80, $0x38;
	[tilespmem:$0x13C80] =	vst v63  }
0x17e: {  	s18 =	simm.s32 $0x4780;
	s19 =	sadd.s32 $0x20, s17  }
0x17f: {  	[hbm4b:s19+s3] =	stream.linear.scatter [tilespmem:s18], [sflag:$0x3], $0x80, $0x38;
	[tilespmem:$0x13C80] =	vst v63  }
0x180: {  	s7 =	simm.s32 $0x4B80;
	s16 =	sadd.s32 $0x30, s17  }
0x181: {  	[hbm4b:s16+s3] =	stream.linear.scatter [tilespmem:s7], [sflag:$0x3], $0x80, $0x38;
	[tilespmem:$0x13C80] =	vst v63  }
0x182: {  	s18 =	simm.s32 $0x4F80;
	s19 =	sadd.s32 $0x40, s17  }
0x183: {  	[hbm4b:s19+s3] =	stream.linear.scatter [tilespmem:s18], [sflag:$0x3], $0x80, $0x38;
	[tilespmem:$0x13C80] =	vst v63  }
0x184: {  	s4 =	simm.s32 $0x2000;
	s7 =	simm.s32 $0x5380;
	s16 =	sadd.s32 $0x50, s17  }
0x185: {  	[hbm4b:s16+s3] =	stream.linear.scatter [tilespmem:s7], [sflag:$0x3], $0x80, $0x38;
	[tilespmem:$0x13C80] =	vst v63  }
0x186: {  	s6 =	simm.s32 $0x10000;
	s18 =	simm.s32 $0x5780;
	s19 =	sadd.s32 $0x60, s17  }
0x187: {  	[hbm4b:s19+s3] =	stream.linear.scatter [tilespmem:s18], [sflag:$0x3], $0x80, $0x38;
	[tilespmem:$0x13C80] =	vst v63  }
0x188: {  	s7 =	simm.s32 $0x5B80;
	s16 =	sadd.s32 $0x70, s17;
	s18 =	sadd.s32 $0x400, s17  }
.LBB2_17:
0x189: {  	[hbm4b:s16+s3] =	stream.linear.scatter [tilespmem:s7], [sflag:$0x3], $0x80, $0x38;
	[tilespmem:$0x13C80] =	vst v63  }
0x18a: {  	s7 =	smov.u32 s4;
	s4 =	smov.u32 s6  }
0x18b: {  	s17 =	sadd.s32 $0x8000, s6;
	s4 =	sshra.s32 s4, $0x2;
	s16 =	sadd.s32 $0x3F80, s7  }
0x18c: {  	[hbm4b:s18+s3] =	stream.linear.scatter [tilespmem:s16], [sflag:$0x3], $0x80, $0x38;
	[tilespmem:$0x13C80] =	vst v63  }
0x18d: {  	p0 =	sne.s32 s6, $0x18000;
	s6 =	sadd.s32 $0x4380, s7;
	s16 =	sadd.s32 $0x10, s18  }
0x18e: {  	[hbm4b:s16+s3] =	stream.linear.scatter [tilespmem:s6], [sflag:$0x3], $0x80, $0x38;
	[tilespmem:$0x13C80] =	vst v63  }
0x18f: {  	s6 =	sadd.s32 $0x4780, s7;
	s16 =	sadd.s32 $0x20, s18  }
0x190: {  	[hbm4b:s16+s3] =	stream.linear.scatter [tilespmem:s6], [sflag:$0x3], $0x80, $0x38;
	[tilespmem:$0x13C80] =	vst v63  }
0x191: {  	s6 =	sadd.s32 $0x4B80, s7;
	s16 =	sadd.s32 $0x30, s18  }
0x192: {  	[hbm4b:s16+s3] =	stream.linear.scatter [tilespmem:s6], [sflag:$0x3], $0x80, $0x38;
	[tilespmem:$0x13C80] =	vst v63  }
0x193: {  	s6 =	sadd.s32 $0x4F80, s7;
	s16 =	sadd.s32 $0x40, s18  }
0x194: {  	[hbm4b:s16+s3] =	stream.linear.scatter [tilespmem:s6], [sflag:$0x3], $0x80, $0x38;
	[tilespmem:$0x13C80] =	vst v63  }
.Ltmp7:
0x195: {  	s6 =	sadd.s32 $0x5380, s7;
	s16 =	sadd.s32 $0x50, s18;
	(pc) =	sbr.rel @p0 .LBB2_17-.Ltmp7, $4  }
0x196: {  	[hbm4b:s16+s3] =	stream.linear.scatter [tilespmem:s6], [sflag:$0x3], $0x80, $0x38;
	[tilespmem:$0x13C80] =	vst v63  }
0x197: {  	s6 =	sadd.s32 $0x5780, s7;
	s16 =	sadd.s32 $0x60, s18;
	s7 =	sadd.s32 $0x5B80, s7  }
0x198: {  	[hbm4b:s16+s3] =	stream.linear.scatter [tilespmem:s6], [sflag:$0x3], $0x80, $0x38;
	[tilespmem:$0x13C80] =	vst v63  }
0x199: {  	s16 =	sadd.s32 $0x70, s18;
	s18 =	sadd.s32 $0x400, s18;
	s6 =	smov.u32 s17  }
0x19a: {  	[hbm4b:s16+s3] =	stream.linear.scatter [tilespmem:s7], [sflag:$0x3], $0x80, $0x38;
	[tilespmem:$0x13C80] =	vst v63  }
0x19b: {  	s6 =	sadd.s32 $0x3F80, s4  }
0x19c: {  	[hbm4b:s18+s3] =	stream.linear.scatter [tilespmem:s6], [sflag:$0x3], $0x80, $0x38;
	[tilespmem:$0x13C80] =	vst v63  }
0x19d: {  	s7 =	sadd.s32 $0x4380, s4;
	s16 =	sadd.s32 $0x10, s18  }
0x19e: {  	[hbm4b:s16+s3] =	stream.linear.scatter [tilespmem:s7], [sflag:$0x3], $0x80, $0x38;
	[tilespmem:$0x13C80] =	vst v63  }
0x19f: {  	s17 =	sadd.s32 $0x4780, s4;
	s19 =	sadd.s32 $0x20, s18  }
0x1a0: {  	[hbm4b:s19+s3] =	stream.linear.scatter [tilespmem:s17], [sflag:$0x3], $0x80, $0x38;
	[tilespmem:$0x13C80] =	vst v63  }
0x1a1: {  	s7 =	sadd.s32 $0x4B80, s4;
	s16 =	sadd.s32 $0x30, s18  }
0x1a2: {  	[hbm4b:s16+s3] =	stream.linear.scatter [tilespmem:s7], [sflag:$0x3], $0x80, $0x38;
	[tilespmem:$0x13C80] =	vst v63  }
0x1a3: {  	s17 =	sadd.s32 $0x4F80, s4;
	s19 =	sadd.s32 $0x40, s18  }
0x1a4: {  	[hbm4b:s19+s3] =	stream.linear.scatter [tilespmem:s17], [sflag:$0x3], $0x80, $0x38;
	[tilespmem:$0x13C80] =	vst v63  }
0x1a5: {  	s7 =	sadd.s32 $0x5380, s4;
	s16 =	sadd.s32 $0x50, s18  }
0x1a6: {  	[hbm4b:s16+s3] =	stream.linear.scatter [tilespmem:s7], [sflag:$0x3], $0x80, $0x38;
	[tilespmem:$0x13C80] =	vst v63  }
0x1a7: {  	s17 =	sadd.s32 $0x5780, s4;
	s19 =	sadd.s32 $0x60, s18  }
0x1a8: {  	[hbm4b:s19+s3] =	stream.linear.scatter [tilespmem:s17], [sflag:$0x3], $0x80, $0x38;
	[tilespmem:$0x13C80] =	vst v63  }
0x1a9: {  	s16 =	sadd.s32 $0x5B80, s4;
	s17 =	sadd.s32 $0x70, s18;
	s18 =	sshll.u32 s2, $0x8  }
0x1aa: {  	[hbm4b:s17+s3] =	stream.linear.scatter [tilespmem:s16], [sflag:$0x3], $0x80, $0x38;
	[tilespmem:$0x13C80] =	vst v63  }
0x1ab: {  	v5 =	vld [tilespmem:s18+$0x0]  }
0x1ac: {  	v6 =	vld [tilespmem:s18+$0x1C00]  }
0x1ad: {  	v8 =	vld [tilespmem:s18+$0x10]  }
0x1ae: {  	v10 =	vld [tilespmem:s18+$0x1C10];
	_ =	sdelay $0x1  }
0x1af: {  	v7 =	vshra.s32 v5, $0x1F  }
0x1b0: {  	vm0 =	vlt.s32 v5, $0x1;
	v7 =	vshrl.u32 v7, $0x19  }
0x1b1: {  	vm11 =	vlt.s32 v6, $0x1;
	v13 =	vshra.s32 v8, $0x1F;
	v7 =	vadd.s32 v7, v5  }
0x1b2: {  	v62 =	vshra.s32 v10, $0x1F;
	vm13 =	vlt.s32 v8, $0x1;
	v7 =	vshra.s32 v7, $0x7  }
0x1b3: {  	v61 =	vshrl.u32 v13, $0x19;
	v13 =	vshrl.u32 v62, $0x19;
	v9 =	vshll.u32 v7, $0x7  }
0x1b4: {  	v13 =	vadd.s32 v13, v10;
	vm1 =	vne.s32 v5, v9;
	v9 =	vshra.s32 v6, $0x1F  }
0x1b5: {  	vm15 =	vlt.s32 v10, $0x1;
	v63 =	vand.u32 $0xFFFFFF80, v13;
	v9 =	vshrl.u32 v9, $0x19  }
0x1b6: {  	vm2 =	vne.s32 v10, v63;
	vm0 =	vmand vm0, vm1;
	v9 =	vadd.s32 v9, v6  }
0x1b7: {  	v5 =	vand.u32 $0x7F, v5;
	v11 =	vsel vm0, $0xFFFFFFFF, v1;
	v12 =	vand.u32 $0xFFFFFF80, v9  }
0x1b8: {  	vm1 =	vmand vm15, vm2;
	v7 =	vadd.s32 v11, v7;
	vm12 =	vne.s32 v6, v12  }
0x1b9: {  	v9 =	vshrl.u32 v9, $0x7;
	v12 =	vadd.s32 v61, v8;
	vm0 =	vmand vm11, vm12  }
0x1ba: {  	v7 =	vshll.u32 v7, $0x7;
	v15 =	vand.u32 $0xFFFFFF80, v12;
	v14 =	vsel vm0, $0xFFFFFFFF, v1  }
0x1bb: {  	v6 =	vand.u32 $0x7F, v6;
	vm14 =	vne.s32 v8, v15;
	v9 =	vadd.s32 v14, v9  }
0x1bc: {  	v5 =	vor.u32 v5, v7;
	vm0 =	vmand vm13, vm14;
	v7 =	vshll.u32 v9, $0x7  }
0x1bd: {  	v9 =	vsel vm0, $0xFFFFFFFF, v1;
	v6 =	vor.u32 v6, v7;
	v7 =	vshrl.u32 v12, $0x7  }
0x1be: {  	v11 =	vsel vm1, $0xFFFFFFFF, v1;
	v7 =	vadd.s32 v9, v7;
	v9 =	vshrl.u32 v13, $0x7  }
0x1bf: {  	v10 =	vand.u32 $0x7F, v10;
	v8 =	vand.u32 $0x7F, v8;
	v9 =	vadd.s32 v11, v9  }
0x1c0: {  	v6 =	vadd.s32 v0, v6;
	v7 =	vshll.u32 v7, $0x7;
	v9 =	vshll.u32 v9, $0x7  }
0x1c1: {  	v11 =	vor.u32 v8, v7;
	v7 =	vor.u32 v10, v9  }
0x1c2: {  	v9 =	vadd.s32 v2, v7;
	_ =	sdelay $0x1  }
0x1c3: {  	v7 =	vld.idx.msk [tilespmem:v5+s22+$0x0], $0xffff  }
0x1c4: {  	v8 =	vld.idx.msk [tilespmem:v6+s24+$0x0], $0xffff  }
0x1c5: {  	s19 =	sshll.u32 s31, $0x14;
	v5 =	vld.idx.msk [tilespmem:v11+s22+$0x0], $0xffff  }
0x1c6: {  	s4 =	sor.u32 s8, s19;
	v6 =	vld.idx.msk [tilespmem:v9+s24+$0x0], $0xffff;
	_ =	swait.ge [sflag:s28], $0x8000  }
0x1c7: {  	s31 =	sshrl.u32 s4, $0x3;
	[sflag:s28] =	ssyncset.done $0x0  }
0x1c8: {  	s6 =	simm.s32 $0xBC00;
	s17 =	sadd.s32 s5, s31;
	[sflag:s28] =	ssyncadd.s32 $0xFFFF8000  }
0x1c9: {  	[hbm4b:s17+s3] =	stream.linear.scatter [tilespmem:s6], [sflag:$0x4], $0x80, $0x38;
	[tilespmem:$0x13C80] =	vst v63  }
0x1ca: {  	s7 =	simm.s32 $0xC000;
	s16 =	sadd.s32 $0x10, s17  }
0x1cb: {  	[hbm4b:s16+s3] =	stream.linear.scatter [tilespmem:s7], [sflag:$0x4], $0x80, $0x38;
	[tilespmem:$0x13C80] =	vst v63  }
0x1cc: {  	s18 =	simm.s32 $0xC400;
	s19 =	sadd.s32 $0x20, s17  }
0x1cd: {  	[hbm4b:s19+s3] =	stream.linear.scatter [tilespmem:s18], [sflag:$0x4], $0x80, $0x38;
	[tilespmem:$0x13C80] =	vst v63  }
0x1ce: {  	s7 =	simm.s32 $0xC800;
	s16 =	sadd.s32 $0x30, s17  }
0x1cf: {  	[hbm4b:s16+s3] =	stream.linear.scatter [tilespmem:s7], [sflag:$0x4], $0x80, $0x38;
	[tilespmem:$0x13C80] =	vst v63  }
0x1d0: {  	s18 =	simm.s32 $0xCC00;
	s19 =	sadd.s32 $0x40, s17  }
0x1d1: {  	[hbm4b:s19+s3] =	stream.linear.scatter [tilespmem:s18], [sflag:$0x4], $0x80, $0x38;
	[tilespmem:$0x13C80] =	vst v63  }
0x1d2: {  	s4 =	simm.s32 $0x2000;
	s7 =	simm.s32 $0xD000;
	s16 =	sadd.s32 $0x50, s17  }
0x1d3: {  	[hbm4b:s16+s3] =	stream.linear.scatter [tilespmem:s7], [sflag:$0x4], $0x80, $0x38;
	[tilespmem:$0x13C80] =	vst v63  }
0x1d4: {  	s6 =	simm.s32 $0x10000;
	s18 =	simm.s32 $0xD400;
	s19 =	sadd.s32 $0x60, s17  }
0x1d5: {  	[hbm4b:s19+s3] =	stream.linear.scatter [tilespmem:s18], [sflag:$0x4], $0x80, $0x38;
	[tilespmem:$0x13C80] =	vst v63  }
0x1d6: {  	s7 =	simm.s32 $0xD800;
	s16 =	sadd.s32 $0x70, s17;
	s18 =	sadd.s32 $0x400, s17  }
.LBB2_19:
0x1d7: {  	[hbm4b:s16+s3] =	stream.linear.scatter [tilespmem:s7], [sflag:$0x4], $0x80, $0x38;
	[tilespmem:$0x13C80] =	vst v63  }
0x1d8: {  	s7 =	smov.u32 s4;
	s4 =	smov.u32 s6  }
0x1d9: {  	s17 =	sadd.s32 $0x8000, s6;
	s4 =	sshra.s32 s4, $0x2;
	s16 =	sadd.s32 $0xBC00, s7  }
0x1da: {  	[hbm4b:s18+s3] =	stream.linear.scatter [tilespmem:s16], [sflag:$0x4], $0x80, $0x38;
	[tilespmem:$0x13C80] =	vst v63  }
0x1db: {  	p0 =	sne.s32 s6, $0x18000;
	s6 =	sadd.s32 $0xC000, s7;
	s16 =	sadd.s32 $0x10, s18  }
0x1dc: {  	[hbm4b:s16+s3] =	stream.linear.scatter [tilespmem:s6], [sflag:$0x4], $0x80, $0x38;
	[tilespmem:$0x13C80] =	vst v63  }
0x1dd: {  	s6 =	sadd.s32 $0xC400, s7;
	s16 =	sadd.s32 $0x20, s18  }
0x1de: {  	[hbm4b:s16+s3] =	stream.linear.scatter [tilespmem:s6], [sflag:$0x4], $0x80, $0x38;
	[tilespmem:$0x13C80] =	vst v63  }
0x1df: {  	s6 =	sadd.s32 $0xC800, s7;
	s16 =	sadd.s32 $0x30, s18  }
0x1e0: {  	[hbm4b:s16+s3] =	stream.linear.scatter [tilespmem:s6], [sflag:$0x4], $0x80, $0x38;
	[tilespmem:$0x13C80] =	vst v63  }
0x1e1: {  	s6 =	sadd.s32 $0xCC00, s7;
	s16 =	sadd.s32 $0x40, s18  }
0x1e2: {  	[hbm4b:s16+s3] =	stream.linear.scatter [tilespmem:s6], [sflag:$0x4], $0x80, $0x38;
	[tilespmem:$0x13C80] =	vst v63  }
.Ltmp8:
0x1e3: {  	s6 =	sadd.s32 $0xD000, s7;
	s16 =	sadd.s32 $0x50, s18;
	(pc) =	sbr.rel @p0 .LBB2_19-.Ltmp8, $4  }
0x1e4: {  	[hbm4b:s16+s3] =	stream.linear.scatter [tilespmem:s6], [sflag:$0x4], $0x80, $0x38;
	[tilespmem:$0x13C80] =	vst v63  }
0x1e5: {  	s6 =	sadd.s32 $0xD400, s7;
	s16 =	sadd.s32 $0x60, s18;
	s7 =	sadd.s32 $0xD800, s7  }
0x1e6: {  	[hbm4b:s16+s3] =	stream.linear.scatter [tilespmem:s6], [sflag:$0x4], $0x80, $0x38;
	[tilespmem:$0x13C80] =	vst v63  }
0x1e7: {  	s16 =	sadd.s32 $0x70, s18;
	s18 =	sadd.s32 $0x400, s18;
	s6 =	smov.u32 s17  }
0x1e8: {  	[hbm4b:s16+s3] =	stream.linear.scatter [tilespmem:s7], [sflag:$0x4], $0x80, $0x38;
	[tilespmem:$0x13C80] =	vst v63  }
0x1e9: {  	s6 =	sadd.s32 $0xBC00, s4  }
0x1ea: {  	[hbm4b:s18+s3] =	stream.linear.scatter [tilespmem:s6], [sflag:$0x4], $0x80, $0x38;
	[tilespmem:$0x13C80] =	vst v63  }
0x1eb: {  	s17 =	sadd.s32 $0xC000, s4;
	s19 =	sadd.s32 $0x10, s18  }
0x1ec: {  	[hbm4b:s19+s3] =	stream.linear.scatter [tilespmem:s17], [sflag:$0x4], $0x80, $0x38;
	[tilespmem:$0x13C80] =	vst v63  }
0x1ed: {  	s7 =	sadd.s32 $0xC400, s4;
	s16 =	sadd.s32 $0x20, s18  }
0x1ee: {  	[hbm4b:s16+s3] =	stream.linear.scatter [tilespmem:s7], [sflag:$0x4], $0x80, $0x38;
	[tilespmem:$0x13C80] =	vst v63  }
0x1ef: {  	s17 =	sadd.s32 $0xC800, s4;
	s19 =	sadd.s32 $0x30, s18  }
0x1f0: {  	[hbm4b:s19+s3] =	stream.linear.scatter [tilespmem:s17], [sflag:$0x4], $0x80, $0x38;
	[tilespmem:$0x13C80] =	vst v63  }
0x1f1: {  	s7 =	sadd.s32 $0xCC00, s4;
	s16 =	sadd.s32 $0x40, s18  }
0x1f2: {  	[hbm4b:s16+s3] =	stream.linear.scatter [tilespmem:s7], [sflag:$0x4], $0x80, $0x38;
	[tilespmem:$0x13C80] =	vst v63  }
0x1f3: {  	s17 =	sadd.s32 $0xD000, s4;
	s19 =	sadd.s32 $0x50, s18  }
0x1f4: {  	[hbm4b:s19+s3] =	stream.linear.scatter [tilespmem:s17], [sflag:$0x4], $0x80, $0x38;
	[tilespmem:$0x13C80] =	vst v63  }
0x1f5: {  	s7 =	sadd.s32 $0xD400, s4;
	s16 =	sadd.s32 $0x60, s18  }
0x1f6: {  	[hbm4b:s16+s3] =	stream.linear.scatter [tilespmem:s7], [sflag:$0x4], $0x80, $0x38;
	[tilespmem:$0x13C80] =	vst v63  }
0x1f7: {  	s17 =	sadd.s32 $0xD800, s4;
	s19 =	sadd.s32 $0x70, s18  }
0x1f8: {  	[hbm4b:s19+s3] =	stream.linear.scatter [tilespmem:s17], [sflag:$0x4], $0x80, $0x38;
	[tilespmem:$0x13C80] =	vst v63  }
0x1f9: {  	s6 =	simm.s32 $0xBC80;
	s17 =	sadd.s32 s31, s9  }
0x1fa: {  	[hbm4b:s17+s3] =	stream.linear.scatter [tilespmem:s6], [sflag:$0x4], $0x80, $0x38;
	[tilespmem:$0x13C80] =	vst v63  }
0x1fb: {  	s7 =	simm.s32 $0xC080;
	s16 =	sadd.s32 $0x10, s17  }
0x1fc: {  	[hbm4b:s16+s3] =	stream.linear.scatter [tilespmem:s7], [sflag:$0x4], $0x80, $0x38;
	[tilespmem:$0x13C80] =	vst v63  }
0x1fd: {  	s18 =	simm.s32 $0xC480;
	s19 =	sadd.s32 $0x20, s17  }
0x1fe: {  	[hbm4b:s19+s3] =	stream.linear.scatter [tilespmem:s18], [sflag:$0x4], $0x80, $0x38;
	[tilespmem:$0x13C80] =	vst v63  }
0x1ff: {  	s7 =	simm.s32 $0xC880;
	s16 =	sadd.s32 $0x30, s17  }
0x200: {  	[hbm4b:s16+s3] =	stream.linear.scatter [tilespmem:s7], [sflag:$0x4], $0x80, $0x38;
	[tilespmem:$0x13C80] =	vst v63  }
0x201: {  	s18 =	simm.s32 $0xCC80;
	s19 =	sadd.s32 $0x40, s17  }
0x202: {  	[hbm4b:s19+s3] =	stream.linear.scatter [tilespmem:s18], [sflag:$0x4], $0x80, $0x38;
	[tilespmem:$0x13C80] =	vst v63  }
0x203: {  	s4 =	simm.s32 $0x2000;
	s7 =	simm.s32 $0xD080;
	s16 =	sadd.s32 $0x50, s17  }
0x204: {  	[hbm4b:s16+s3] =	stream.linear.scatter [tilespmem:s7], [sflag:$0x4], $0x80, $0x38;
	[tilespmem:$0x13C80] =	vst v63  }
0x205: {  	s6 =	simm.s32 $0x10000;
	s18 =	simm.s32 $0xD480;
	s19 =	sadd.s32 $0x60, s17  }
0x206: {  	[hbm4b:s19+s3] =	stream.linear.scatter [tilespmem:s18], [sflag:$0x4], $0x80, $0x38;
	[tilespmem:$0x13C80] =	vst v63  }
0x207: {  	s7 =	simm.s32 $0xD880;
	s16 =	sadd.s32 $0x70, s17;
	s18 =	sadd.s32 $0x400, s17  }
.LBB2_21:
0x208: {  	[hbm4b:s16+s3] =	stream.linear.scatter [tilespmem:s7], [sflag:$0x4], $0x80, $0x38;
	[tilespmem:$0x13C80] =	vst v63  }
0x209: {  	s7 =	smov.u32 s4;
	s4 =	smov.u32 s6  }
0x20a: {  	s17 =	sadd.s32 $0x8000, s6;
	s4 =	sshra.s32 s4, $0x2;
	s16 =	sadd.s32 $0xBC80, s7  }
0x20b: {  	[hbm4b:s18+s3] =	stream.linear.scatter [tilespmem:s16], [sflag:$0x4], $0x80, $0x38;
	[tilespmem:$0x13C80] =	vst v63  }
0x20c: {  	p0 =	sne.s32 s6, $0x18000;
	s6 =	sadd.s32 $0xC080, s7;
	s16 =	sadd.s32 $0x10, s18  }
0x20d: {  	[hbm4b:s16+s3] =	stream.linear.scatter [tilespmem:s6], [sflag:$0x4], $0x80, $0x38;
	[tilespmem:$0x13C80] =	vst v63  }
0x20e: {  	s6 =	sadd.s32 $0xC480, s7;
	s16 =	sadd.s32 $0x20, s18  }
0x20f: {  	[hbm4b:s16+s3] =	stream.linear.scatter [tilespmem:s6], [sflag:$0x4], $0x80, $0x38;
	[tilespmem:$0x13C80] =	vst v63  }
0x210: {  	s6 =	sadd.s32 $0xC880, s7;
	s16 =	sadd.s32 $0x30, s18  }
0x211: {  	[hbm4b:s16+s3] =	stream.linear.scatter [tilespmem:s6], [sflag:$0x4], $0x80, $0x38;
	[tilespmem:$0x13C80] =	vst v63  }
0x212: {  	s6 =	sadd.s32 $0xCC80, s7;
	s16 =	sadd.s32 $0x40, s18  }
0x213: {  	[hbm4b:s16+s3] =	stream.linear.scatter [tilespmem:s6], [sflag:$0x4], $0x80, $0x38;
	[tilespmem:$0x13C80] =	vst v63  }
.Ltmp9:
0x214: {  	s6 =	sadd.s32 $0xD080, s7;
	s16 =	sadd.s32 $0x50, s18;
	(pc) =	sbr.rel @p0 .LBB2_21-.Ltmp9, $4  }
0x215: {  	[hbm4b:s16+s3] =	stream.linear.scatter [tilespmem:s6], [sflag:$0x4], $0x80, $0x38;
	[tilespmem:$0x13C80] =	vst v63  }
0x216: {  	s6 =	sadd.s32 $0xD480, s7;
	s16 =	sadd.s32 $0x60, s18;
	s7 =	sadd.s32 $0xD880, s7  }
0x217: {  	[hbm4b:s16+s3] =	stream.linear.scatter [tilespmem:s6], [sflag:$0x4], $0x80, $0x38;
	[tilespmem:$0x13C80] =	vst v63  }
0x218: {  	s16 =	sadd.s32 $0x70, s18;
	s18 =	sadd.s32 $0x400, s18;
	s6 =	smov.u32 s17  }
0x219: {  	[hbm4b:s16+s3] =	stream.linear.scatter [tilespmem:s7], [sflag:$0x4], $0x80, $0x38;
	[tilespmem:$0x13C80] =	vst v63  }
0x21a: {  	s6 =	sadd.s32 $0xBC80, s4  }
0x21b: {  	[hbm4b:s18+s3] =	stream.linear.scatter [tilespmem:s6], [sflag:$0x4], $0x80, $0x38;
	[tilespmem:$0x13C80] =	vst v63  }
0x21c: {  	s17 =	sadd.s32 $0xC080, s4;
	s19 =	sadd.s32 $0x10, s18  }
0x21d: {  	[hbm4b:s19+s3] =	stream.linear.scatter [tilespmem:s17], [sflag:$0x4], $0x80, $0x38;
	[tilespmem:$0x13C80] =	vst v63  }
0x21e: {  	s7 =	sadd.s32 $0xC480, s4;
	s16 =	sadd.s32 $0x20, s18  }
0x21f: {  	[hbm4b:s16+s3] =	stream.linear.scatter [tilespmem:s7], [sflag:$0x4], $0x80, $0x38;
	[tilespmem:$0x13C80] =	vst v63  }
0x220: {  	s17 =	sadd.s32 $0xC880, s4;
	s19 =	sadd.s32 $0x30, s18  }
0x221: {  	[hbm4b:s19+s3] =	stream.linear.scatter [tilespmem:s17], [sflag:$0x4], $0x80, $0x38;
	[tilespmem:$0x13C80] =	vst v63  }
0x222: {  	s7 =	sadd.s32 $0xCC80, s4;
	s16 =	sadd.s32 $0x40, s18  }
0x223: {  	[hbm4b:s16+s3] =	stream.linear.scatter [tilespmem:s7], [sflag:$0x4], $0x80, $0x38;
	[tilespmem:$0x13C80] =	vst v63  }
0x224: {  	s17 =	sadd.s32 $0xD080, s4;
	s19 =	sadd.s32 $0x50, s18  }
0x225: {  	[hbm4b:s19+s3] =	stream.linear.scatter [tilespmem:s17], [sflag:$0x4], $0x80, $0x38;
	[tilespmem:$0x13C80] =	vst v63  }
0x226: {  	s7 =	sadd.s32 $0xD480, s4;
	s16 =	sadd.s32 $0x60, s18  }
0x227: {  	[hbm4b:s16+s3] =	stream.linear.scatter [tilespmem:s7], [sflag:$0x4], $0x80, $0x38;
	[tilespmem:$0x13C80] =	vst v63  }
0x228: {  	s17 =	sadd.s32 $0xD880, s4;
	s19 =	sadd.s32 $0x70, s18  }
0x229: {  	[hbm4b:s19+s3] =	stream.linear.scatter [tilespmem:s17], [sflag:$0x4], $0x80, $0x38;
	[tilespmem:$0x13C80] =	vst v63  }
0x22a: {  	s6 =	simm.s32 $0xBD00;
	s17 =	sadd.s32 s31, s10  }
0x22b: {  	[hbm4b:s17+s3] =	stream.linear.scatter [tilespmem:s6], [sflag:$0x4], $0x80, $0x38;
	[tilespmem:$0x13C80] =	vst v63  }
0x22c: {  	s7 =	simm.s32 $0xC100;
	s16 =	sadd.s32 $0x10, s17  }
0x22d: {  	[hbm4b:s16+s3] =	stream.linear.scatter [tilespmem:s7], [sflag:$0x4], $0x80, $0x38;
	[tilespmem:$0x13C80] =	vst v63  }
0x22e: {  	s18 =	simm.s32 $0xC500;
	s19 =	sadd.s32 $0x20, s17  }
0x22f: {  	[hbm4b:s19+s3] =	stream.linear.scatter [tilespmem:s18], [sflag:$0x4], $0x80, $0x38;
	[tilespmem:$0x13C80] =	vst v63  }
0x230: {  	s7 =	simm.s32 $0xC900;
	s16 =	sadd.s32 $0x30, s17  }
0x231: {  	[hbm4b:s16+s3] =	stream.linear.scatter [tilespmem:s7], [sflag:$0x4], $0x80, $0x38;
	[tilespmem:$0x13C80] =	vst v63  }
0x232: {  	s18 =	simm.s32 $0xCD00;
	s19 =	sadd.s32 $0x40, s17  }
0x233: {  	[hbm4b:s19+s3] =	stream.linear.scatter [tilespmem:s18], [sflag:$0x4], $0x80, $0x38;
	[tilespmem:$0x13C80] =	vst v63  }
0x234: {  	s4 =	simm.s32 $0x2000;
	s7 =	simm.s32 $0xD100;
	s16 =	sadd.s32 $0x50, s17  }
0x235: {  	[hbm4b:s16+s3] =	stream.linear.scatter [tilespmem:s7], [sflag:$0x4], $0x80, $0x38;
	[tilespmem:$0x13C80] =	vst v63  }
0x236: {  	s6 =	simm.s32 $0x10000;
	s18 =	simm.s32 $0xD500;
	s19 =	sadd.s32 $0x60, s17  }
0x237: {  	[hbm4b:s19+s3] =	stream.linear.scatter [tilespmem:s18], [sflag:$0x4], $0x80, $0x38;
	[tilespmem:$0x13C80] =	vst v63  }
0x238: {  	s7 =	simm.s32 $0xD900;
	s16 =	sadd.s32 $0x70, s17;
	s18 =	sadd.s32 $0x400, s17  }
.LBB2_23:
0x239: {  	[hbm4b:s16+s3] =	stream.linear.scatter [tilespmem:s7], [sflag:$0x4], $0x80, $0x38;
	[tilespmem:$0x13C80] =	vst v63  }
0x23a: {  	s7 =	smov.u32 s4;
	s4 =	smov.u32 s6  }
0x23b: {  	s17 =	sadd.s32 $0x8000, s6;
	s4 =	sshra.s32 s4, $0x2;
	s16 =	sadd.s32 $0xBD00, s7  }
0x23c: {  	[hbm4b:s18+s3] =	stream.linear.scatter [tilespmem:s16], [sflag:$0x4], $0x80, $0x38;
	[tilespmem:$0x13C80] =	vst v63  }
0x23d: {  	p0 =	sne.s32 s6, $0x18000;
	s6 =	sadd.s32 $0xC100, s7;
	s16 =	sadd.s32 $0x10, s18  }
0x23e: {  	[hbm4b:s16+s3] =	stream.linear.scatter [tilespmem:s6], [sflag:$0x4], $0x80, $0x38;
	[tilespmem:$0x13C80] =	vst v63  }
0x23f: {  	s6 =	sadd.s32 $0xC500, s7;
	s16 =	sadd.s32 $0x20, s18  }
0x240: {  	[hbm4b:s16+s3] =	stream.linear.scatter [tilespmem:s6], [sflag:$0x4], $0x80, $0x38;
	[tilespmem:$0x13C80] =	vst v63  }
0x241: {  	s6 =	sadd.s32 $0xC900, s7;
	s16 =	sadd.s32 $0x30, s18  }
0x242: {  	[hbm4b:s16+s3] =	stream.linear.scatter [tilespmem:s6], [sflag:$0x4], $0x80, $0x38;
	[tilespmem:$0x13C80] =	vst v63  }
0x243: {  	s6 =	sadd.s32 $0xCD00, s7;
	s16 =	sadd.s32 $0x40, s18  }
0x244: {  	[hbm4b:s16+s3] =	stream.linear.scatter [tilespmem:s6], [sflag:$0x4], $0x80, $0x38;
	[tilespmem:$0x13C80] =	vst v63  }
.Ltmp10:
0x245: {  	s6 =	sadd.s32 $0xD100, s7;
	s16 =	sadd.s32 $0x50, s18;
	(pc) =	sbr.rel @p0 .LBB2_23-.Ltmp10, $4  }
0x246: {  	[hbm4b:s16+s3] =	stream.linear.scatter [tilespmem:s6], [sflag:$0x4], $0x80, $0x38;
	[tilespmem:$0x13C80] =	vst v63  }
0x247: {  	s6 =	sadd.s32 $0xD500, s7;
	s16 =	sadd.s32 $0x60, s18;
	s7 =	sadd.s32 $0xD900, s7  }
0x248: {  	[hbm4b:s16+s3] =	stream.linear.scatter [tilespmem:s6], [sflag:$0x4], $0x80, $0x38;
	[tilespmem:$0x13C80] =	vst v63  }
0x249: {  	s16 =	sadd.s32 $0x70, s18;
	s18 =	sadd.s32 $0x400, s18;
	s6 =	smov.u32 s17  }
0x24a: {  	[hbm4b:s16+s3] =	stream.linear.scatter [tilespmem:s7], [sflag:$0x4], $0x80, $0x38;
	[tilespmem:$0x13C80] =	vst v63  }
0x24b: {  	s6 =	sadd.s32 $0xBD00, s4  }
0x24c: {  	[hbm4b:s18+s3] =	stream.linear.scatter [tilespmem:s6], [sflag:$0x4], $0x80, $0x38;
	[tilespmem:$0x13C80] =	vst v63  }
0x24d: {  	s17 =	sadd.s32 $0xC100, s4;
	s19 =	sadd.s32 $0x10, s18  }
0x24e: {  	[hbm4b:s19+s3] =	stream.linear.scatter [tilespmem:s17], [sflag:$0x4], $0x80, $0x38;
	[tilespmem:$0x13C80] =	vst v63  }
0x24f: {  	s7 =	sadd.s32 $0xC500, s4;
	s16 =	sadd.s32 $0x20, s18  }
0x250: {  	[hbm4b:s16+s3] =	stream.linear.scatter [tilespmem:s7], [sflag:$0x4], $0x80, $0x38;
	[tilespmem:$0x13C80] =	vst v63  }
0x251: {  	s17 =	sadd.s32 $0xC900, s4;
	s19 =	sadd.s32 $0x30, s18  }
0x252: {  	[hbm4b:s19+s3] =	stream.linear.scatter [tilespmem:s17], [sflag:$0x4], $0x80, $0x38;
	[tilespmem:$0x13C80] =	vst v63  }
0x253: {  	s7 =	sadd.s32 $0xCD00, s4;
	s16 =	sadd.s32 $0x40, s18  }
0x254: {  	[hbm4b:s16+s3] =	stream.linear.scatter [tilespmem:s7], [sflag:$0x4], $0x80, $0x38;
	[tilespmem:$0x13C80] =	vst v63  }
0x255: {  	s17 =	sadd.s32 $0xD100, s4;
	s19 =	sadd.s32 $0x50, s18  }
0x256: {  	[hbm4b:s19+s3] =	stream.linear.scatter [tilespmem:s17], [sflag:$0x4], $0x80, $0x38;
	[tilespmem:$0x13C80] =	vst v63  }
0x257: {  	s7 =	sadd.s32 $0xD500, s4;
	s16 =	sadd.s32 $0x60, s18  }
0x258: {  	[hbm4b:s16+s3] =	stream.linear.scatter [tilespmem:s7], [sflag:$0x4], $0x80, $0x38;
	[tilespmem:$0x13C80] =	vst v63  }
0x259: {  	s17 =	sadd.s32 $0xD900, s4;
	s19 =	sadd.s32 $0x70, s18  }
0x25a: {  	[hbm4b:s19+s3] =	stream.linear.scatter [tilespmem:s17], [sflag:$0x4], $0x80, $0x38;
	[tilespmem:$0x13C80] =	vst v63  }
0x25b: {  	s6 =	simm.s32 $0xBD80;
	s17 =	sadd.s32 s31, s11  }
0x25c: {  	[hbm4b:s17+s3] =	stream.linear.scatter [tilespmem:s6], [sflag:$0x4], $0x80, $0x38;
	[tilespmem:$0x13C80] =	vst v63  }
0x25d: {  	s7 =	simm.s32 $0xC180;
	s16 =	sadd.s32 $0x10, s17  }
0x25e: {  	[hbm4b:s16+s3] =	stream.linear.scatter [tilespmem:s7], [sflag:$0x4], $0x80, $0x38;
	[tilespmem:$0x13C80] =	vst v63  }
0x25f: {  	s18 =	simm.s32 $0xC580;
	s19 =	sadd.s32 $0x20, s17  }
0x260: {  	[hbm4b:s19+s3] =	stream.linear.scatter [tilespmem:s18], [sflag:$0x4], $0x80, $0x38;
	[tilespmem:$0x13C80] =	vst v63  }
0x261: {  	s7 =	simm.s32 $0xC980;
	s16 =	sadd.s32 $0x30, s17  }
0x262: {  	[hbm4b:s16+s3] =	stream.linear.scatter [tilespmem:s7], [sflag:$0x4], $0x80, $0x38;
	[tilespmem:$0x13C80] =	vst v63  }
0x263: {  	s18 =	simm.s32 $0xCD80;
	s19 =	sadd.s32 $0x40, s17  }
0x264: {  	[hbm4b:s19+s3] =	stream.linear.scatter [tilespmem:s18], [sflag:$0x4], $0x80, $0x38;
	[tilespmem:$0x13C80] =	vst v63  }
0x265: {  	s4 =	simm.s32 $0x2000;
	s7 =	simm.s32 $0xD180;
	s16 =	sadd.s32 $0x50, s17  }
0x266: {  	[hbm4b:s16+s3] =	stream.linear.scatter [tilespmem:s7], [sflag:$0x4], $0x80, $0x38;
	[tilespmem:$0x13C80] =	vst v63  }
0x267: {  	s6 =	simm.s32 $0x10000;
	s18 =	simm.s32 $0xD580;
	s19 =	sadd.s32 $0x60, s17  }
0x268: {  	[hbm4b:s19+s3] =	stream.linear.scatter [tilespmem:s18], [sflag:$0x4], $0x80, $0x38;
	[tilespmem:$0x13C80] =	vst v63  }
0x269: {  	s7 =	simm.s32 $0xD980;
	s16 =	sadd.s32 $0x70, s17;
	s18 =	sadd.s32 $0x400, s17  }
.LBB2_25:
0x26a: {  	[hbm4b:s16+s3] =	stream.linear.scatter [tilespmem:s7], [sflag:$0x4], $0x80, $0x38;
	[tilespmem:$0x13C80] =	vst v63  }
0x26b: {  	s7 =	smov.u32 s4;
	s4 =	smov.u32 s6  }
0x26c: {  	s17 =	sadd.s32 $0x8000, s6;
	s4 =	sshra.s32 s4, $0x2;
	s16 =	sadd.s32 $0xBD80, s7  }
0x26d: {  	[hbm4b:s18+s3] =	stream.linear.scatter [tilespmem:s16], [sflag:$0x4], $0x80, $0x38;
	[tilespmem:$0x13C80] =	vst v63  }
0x26e: {  	p0 =	sne.s32 s6, $0x18000;
	s6 =	sadd.s32 $0xC180, s7;
	s16 =	sadd.s32 $0x10, s18  }
0x26f: {  	[hbm4b:s16+s3] =	stream.linear.scatter [tilespmem:s6], [sflag:$0x4], $0x80, $0x38;
	[tilespmem:$0x13C80] =	vst v63  }
0x270: {  	s6 =	sadd.s32 $0xC580, s7;
	s16 =	sadd.s32 $0x20, s18  }
0x271: {  	[hbm4b:s16+s3] =	stream.linear.scatter [tilespmem:s6], [sflag:$0x4], $0x80, $0x38;
	[tilespmem:$0x13C80] =	vst v63  }
0x272: {  	s6 =	sadd.s32 $0xC980, s7;
	s16 =	sadd.s32 $0x30, s18  }
0x273: {  	[hbm4b:s16+s3] =	stream.linear.scatter [tilespmem:s6], [sflag:$0x4], $0x80, $0x38;
	[tilespmem:$0x13C80] =	vst v63  }
0x274: {  	s6 =	sadd.s32 $0xCD80, s7;
	s16 =	sadd.s32 $0x40, s18  }
0x275: {  	[hbm4b:s16+s3] =	stream.linear.scatter [tilespmem:s6], [sflag:$0x4], $0x80, $0x38;
	[tilespmem:$0x13C80] =	vst v63  }
.Ltmp11:
0x276: {  	s6 =	sadd.s32 $0xD180, s7;
	s16 =	sadd.s32 $0x50, s18;
	(pc) =	sbr.rel @p0 .LBB2_25-.Ltmp11, $4  }
0x277: {  	[hbm4b:s16+s3] =	stream.linear.scatter [tilespmem:s6], [sflag:$0x4], $0x80, $0x38;
	[tilespmem:$0x13C80] =	vst v63  }
0x278: {  	s6 =	sadd.s32 $0xD580, s7;
	s16 =	sadd.s32 $0x60, s18;
	s7 =	sadd.s32 $0xD980, s7  }
0x279: {  	[hbm4b:s16+s3] =	stream.linear.scatter [tilespmem:s6], [sflag:$0x4], $0x80, $0x38;
	[tilespmem:$0x13C80] =	vst v63  }
0x27a: {  	s16 =	sadd.s32 $0x70, s18;
	s18 =	sadd.s32 $0x400, s18;
	s6 =	smov.u32 s17  }
0x27b: {  	[hbm4b:s16+s3] =	stream.linear.scatter [tilespmem:s7], [sflag:$0x4], $0x80, $0x38;
	[tilespmem:$0x13C80] =	vst v63  }
0x27c: {  	s6 =	sadd.s32 $0xBD80, s4  }
0x27d: {  	[hbm4b:s18+s3] =	stream.linear.scatter [tilespmem:s6], [sflag:$0x4], $0x80, $0x38;
	[tilespmem:$0x13C80] =	vst v63  }
0x27e: {  	s17 =	sadd.s32 $0xC180, s4;
	s19 =	sadd.s32 $0x10, s18  }
0x27f: {  	[hbm4b:s19+s3] =	stream.linear.scatter [tilespmem:s17], [sflag:$0x4], $0x80, $0x38;
	[tilespmem:$0x13C80] =	vst v63  }
0x280: {  	s7 =	sadd.s32 $0xC580, s4;
	s16 =	sadd.s32 $0x20, s18  }
0x281: {  	[hbm4b:s16+s3] =	stream.linear.scatter [tilespmem:s7], [sflag:$0x4], $0x80, $0x38;
	[tilespmem:$0x13C80] =	vst v63  }
0x282: {  	s17 =	sadd.s32 $0xC980, s4;
	s19 =	sadd.s32 $0x30, s18  }
0x283: {  	[hbm4b:s19+s3] =	stream.linear.scatter [tilespmem:s17], [sflag:$0x4], $0x80, $0x38;
	[tilespmem:$0x13C80] =	vst v63  }
0x284: {  	s7 =	sadd.s32 $0xCD80, s4;
	s16 =	sadd.s32 $0x40, s18  }
0x285: {  	[hbm4b:s16+s3] =	stream.linear.scatter [tilespmem:s7], [sflag:$0x4], $0x80, $0x38;
	[tilespmem:$0x13C80] =	vst v63  }
0x286: {  	s17 =	sadd.s32 $0xD180, s4;
	s19 =	sadd.s32 $0x50, s18  }
0x287: {  	[hbm4b:s19+s3] =	stream.linear.scatter [tilespmem:s17], [sflag:$0x4], $0x80, $0x38;
	[tilespmem:$0x13C80] =	vst v63  }
0x288: {  	s7 =	sadd.s32 $0xD580, s4;
	s16 =	sadd.s32 $0x60, s18  }
0x289: {  	[hbm4b:s16+s3] =	stream.linear.scatter [tilespmem:s7], [sflag:$0x4], $0x80, $0x38;
	[tilespmem:$0x13C80] =	vst v63  }
0x28a: {  	s17 =	sadd.s32 $0xD980, s4;
	s19 =	sadd.s32 $0x70, s18  }
0x28b: {  	[hbm4b:s19+s3] =	stream.linear.scatter [tilespmem:s17], [sflag:$0x4], $0x80, $0x38;
	[tilespmem:$0x13C80] =	vst v63  }
0x28c: {  	s6 =	simm.s32 $0xBE00;
	s17 =	sadd.s32 s31, s12  }
0x28d: {  	[hbm4b:s17+s3] =	stream.linear.scatter [tilespmem:s6], [sflag:$0x4], $0x80, $0x38;
	[tilespmem:$0x13C80] =	vst v63  }
0x28e: {  	s7 =	simm.s32 $0xC200;
	s16 =	sadd.s32 $0x10, s17  }
0x28f: {  	[hbm4b:s16+s3] =	stream.linear.scatter [tilespmem:s7], [sflag:$0x4], $0x80, $0x38;
	[tilespmem:$0x13C80] =	vst v63  }
0x290: {  	s18 =	simm.s32 $0xC600;
	s19 =	sadd.s32 $0x20, s17  }
0x291: {  	[hbm4b:s19+s3] =	stream.linear.scatter [tilespmem:s18], [sflag:$0x4], $0x80, $0x38;
	[tilespmem:$0x13C80] =	vst v63  }
0x292: {  	s7 =	simm.s32 $0xCA00;
	s16 =	sadd.s32 $0x30, s17  }
0x293: {  	[hbm4b:s16+s3] =	stream.linear.scatter [tilespmem:s7], [sflag:$0x4], $0x80, $0x38;
	[tilespmem:$0x13C80] =	vst v63  }
0x294: {  	s18 =	simm.s32 $0xCE00;
	s19 =	sadd.s32 $0x40, s17  }
0x295: {  	[hbm4b:s19+s3] =	stream.linear.scatter [tilespmem:s18], [sflag:$0x4], $0x80, $0x38;
	[tilespmem:$0x13C80] =	vst v63  }
0x296: {  	s4 =	simm.s32 $0x2000;
	s7 =	simm.s32 $0xD200;
	s16 =	sadd.s32 $0x50, s17  }
0x297: {  	[hbm4b:s16+s3] =	stream.linear.scatter [tilespmem:s7], [sflag:$0x4], $0x80, $0x38;
	[tilespmem:$0x13C80] =	vst v63  }
0x298: {  	s6 =	simm.s32 $0x10000;
	s18 =	simm.s32 $0xD600;
	s19 =	sadd.s32 $0x60, s17  }
0x299: {  	[hbm4b:s19+s3] =	stream.linear.scatter [tilespmem:s18], [sflag:$0x4], $0x80, $0x38;
	[tilespmem:$0x13C80] =	vst v63  }
0x29a: {  	s7 =	simm.s32 $0xDA00;
	s16 =	sadd.s32 $0x70, s17;
	s18 =	sadd.s32 $0x400, s17  }
.LBB2_27:
0x29b: {  	[hbm4b:s16+s3] =	stream.linear.scatter [tilespmem:s7], [sflag:$0x4], $0x80, $0x38;
	[tilespmem:$0x13C80] =	vst v63  }
0x29c: {  	s7 =	smov.u32 s4;
	s4 =	smov.u32 s6  }
0x29d: {  	s17 =	sadd.s32 $0x8000, s6;
	s4 =	sshra.s32 s4, $0x2;
	s16 =	sadd.s32 $0xBE00, s7  }
0x29e: {  	[hbm4b:s18+s3] =	stream.linear.scatter [tilespmem:s16], [sflag:$0x4], $0x80, $0x38;
	[tilespmem:$0x13C80] =	vst v63  }
0x29f: {  	p0 =	sne.s32 s6, $0x18000;
	s6 =	sadd.s32 $0xC200, s7;
	s16 =	sadd.s32 $0x10, s18  }
0x2a0: {  	[hbm4b:s16+s3] =	stream.linear.scatter [tilespmem:s6], [sflag:$0x4], $0x80, $0x38;
	[tilespmem:$0x13C80] =	vst v63  }
0x2a1: {  	s6 =	sadd.s32 $0xC600, s7;
	s16 =	sadd.s32 $0x20, s18  }
0x2a2: {  	[hbm4b:s16+s3] =	stream.linear.scatter [tilespmem:s6], [sflag:$0x4], $0x80, $0x38;
	[tilespmem:$0x13C80] =	vst v63  }
0x2a3: {  	s6 =	sadd.s32 $0xCA00, s7;
	s16 =	sadd.s32 $0x30, s18  }
0x2a4: {  	[hbm4b:s16+s3] =	stream.linear.scatter [tilespmem:s6], [sflag:$0x4], $0x80, $0x38;
	[tilespmem:$0x13C80] =	vst v63  }
0x2a5: {  	s6 =	sadd.s32 $0xCE00, s7;
	s16 =	sadd.s32 $0x40, s18  }
0x2a6: {  	[hbm4b:s16+s3] =	stream.linear.scatter [tilespmem:s6], [sflag:$0x4], $0x80, $0x38;
	[tilespmem:$0x13C80] =	vst v63  }
.Ltmp12:
0x2a7: {  	s6 =	sadd.s32 $0xD200, s7;
	s16 =	sadd.s32 $0x50, s18;
	(pc) =	sbr.rel @p0 .LBB2_27-.Ltmp12, $4  }
0x2a8: {  	[hbm4b:s16+s3] =	stream.linear.scatter [tilespmem:s6], [sflag:$0x4], $0x80, $0x38;
	[tilespmem:$0x13C80] =	vst v63  }
0x2a9: {  	s6 =	sadd.s32 $0xD600, s7;
	s16 =	sadd.s32 $0x60, s18;
	s7 =	sadd.s32 $0xDA00, s7  }
0x2aa: {  	[hbm4b:s16+s3] =	stream.linear.scatter [tilespmem:s6], [sflag:$0x4], $0x80, $0x38;
	[tilespmem:$0x13C80] =	vst v63  }
0x2ab: {  	s16 =	sadd.s32 $0x70, s18;
	s18 =	sadd.s32 $0x400, s18;
	s6 =	smov.u32 s17  }
0x2ac: {  	[hbm4b:s16+s3] =	stream.linear.scatter [tilespmem:s7], [sflag:$0x4], $0x80, $0x38;
	[tilespmem:$0x13C80] =	vst v63  }
0x2ad: {  	s6 =	sadd.s32 $0xBE00, s4  }
0x2ae: {  	[hbm4b:s18+s3] =	stream.linear.scatter [tilespmem:s6], [sflag:$0x4], $0x80, $0x38;
	[tilespmem:$0x13C80] =	vst v63  }
0x2af: {  	s17 =	sadd.s32 $0xC200, s4;
	s19 =	sadd.s32 $0x10, s18  }
0x2b0: {  	[hbm4b:s19+s3] =	stream.linear.scatter [tilespmem:s17], [sflag:$0x4], $0x80, $0x38;
	[tilespmem:$0x13C80] =	vst v63  }
0x2b1: {  	s7 =	sadd.s32 $0xC600, s4;
	s16 =	sadd.s32 $0x20, s18  }
0x2b2: {  	[hbm4b:s16+s3] =	stream.linear.scatter [tilespmem:s7], [sflag:$0x4], $0x80, $0x38;
	[tilespmem:$0x13C80] =	vst v63  }
0x2b3: {  	s17 =	sadd.s32 $0xCA00, s4;
	s19 =	sadd.s32 $0x30, s18  }
0x2b4: {  	[hbm4b:s19+s3] =	stream.linear.scatter [tilespmem:s17], [sflag:$0x4], $0x80, $0x38;
	[tilespmem:$0x13C80] =	vst v63  }
0x2b5: {  	s7 =	sadd.s32 $0xCE00, s4;
	s16 =	sadd.s32 $0x40, s18  }
0x2b6: {  	[hbm4b:s16+s3] =	stream.linear.scatter [tilespmem:s7], [sflag:$0x4], $0x80, $0x38;
	[tilespmem:$0x13C80] =	vst v63  }
0x2b7: {  	s17 =	sadd.s32 $0xD200, s4;
	s19 =	sadd.s32 $0x50, s18  }
0x2b8: {  	[hbm4b:s19+s3] =	stream.linear.scatter [tilespmem:s17], [sflag:$0x4], $0x80, $0x38;
	[tilespmem:$0x13C80] =	vst v63  }
0x2b9: {  	s7 =	sadd.s32 $0xD600, s4;
	s16 =	sadd.s32 $0x60, s18  }
0x2ba: {  	[hbm4b:s16+s3] =	stream.linear.scatter [tilespmem:s7], [sflag:$0x4], $0x80, $0x38;
	[tilespmem:$0x13C80] =	vst v63  }
0x2bb: {  	s17 =	sadd.s32 $0xDA00, s4;
	s19 =	sadd.s32 $0x70, s18  }
0x2bc: {  	[hbm4b:s19+s3] =	stream.linear.scatter [tilespmem:s17], [sflag:$0x4], $0x80, $0x38;
	[tilespmem:$0x13C80] =	vst v63  }
0x2bd: {  	s6 =	simm.s32 $0xBE80;
	s17 =	sadd.s32 s31, s13  }
0x2be: {  	[hbm4b:s17+s3] =	stream.linear.scatter [tilespmem:s6], [sflag:$0x4], $0x80, $0x38;
	[tilespmem:$0x13C80] =	vst v63  }
0x2bf: {  	s7 =	simm.s32 $0xC280;
	s16 =	sadd.s32 $0x10, s17  }
0x2c0: {  	[hbm4b:s16+s3] =	stream.linear.scatter [tilespmem:s7], [sflag:$0x4], $0x80, $0x38;
	[tilespmem:$0x13C80] =	vst v63  }
0x2c1: {  	s18 =	simm.s32 $0xC680;
	s19 =	sadd.s32 $0x20, s17  }
0x2c2: {  	[hbm4b:s19+s3] =	stream.linear.scatter [tilespmem:s18], [sflag:$0x4], $0x80, $0x38;
	[tilespmem:$0x13C80] =	vst v63  }
0x2c3: {  	s7 =	simm.s32 $0xCA80;
	s16 =	sadd.s32 $0x30, s17  }
0x2c4: {  	[hbm4b:s16+s3] =	stream.linear.scatter [tilespmem:s7], [sflag:$0x4], $0x80, $0x38;
	[tilespmem:$0x13C80] =	vst v63  }
0x2c5: {  	s18 =	simm.s32 $0xCE80;
	s19 =	sadd.s32 $0x40, s17  }
0x2c6: {  	[hbm4b:s19+s3] =	stream.linear.scatter [tilespmem:s18], [sflag:$0x4], $0x80, $0x38;
	[tilespmem:$0x13C80] =	vst v63  }
0x2c7: {  	s4 =	simm.s32 $0x2000;
	s7 =	simm.s32 $0xD280;
	s16 =	sadd.s32 $0x50, s17  }
0x2c8: {  	[hbm4b:s16+s3] =	stream.linear.scatter [tilespmem:s7], [sflag:$0x4], $0x80, $0x38;
	[tilespmem:$0x13C80] =	vst v63  }
0x2c9: {  	s6 =	simm.s32 $0x10000;
	s18 =	simm.s32 $0xD680;
	s19 =	sadd.s32 $0x60, s17  }
0x2ca: {  	[hbm4b:s19+s3] =	stream.linear.scatter [tilespmem:s18], [sflag:$0x4], $0x80, $0x38;
	[tilespmem:$0x13C80] =	vst v63  }
0x2cb: {  	s7 =	simm.s32 $0xDA80;
	s16 =	sadd.s32 $0x70, s17;
	s18 =	sadd.s32 $0x400, s17  }
.LBB2_29:
0x2cc: {  	[hbm4b:s16+s3] =	stream.linear.scatter [tilespmem:s7], [sflag:$0x4], $0x80, $0x38;
	[tilespmem:$0x13C80] =	vst v63  }
0x2cd: {  	s7 =	smov.u32 s4;
	s4 =	smov.u32 s6  }
0x2ce: {  	s17 =	sadd.s32 $0x8000, s6;
	s4 =	sshra.s32 s4, $0x2;
	s16 =	sadd.s32 $0xBE80, s7  }
0x2cf: {  	[hbm4b:s18+s3] =	stream.linear.scatter [tilespmem:s16], [sflag:$0x4], $0x80, $0x38;
	[tilespmem:$0x13C80] =	vst v63  }
0x2d0: {  	p0 =	sne.s32 s6, $0x18000;
	s6 =	sadd.s32 $0xC280, s7;
	s16 =	sadd.s32 $0x10, s18  }
0x2d1: {  	[hbm4b:s16+s3] =	stream.linear.scatter [tilespmem:s6], [sflag:$0x4], $0x80, $0x38;
	[tilespmem:$0x13C80] =	vst v63  }
0x2d2: {  	s6 =	sadd.s32 $0xC680, s7;
	s16 =	sadd.s32 $0x20, s18  }
0x2d3: {  	[hbm4b:s16+s3] =	stream.linear.scatter [tilespmem:s6], [sflag:$0x4], $0x80, $0x38;
	[tilespmem:$0x13C80] =	vst v63  }
0x2d4: {  	s6 =	sadd.s32 $0xCA80, s7;
	s16 =	sadd.s32 $0x30, s18  }
0x2d5: {  	[hbm4b:s16+s3] =	stream.linear.scatter [tilespmem:s6], [sflag:$0x4], $0x80, $0x38;
	[tilespmem:$0x13C80] =	vst v63  }
0x2d6: {  	s6 =	sadd.s32 $0xCE80, s7;
	s16 =	sadd.s32 $0x40, s18  }
0x2d7: {  	[hbm4b:s16+s3] =	stream.linear.scatter [tilespmem:s6], [sflag:$0x4], $0x80, $0x38;
	[tilespmem:$0x13C80] =	vst v63  }
.Ltmp13:
0x2d8: {  	s6 =	sadd.s32 $0xD280, s7;
	s16 =	sadd.s32 $0x50, s18;
	(pc) =	sbr.rel @p0 .LBB2_29-.Ltmp13, $4  }
0x2d9: {  	[hbm4b:s16+s3] =	stream.linear.scatter [tilespmem:s6], [sflag:$0x4], $0x80, $0x38;
	[tilespmem:$0x13C80] =	vst v63  }
0x2da: {  	s6 =	sadd.s32 $0xD680, s7;
	s16 =	sadd.s32 $0x60, s18;
	s7 =	sadd.s32 $0xDA80, s7  }
0x2db: {  	[hbm4b:s16+s3] =	stream.linear.scatter [tilespmem:s6], [sflag:$0x4], $0x80, $0x38;
	[tilespmem:$0x13C80] =	vst v63  }
0x2dc: {  	s16 =	sadd.s32 $0x70, s18;
	s18 =	sadd.s32 $0x400, s18;
	s6 =	smov.u32 s17  }
0x2dd: {  	[hbm4b:s16+s3] =	stream.linear.scatter [tilespmem:s7], [sflag:$0x4], $0x80, $0x38;
	[tilespmem:$0x13C80] =	vst v63  }
0x2de: {  	s6 =	sadd.s32 $0xBE80, s4  }
0x2df: {  	[hbm4b:s18+s3] =	stream.linear.scatter [tilespmem:s6], [sflag:$0x4], $0x80, $0x38;
	[tilespmem:$0x13C80] =	vst v63  }
0x2e0: {  	s17 =	sadd.s32 $0xC280, s4;
	s19 =	sadd.s32 $0x10, s18  }
0x2e1: {  	[hbm4b:s19+s3] =	stream.linear.scatter [tilespmem:s17], [sflag:$0x4], $0x80, $0x38;
	[tilespmem:$0x13C80] =	vst v63  }
0x2e2: {  	s7 =	sadd.s32 $0xC680, s4;
	s16 =	sadd.s32 $0x20, s18  }
0x2e3: {  	[hbm4b:s16+s3] =	stream.linear.scatter [tilespmem:s7], [sflag:$0x4], $0x80, $0x38;
	[tilespmem:$0x13C80] =	vst v63  }
0x2e4: {  	s17 =	sadd.s32 $0xCA80, s4;
	s19 =	sadd.s32 $0x30, s18  }
0x2e5: {  	[hbm4b:s19+s3] =	stream.linear.scatter [tilespmem:s17], [sflag:$0x4], $0x80, $0x38;
	[tilespmem:$0x13C80] =	vst v63  }
0x2e6: {  	s7 =	sadd.s32 $0xCE80, s4;
	s16 =	sadd.s32 $0x40, s18  }
0x2e7: {  	[hbm4b:s16+s3] =	stream.linear.scatter [tilespmem:s7], [sflag:$0x4], $0x80, $0x38;
	[tilespmem:$0x13C80] =	vst v63  }
0x2e8: {  	s17 =	sadd.s32 $0xD280, s4;
	s19 =	sadd.s32 $0x50, s18  }
0x2e9: {  	[hbm4b:s19+s3] =	stream.linear.scatter [tilespmem:s17], [sflag:$0x4], $0x80, $0x38;
	[tilespmem:$0x13C80] =	vst v63  }
0x2ea: {  	s7 =	sadd.s32 $0xD680, s4;
	s16 =	sadd.s32 $0x60, s18  }
0x2eb: {  	[hbm4b:s16+s3] =	stream.linear.scatter [tilespmem:s7], [sflag:$0x4], $0x80, $0x38;
	[tilespmem:$0x13C80] =	vst v63  }
0x2ec: {  	s17 =	sadd.s32 $0xDA80, s4;
	s19 =	sadd.s32 $0x70, s18  }
0x2ed: {  	[hbm4b:s19+s3] =	stream.linear.scatter [tilespmem:s17], [sflag:$0x4], $0x80, $0x38;
	[tilespmem:$0x13C80] =	vst v63  }
0x2ee: {  	s6 =	simm.s32 $0xBF00;
	s17 =	sadd.s32 s31, s14  }
0x2ef: {  	[hbm4b:s17+s3] =	stream.linear.scatter [tilespmem:s6], [sflag:$0x4], $0x80, $0x38;
	[tilespmem:$0x13C80] =	vst v63  }
0x2f0: {  	s7 =	simm.s32 $0xC300;
	s16 =	sadd.s32 $0x10, s17  }
0x2f1: {  	[hbm4b:s16+s3] =	stream.linear.scatter [tilespmem:s7], [sflag:$0x4], $0x80, $0x38;
	[tilespmem:$0x13C80] =	vst v63  }
0x2f2: {  	s18 =	simm.s32 $0xC700;
	s19 =	sadd.s32 $0x20, s17  }
0x2f3: {  	[hbm4b:s19+s3] =	stream.linear.scatter [tilespmem:s18], [sflag:$0x4], $0x80, $0x38;
	[tilespmem:$0x13C80] =	vst v63  }
0x2f4: {  	s7 =	simm.s32 $0xCB00;
	s16 =	sadd.s32 $0x30, s17  }
0x2f5: {  	[hbm4b:s16+s3] =	stream.linear.scatter [tilespmem:s7], [sflag:$0x4], $0x80, $0x38;
	[tilespmem:$0x13C80] =	vst v63  }
0x2f6: {  	s18 =	simm.s32 $0xCF00;
	s19 =	sadd.s32 $0x40, s17  }
0x2f7: {  	[hbm4b:s19+s3] =	stream.linear.scatter [tilespmem:s18], [sflag:$0x4], $0x80, $0x38;
	[tilespmem:$0x13C80] =	vst v63  }
0x2f8: {  	s4 =	simm.s32 $0x2000;
	s7 =	simm.s32 $0xD300;
	s16 =	sadd.s32 $0x50, s17  }
0x2f9: {  	[hbm4b:s16+s3] =	stream.linear.scatter [tilespmem:s7], [sflag:$0x4], $0x80, $0x38;
	[tilespmem:$0x13C80] =	vst v63  }
0x2fa: {  	s6 =	simm.s32 $0x10000;
	s18 =	simm.s32 $0xD700;
	s19 =	sadd.s32 $0x60, s17  }
0x2fb: {  	[hbm4b:s19+s3] =	stream.linear.scatter [tilespmem:s18], [sflag:$0x4], $0x80, $0x38;
	[tilespmem:$0x13C80] =	vst v63  }
0x2fc: {  	s7 =	simm.s32 $0xDB00;
	s16 =	sadd.s32 $0x70, s17;
	s18 =	sadd.s32 $0x400, s17  }
.LBB2_31:
0x2fd: {  	[hbm4b:s16+s3] =	stream.linear.scatter [tilespmem:s7], [sflag:$0x4], $0x80, $0x38;
	[tilespmem:$0x13C80] =	vst v63  }
0x2fe: {  	s7 =	smov.u32 s4;
	s4 =	smov.u32 s6  }
0x2ff: {  	s17 =	sadd.s32 $0x8000, s6;
	s4 =	sshra.s32 s4, $0x2;
	s16 =	sadd.s32 $0xBF00, s7  }
0x300: {  	[hbm4b:s18+s3] =	stream.linear.scatter [tilespmem:s16], [sflag:$0x4], $0x80, $0x38;
	[tilespmem:$0x13C80] =	vst v63  }
0x301: {  	p0 =	sne.s32 s6, $0x18000;
	s6 =	sadd.s32 $0xC300, s7;
	s16 =	sadd.s32 $0x10, s18  }
0x302: {  	[hbm4b:s16+s3] =	stream.linear.scatter [tilespmem:s6], [sflag:$0x4], $0x80, $0x38;
	[tilespmem:$0x13C80] =	vst v63  }
0x303: {  	s6 =	sadd.s32 $0xC700, s7;
	s16 =	sadd.s32 $0x20, s18  }
0x304: {  	[hbm4b:s16+s3] =	stream.linear.scatter [tilespmem:s6], [sflag:$0x4], $0x80, $0x38;
	[tilespmem:$0x13C80] =	vst v63  }
0x305: {  	s6 =	sadd.s32 $0xCB00, s7;
	s16 =	sadd.s32 $0x30, s18  }
0x306: {  	[hbm4b:s16+s3] =	stream.linear.scatter [tilespmem:s6], [sflag:$0x4], $0x80, $0x38;
	[tilespmem:$0x13C80] =	vst v63  }
0x307: {  	s6 =	sadd.s32 $0xCF00, s7;
	s16 =	sadd.s32 $0x40, s18  }
0x308: {  	[hbm4b:s16+s3] =	stream.linear.scatter [tilespmem:s6], [sflag:$0x4], $0x80, $0x38;
	[tilespmem:$0x13C80] =	vst v63  }
.Ltmp14:
0x309: {  	s6 =	sadd.s32 $0xD300, s7;
	s16 =	sadd.s32 $0x50, s18;
	(pc) =	sbr.rel @p0 .LBB2_31-.Ltmp14, $4  }
0x30a: {  	[hbm4b:s16+s3] =	stream.linear.scatter [tilespmem:s6], [sflag:$0x4], $0x80, $0x38;
	[tilespmem:$0x13C80] =	vst v63  }
0x30b: {  	s6 =	sadd.s32 $0xD700, s7;
	s16 =	sadd.s32 $0x60, s18;
	s7 =	sadd.s32 $0xDB00, s7  }
0x30c: {  	[hbm4b:s16+s3] =	stream.linear.scatter [tilespmem:s6], [sflag:$0x4], $0x80, $0x38;
	[tilespmem:$0x13C80] =	vst v63  }
0x30d: {  	s16 =	sadd.s32 $0x70, s18;
	s18 =	sadd.s32 $0x400, s18;
	s6 =	smov.u32 s17  }
0x30e: {  	[hbm4b:s16+s3] =	stream.linear.scatter [tilespmem:s7], [sflag:$0x4], $0x80, $0x38;
	[tilespmem:$0x13C80] =	vst v63  }
0x30f: {  	s6 =	sadd.s32 $0xBF00, s4  }
0x310: {  	[hbm4b:s18+s3] =	stream.linear.scatter [tilespmem:s6], [sflag:$0x4], $0x80, $0x38;
	[tilespmem:$0x13C80] =	vst v63  }
0x311: {  	s17 =	sadd.s32 $0xC300, s4;
	s19 =	sadd.s32 $0x10, s18  }
0x312: {  	[hbm4b:s19+s3] =	stream.linear.scatter [tilespmem:s17], [sflag:$0x4], $0x80, $0x38;
	[tilespmem:$0x13C80] =	vst v63  }
0x313: {  	s7 =	sadd.s32 $0xC700, s4;
	s16 =	sadd.s32 $0x20, s18  }
0x314: {  	[hbm4b:s16+s3] =	stream.linear.scatter [tilespmem:s7], [sflag:$0x4], $0x80, $0x38;
	[tilespmem:$0x13C80] =	vst v63  }
0x315: {  	s17 =	sadd.s32 $0xCB00, s4;
	s19 =	sadd.s32 $0x30, s18  }
0x316: {  	[hbm4b:s19+s3] =	stream.linear.scatter [tilespmem:s17], [sflag:$0x4], $0x80, $0x38;
	[tilespmem:$0x13C80] =	vst v63  }
0x317: {  	s7 =	sadd.s32 $0xCF00, s4;
	s16 =	sadd.s32 $0x40, s18  }
0x318: {  	[hbm4b:s16+s3] =	stream.linear.scatter [tilespmem:s7], [sflag:$0x4], $0x80, $0x38;
	[tilespmem:$0x13C80] =	vst v63  }
0x319: {  	s17 =	sadd.s32 $0xD300, s4;
	s19 =	sadd.s32 $0x50, s18  }
0x31a: {  	[hbm4b:s19+s3] =	stream.linear.scatter [tilespmem:s17], [sflag:$0x4], $0x80, $0x38;
	[tilespmem:$0x13C80] =	vst v63  }
0x31b: {  	s7 =	sadd.s32 $0xD700, s4;
	s16 =	sadd.s32 $0x60, s18  }
0x31c: {  	[hbm4b:s16+s3] =	stream.linear.scatter [tilespmem:s7], [sflag:$0x4], $0x80, $0x38;
	[tilespmem:$0x13C80] =	vst v63  }
0x31d: {  	s17 =	sadd.s32 $0xDB00, s4;
	s19 =	sadd.s32 $0x70, s18  }
0x31e: {  	[hbm4b:s19+s3] =	stream.linear.scatter [tilespmem:s17], [sflag:$0x4], $0x80, $0x38;
	[tilespmem:$0x13C80] =	vst v63  }
0x31f: {  	s17 =	sadd.s32 s31, s15;
	s31 =	simm.s32 $0xBF80  }
0x320: {  	[hbm4b:s17+s3] =	stream.linear.scatter [tilespmem:s31], [sflag:$0x4], $0x80, $0x38;
	[tilespmem:$0x13C80] =	vst v63  }
0x321: {  	s6 =	simm.s32 $0xC380;
	s7 =	sadd.s32 $0x10, s17  }
0x322: {  	[hbm4b:s7+s3] =	stream.linear.scatter [tilespmem:s6], [sflag:$0x4], $0x80, $0x38;
	[tilespmem:$0x13C80] =	vst v63  }
0x323: {  	s4 =	simm.s32 $0x2000;
	s16 =	simm.s32 $0xC780;
	s18 =	sadd.s32 $0x20, s17  }
0x324: {  	[hbm4b:s18+s3] =	stream.linear.scatter [tilespmem:s16], [sflag:$0x4], $0x80, $0x38;
	[tilespmem:$0x13C80] =	vst v63  }
0x325: {  	s19 =	simm.s32 $0xCB80;
	s31 =	sadd.s32 $0x30, s17;
	s6 =	simm.s32 $0xCF80  }
0x326: {  	[hbm4b:s31+s3] =	stream.linear.scatter [tilespmem:s19], [sflag:$0x4], $0x80, $0x38;
	[tilespmem:$0x13C80] =	vst v63  }
0x327: {  	s7 =	sadd.s32 $0x40, s17;
	s16 =	simm.s32 $0xD380;
	s18 =	sadd.s32 $0x50, s17  }
0x328: {  	[hbm4b:s7+s3] =	stream.linear.scatter [tilespmem:s6], [sflag:$0x4], $0x80, $0x38;
	[tilespmem:$0x13C80] =	vst v63  }
0x329: {  	s19 =	simm.s32 $0xD780;
	s31 =	sadd.s32 $0x60, s17;
	s6 =	simm.s32 $0x10000  }
0x32a: {  	[hbm4b:s18+s3] =	stream.linear.scatter [tilespmem:s16], [sflag:$0x4], $0x80, $0x38;
	[tilespmem:$0x13C80] =	vst v63  }
0x32b: {  	s7 =	simm.s32 $0xDB80;
	s16 =	sadd.s32 $0x70, s17;
	s18 =	sadd.s32 $0x400, s17  }
0x32c: {  	[hbm4b:s31+s3] =	stream.linear.scatter [tilespmem:s19], [sflag:$0x4], $0x80, $0x38;
	[tilespmem:$0x13C80] =	vst v63  }
.LBB2_33:
0x32d: {  	[hbm4b:s16+s3] =	stream.linear.scatter [tilespmem:s7], [sflag:$0x4], $0x80, $0x38;
	[tilespmem:$0x13C80] =	vst v63  }
0x32e: {  	s7 =	smov.u32 s4;
	s4 =	smov.u32 s6  }
0x32f: {  	s17 =	sadd.s32 $0x8000, s6;
	s4 =	sshra.s32 s4, $0x2;
	s16 =	sadd.s32 $0xBF80, s7  }
0x330: {  	[hbm4b:s18+s3] =	stream.linear.scatter [tilespmem:s16], [sflag:$0x4], $0x80, $0x38;
	[tilespmem:$0x13C80] =	vst v63  }
0x331: {  	p0 =	sne.s32 s6, $0x18000;
	s6 =	sadd.s32 $0xC380, s7;
	s16 =	sadd.s32 $0x10, s18  }
0x332: {  	[hbm4b:s16+s3] =	stream.linear.scatter [tilespmem:s6], [sflag:$0x4], $0x80, $0x38;
	[tilespmem:$0x13C80] =	vst v63  }
0x333: {  	s6 =	sadd.s32 $0xC780, s7;
	s16 =	sadd.s32 $0x20, s18  }
0x334: {  	[hbm4b:s16+s3] =	stream.linear.scatter [tilespmem:s6], [sflag:$0x4], $0x80, $0x38;
	[tilespmem:$0x13C80] =	vst v63  }
0x335: {  	s6 =	sadd.s32 $0xCB80, s7;
	s16 =	sadd.s32 $0x30, s18  }
0x336: {  	[hbm4b:s16+s3] =	stream.linear.scatter [tilespmem:s6], [sflag:$0x4], $0x80, $0x38;
	[tilespmem:$0x13C80] =	vst v63  }
0x337: {  	s6 =	sadd.s32 $0xCF80, s7;
	s16 =	sadd.s32 $0x40, s18  }
0x338: {  	[hbm4b:s16+s3] =	stream.linear.scatter [tilespmem:s6], [sflag:$0x4], $0x80, $0x38;
	[tilespmem:$0x13C80] =	vst v63  }
.Ltmp15:
0x339: {  	s6 =	sadd.s32 $0xD380, s7;
	s16 =	sadd.s32 $0x50, s18;
	(pc) =	sbr.rel @p0 .LBB2_33-.Ltmp15, $4  }
0x33a: {  	[hbm4b:s16+s3] =	stream.linear.scatter [tilespmem:s6], [sflag:$0x4], $0x80, $0x38;
	[tilespmem:$0x13C80] =	vst v63  }
0x33b: {  	s6 =	sadd.s32 $0xD780, s7;
	s16 =	sadd.s32 $0x60, s18;
	s7 =	sadd.s32 $0xDB80, s7  }
0x33c: {  	[hbm4b:s16+s3] =	stream.linear.scatter [tilespmem:s6], [sflag:$0x4], $0x80, $0x38;
	[tilespmem:$0x13C80] =	vst v63  }
0x33d: {  	s16 =	sadd.s32 $0x70, s18;
	s18 =	sadd.s32 $0x400, s18;
	s6 =	smov.u32 s17  }
0x33e: {  	[hbm4b:s16+s3] =	stream.linear.scatter [tilespmem:s7], [sflag:$0x4], $0x80, $0x38;
	[tilespmem:$0x13C80] =	vst v63  }
0x33f: {  	s6 =	sadd.s32 $0xBF80, s4  }
0x340: {  	[hbm4b:s18+s3] =	stream.linear.scatter [tilespmem:s6], [sflag:$0x4], $0x80, $0x38;
	[tilespmem:$0x13C80] =	vst v63  }
0x341: {  	s19 =	sadd.s32 $0xC380, s4;
	s31 =	sadd.s32 $0x10, s18  }
0x342: {  	[hbm4b:s31+s3] =	stream.linear.scatter [tilespmem:s19], [sflag:$0x4], $0x80, $0x38;
	[tilespmem:$0x13C80] =	vst v63  }
0x343: {  	s16 =	sadd.s32 $0xC780, s4;
	s17 =	sadd.s32 $0x20, s18  }
0x344: {  	[hbm4b:s17+s3] =	stream.linear.scatter [tilespmem:s16], [sflag:$0x4], $0x80, $0x38;
	[tilespmem:$0x13C80] =	vst v63  }
0x345: {  	s19 =	sadd.s32 $0xCB80, s4;
	s31 =	sadd.s32 $0x30, s18  }
0x346: {  	[hbm4b:s31+s3] =	stream.linear.scatter [tilespmem:s19], [sflag:$0x4], $0x80, $0x38;
	[tilespmem:$0x13C80] =	vst v63  }
0x347: {  	s16 =	sadd.s32 $0xCF80, s4;
	s17 =	sadd.s32 $0x40, s18  }
0x348: {  	[hbm4b:s17+s3] =	stream.linear.scatter [tilespmem:s16], [sflag:$0x4], $0x80, $0x38;
	[tilespmem:$0x13C80] =	vst v63  }
0x349: {  	s19 =	sadd.s32 $0xD380, s4;
	s31 =	sadd.s32 $0x50, s18  }
0x34a: {  	[hbm4b:s31+s3] =	stream.linear.scatter [tilespmem:s19], [sflag:$0x4], $0x80, $0x38;
	[tilespmem:$0x13C80] =	vst v63  }
0x34b: {  	s7 =	sadd.s32 $0xD780, s4;
	s16 =	sadd.s32 $0x60, s18  }
0x34c: {  	[hbm4b:s16+s3] =	stream.linear.scatter [tilespmem:s7], [sflag:$0x4], $0x80, $0x38;
	[tilespmem:$0x13C80] =	vst v63  }
0x34d: {  	s17 =	sadd.s32 $0xDB80, s4;
	s19 =	sadd.s32 $0x70, s18  }
0x34e: {  	[hbm4b:s19+s3] =	stream.linear.scatter [tilespmem:s17], [sflag:$0x4], $0x80, $0x38;
	[tilespmem:$0x13C80] =	vst v63  }
0x34f: {  	_ =	swait.ge [sflag:s29], $0x1000  }
0x350: {  	[sflag:s29] =	ssyncset.done $0x0  }
0x351: {  	[sflag:s29] =	ssyncadd.s32 $0xFFFFF000  }
0x352: {  	_ =	swait.ge [sflag:s29], $0x1000  }
0x353: {  	[sflag:s29] =	ssyncset.done $0x0  }
0x354: {  	[sflag:s29] =	ssyncadd.s32 $0xFFFFF000  }
0x355: {  	_ =	swait.ge [sflag:s29], $0x1000  }
0x356: {  	[sflag:s29] =	ssyncset.done $0x0  }
0x357: {  	[sflag:s29] =	ssyncadd.s32 $0xFFFFF000  }
0x358: {  	_ =	swait.ge [sflag:s29], $0x1000  }
0x359: {  	[sflag:s29] =	ssyncset.done $0x0  }
0x35a: {  	[sflag:s29] =	ssyncadd.s32 $0xFFFFF000  }
0x35b: {  	_ =	swait.ge [sflag:s29], $0x1000  }
0x35c: {  	[sflag:s29] =	ssyncset.done $0x0  }
0x35d: {  	[sflag:s29] =	ssyncadd.s32 $0xFFFFF000  }
0x35e: {  	_ =	swait.ge [sflag:s29], $0x1000  }
0x35f: {  	[sflag:s29] =	ssyncset.done $0x0  }
0x360: {  	[sflag:s29] =	ssyncadd.s32 $0xFFFFF000  }
0x361: {  	_ =	swait.ge [sflag:s29], $0x1000  }
0x362: {  	[sflag:s29] =	ssyncset.done $0x0  }
0x363: {  	p0 =	seq.s32 s2, $0x18;
	[sflag:s29] =	ssyncadd.s32 $0xFFFFF000  }
0x364: {  	s4 =	sshll.u32 @!p0 s2, $0x8;
	_ =	swait.ge [sflag:s29], $0x1000  }
0x365: {  	s6 =	simm.s32 @!p0 $0x20;
	s4 =	sand.u32 @!p0 $0x3FFFFF00, s4;
	[sflag:s29] =	ssyncset.done $0x0  }
0x366: {  	s4 =	sadd.s32 @!p0 $0x100, s4;
	s7 =	simm.s32 @!p0 $0x3C00;
	[sflag:s29] =	ssyncadd.s32 $0xFFFFF000  }
0x367: {  	[tilespmem:s7], [sflag:$0x1] =	stream.indirect.gather @!p0 [hbm4b:s1+s6], $0x400, s4, s6, $0xb8;
	[tilespmem:$0x13C80] =	vst v63  }
0x368: {  	v9 =	vld [tilespmem:s21+$0x0]  }
0x369: {  	s31 =	sor.u32 $0x10, s21;
	v10 =	vld [tilespmem:s21+$0x1C00]  }
0x36a: {  	v12 =	vld [tilespmem:s31+$0x0]  }
0x36b: {  	v14 =	vld [tilespmem:s21+$0x1C10];
	_ =	sdelay $0x3  }
0x36c: {  	v11 =	vshra.s32 v9, $0x1F;
	vm0 =	vlt.s32 v9, $0x1;
	v54 =	vshra.s32 v10, $0x1F  }
0x36d: {  	vm11 =	vlt.s32 v10, $0x1;
	v17 =	vshra.s32 v12, $0x1F;
	v56 =	vshra.s32 v14, $0x1F  }
0x36e: {  	v11 =	vshrl.u32 v11, $0x19;
	v55 =	vshrl.u32 v17, $0x19;
	v17 =	vshrl.u32 v56, $0x19  }
0x36f: {  	vm13 =	vlt.s32 v12, $0x1;
	v11 =	vadd.s32 v11, v9;
	v17 =	vadd.s32 v17, v14  }
0x370: {  	vm15 =	vlt.s32 v14, $0x1;
	v11 =	vshra.s32 v11, $0x7;
	v57 =	vand.u32 $0xFFFFFF80, v17  }
0x371: {  	v61 =	vshrl.u32 v17, $0x7;
	v13 =	vshll.u32 v11, $0x7;
	vm2 =	vne.s32 v14, v57  }
0x372: {  	v14 =	vand.u32 $0x7F, v14;
	vm1 =	vne.s32 v9, v13;
	v13 =	vshrl.u32 v54, $0x19  }
0x373: {  	v9 =	vand.u32 $0x7F, v9;
	vm0 =	vmand vm0, vm1;
	v13 =	vadd.s32 v13, v10  }
0x374: {  	vm1 =	vmand vm15, vm2;
	v15 =	vsel vm0, $0xFFFFFFFF, v1;
	v16 =	vand.u32 $0xFFFFFF80, v13  }
0x375: {  	v13 =	vshrl.u32 v13, $0x7;
	v62 =	vsel vm1, $0xFFFFFFFF, v1;
	vm12 =	vne.s32 v10, v16  }
0x376: {  	v16 =	vadd.s32 v55, v12;
	v11 =	vadd.s32 v15, v11;
	v10 =	vand.u32 $0x7F, v10  }
0x377: {  	vm0 =	vmand vm11, vm12;
	v19 =	vand.u32 $0xFFFFFF80, v16;
	v11 =	vshll.u32 v11, $0x7  }
0x378: {  	v59 =	vshrl.u32 v16, $0x7;
	v18 =	vsel vm0, $0xFFFFFFFF, v1;
	vm14 =	vne.s32 v12, v19  }
0x379: {  	v9 =	vor.u32 v9, v11;
	vm0 =	vmand vm13, vm14;
	v13 =	vadd.s32 v18, v13  }
0x37a: {  	v12 =	vand.u32 $0x7F, v12;
	v58 =	vshll.u32 v13, $0x7;
	v60 =	vsel vm0, $0xFFFFFFFF, v1  }
0x37b: {  	v13 =	vadd.s32 v62, v61;
	v10 =	vor.u32 v10, v58;
	v11 =	vadd.s32 v60, v59  }
0x37c: {  	v13 =	vshll.u32 v13, $0x7;
	v10 =	vadd.s32 v0, v10;
	v11 =	vshll.u32 v11, $0x7  }
0x37d: {  	v63 =	vor.u32 v14, v13;
	v11 =	vor.u32 v12, v11  }
0x37e: {  	v12 =	vadd.s32 v2, v63;
	_ =	sdelay $0x1  }
0x37f: {  	v9 =	vld.idx.msk [tilespmem:v9+s22+$0x0], $0xffff  }
0x380: {  	v10 =	vld.idx.msk [tilespmem:v10+s26+$0x0], $0xffff  }
0x381: {  	v11 =	vld.idx.msk [tilespmem:v11+s22+$0x0], $0xffff  }
0x382: {  	v12 =	vld.idx.msk [tilespmem:v12+s26+$0x0], $0xffff;
	_ =	swait.ge [sflag:s30], $0x1000  }
0x383: {  	[sflag:s30] =	ssyncset.done $0x0  }
0x384: {  	[sflag:s30] =	ssyncadd.s32 $0xFFFFF000  }
0x385: {  	_ =	swait.ge [sflag:s30], $0x1000  }
0x386: {  	[sflag:s30] =	ssyncset.done $0x0  }
0x387: {  	[sflag:s30] =	ssyncadd.s32 $0xFFFFF000  }
0x388: {  	_ =	swait.ge [sflag:s30], $0x1000  }
0x389: {  	[sflag:s30] =	ssyncset.done $0x0  }
0x38a: {  	[sflag:s30] =	ssyncadd.s32 $0xFFFFF000  }
0x38b: {  	_ =	swait.ge [sflag:s30], $0x1000  }
0x38c: {  	[sflag:s30] =	ssyncset.done $0x0  }
0x38d: {  	[sflag:s30] =	ssyncadd.s32 $0xFFFFF000  }
0x38e: {  	_ =	swait.ge [sflag:s30], $0x1000  }
0x38f: {  	[sflag:s30] =	ssyncset.done $0x0  }
0x390: {  	[sflag:s30] =	ssyncadd.s32 $0xFFFFF000  }
0x391: {  	v7 =	vsub.f32 v7, v8;
	_ =	swait.ge [sflag:s30], $0x1000  }
0x392: {  	[sflag:s30] =	ssyncset.done $0x0  }
0x393: {  	v5 =	vsub.f32 v5, v6;
	v4 =	vadd.f32 v7, v4;
	s2 =	sadd.s32 $0x1, s2;
	[sflag:s30] =	ssyncadd.s32 $0xFFFFF000  }
0x394: {  	p0 =	sne.s32 s2, $0x19;
	_ =	swait.ge [sflag:s30], $0x1000  }
.Ltmp16:
0x395: {  	v4 =	vadd.f32 v5, v4;
	v5 =	vsub.f32 v9, v10;
	[sflag:s30] =	ssyncset.done $0x0;
	(pc) =	sbr.rel @p0 .LBB2_2-.Ltmp16, $4  }
0x396: {  	[sflag:s30] =	ssyncadd.s32 $0xFFFFF000  }
0x397: {  	v4 =	vadd.f32 v5, v4;
	v5 =	vsub.f32 v11, v12;
	_ =	swait.ge [sflag:s30], $0x1000  }
0x398: {  	[sflag:s30] =	ssyncset.done $0x0  }
0x399: {  	v4 =	vadd.f32 v5, v4;
	[sflag:s30] =	ssyncadd.s32 $0xFFFFF000  }
0x39a: {  	[tilespmem:$0x13C10] =	vst v3  }
0x39b: {  	[tilespmem:$0x13C20] =	vst v3  }
0x39c: {  	[tilespmem:$0x13C30] =	vst v3  }
0x39d: {  	[tilespmem:$0x13C40] =	vst v3  }
0x39e: {  	[tilespmem:$0x13C50] =	vst v3  }
0x39f: {  	[tilespmem:$0x13C60] =	vst v3  }
0x3a0: {  	[tilespmem:$0x13C70] =	vst v3  }
0x3a1: {  	s2 =	rddreg [dreg:$0x6];
	s4 =	simm.s32 $0x13C00;
	[tilespmem:$0x13C00] =	vst v4  }
0x3a2: {  	[hbm4b:s2+s3] =	stream.linear.scatter [tilespmem:s4], [sflag:$0x5], $0x80, $0x38;
	[tilespmem:$0x13C80] =	vst v63  }
0x3a3: {  	_ =	swait.ge [sflag:s20], $0x80  }
0x3a4: {  	s0 =	sadd.s32 $0x1, s0;
	s31 =	rddreg [dreg:$0x7]  }
0x3a5: {  	p0 =	sne.s32 s0, s31  }
.Ltmp17:
0x3a6: {  	_ = 	snop;
	(pc) =	sbr.rel @p0 .LBB2_1-.Ltmp17, $3  }
0x3a7: {  	_ =	sdelay $0x1  }
0x3a8: {  	[sflag:s20] =	ssyncset.done $0x0  }
0x3a9: {  	[sflag:s20] =	ssyncadd.s32 $0xFFFFFF80  }
0x3aa: {  	_ =	sfence.sel $0x180000  }
0x3ab: {  	[bflag:$0x0] =	sbarrier.arrive $0xFFFF  }
0x3ac: {  	_ =	strace $0x90000047  }
0x3ad: {  	s0 =	stileid.u32;
	[bflag:$0x2] =	sbarrier.arrive $0xFFFF  }
0x3ae: {  	p0 =	sne.s32 s0, $0x0;
	s0 =	rddreg [dreg:$0x2]  }
0x3af: {  	s0 =	sadd.s32 @!p0 $0x100000, s0  }
0x3b0: {  	[sflag:s0] =	ssyncadd.tile.s32 @!p0 $0x1;
	_ =	shalt  }
.Lfunc_end2:
_tile_overlayer_lowered:
.L_overlay_start_2:
0x3b1: {  	(tag) =	ssettag $0x2  }
0x3b2: {  	s0 =	rddreg [dreg:$0x0];
	s2 =	stileid.u32  }
0x3b3: {  	s1 =	rddreg [dreg:$0x1];
	p0 =	sne.s32 s2, $0x0  }
0x3b4: {  	s3 =	rddreg [dreg:$0x2];
	[bflag:$0x3] =	sbarrier.arrive $0xFFFF;
	s2 =	simm.s32 @!p0 $0x1C05  }
0x3b5: {  	[timem:s3], [sflag:s2] =	dma.local @!p0 [hbm:s0], s1  }
0x3b6: {  	s0 =	simm.s32 @!p0 $0x5  }
0x3b7: {  	_ =	swait.ge @!p0 [sflag:s0], s1  }
0x3b8: {  	s1 =	ssub.s32 @!p0 $0x0, s1;
	[sflag:s0] =	ssyncset.done @!p0 $0x0  }
0x3b9: {  	[sflag:s0] =	ssyncadd.s32 @!p0 s1  }
0x3ba: {  	[bflag:$0x3] =	sbarrier.arrive $0xFFFF  }
0x3bb: {  	_ =	shalt  }

// kernel: sparse-core-data-format-call.cloned.1.call-start
scs
called_computation_lowered:
.L_overlay_start_0:
0x0: {  	s2 =	sld [smem:$0x3FD9]  }
0x1: {  	s3 =	sld [smem:$0x3FFE];
	_ =	sdelay $0x1  }
0x2: {  	s1 =	srdreg.scid  }
0x3: {  	s0 =	sand.u32 $0x1, s1  }
0x4: {  	s15 =	sshll.u32 s0, $0xA;
	s2 =	sadd.s32 s3, s2  }
0x5: {  	s2 =	sadd.s32 s2, s15  }
0x6: {  	[smem:$0x3FC5] =	sst s2  }
0x7: {  	_ = 	snop  }
0x8: {  	s2 =	sld [smem:$0x3FD0];
	_ =	sdelay $0x2  }
0x9: {  	s16 =	simm.s32 $0xA;
	s4 =	simm.s32 $0x10  }
0xa: {  	[smem:s4], [sflag:s16] =	dma.local [hbm:s2], $0x1  }
0xb: {  	_ =	swait.eq [sflag:s16], $0x1  }
0xc: {  	[sflag:s16] =	ssyncset.done $0x0  }
0xd: {  	[sflag:s16] =	ssyncadd.s32 $0xFFFFFFFF  }
0xe: {  	s17 =	sld [smem:$0x10];
	(tm) =	ssettm $0x1  }
0xf: {  	s18 =	sld [smem:$0x3FFB];
	_ =	sdelay $0x3  }
0x10: {  	_ =	strace s18  }
0x11: {  	s3 =	sld [smem:$0x3FFC];
	_ =	sdelay $0x3  }
0x12: {  	_ =	strace s3  }
0x13: {  	s3 =	sld [smem:$0x3FFD];
	_ =	sdelay $0x3  }
0x14: {  	_ =	strace s3  }
0x15: {  	_ =	strace $0x8FFFFFFF  }
0x16: {  	s19 =	sld [smem:$0x3FDB];
	_ =	sdelay $0x1  }
0x17: {  	s20 =	simm.s32 $_scs_section_size  }
0x18: {  	s5 =	simm.s32 $_size__tile_overlayer_lowered;
	s6 =	simm.s32 $_tile_overlayer_lowered  }
0x19: {  	s23 =	simm.s32 $0x1BFF;
	s22 =	sshll.u32 s6, $0x1;
	s3 =	sadd.s32 s20, s19  }
0x1a: {  	s7 =	simm.s32 $0x0;
	s21 =	sshll.u32 s5, $0x1;
	s5 =	sadd.s32 s22, s3  }
0x1b: {  	[timem:s7], [sflag:s23] =	dma.local [hbm:s5], s21  }
0x1c: {  	_ =	swait.ge [sflag:s23], s21  }
0x1d: {  	s4 =	ssub.s32 $0x0, s21;
	[sflag:s23] =	ssyncset.done $0x0  }
0x1e: {  	[sflag:s23] =	ssyncadd.s32 s4;
	_ =	sdelay $0x1  }
0x1f: {  	s24 =	simm.s32 $0x1B8B  }
0x20: {  	_ =	swait.ge [sflag:s24], $0x1  }
0x21: {  	[sflag:s24] =	ssyncset.done $0x0  }
0x22: {  	s26 =	simm.s32 $0x1B8E;
	s25 =	sld [smem:$0x3FFE];
	[sflag:s24] =	ssyncadd.s32 $0xFFFFFFFF  }
0x23: {  	s27 =	simm.s32 $execute0_lowered;
	[smem:$0x3FD2] =	sst s26  }
0x24: {  	s5 =	sshll.u32 s27, $0x1;
	_ =	strace $0x80000049;
	[dreg:$0x1] =	wrdreg $0xFFFFFFFF  }
0x25: {  	s28 =	simm.s32 $_size_execute0_lowered;
	s3 =	sadd.s32 s3, s5;
	[dreg:$0x0] =	wrdreg $0x0  }
0x26: {  	s5 =	sshll.u32 s28, $0x1;
	[dreg:$0x2] =	wrdreg s3  }
0x27: {  	[dreg:$0x3] =	wrdreg s5  }
0x28: {  	[dreg:$0x4] =	wrdreg $0xC0  }
0x29: {  	_ =	task [dreg:s7], $0x5FFFF  }
0x2a: {  	[dreg:$0x1] =	wrdreg $0xFFFFFFFF  }
0x2b: {  	[dreg:$0x0] =	wrdreg $0x60  }
0x2c: {  	[dreg:$0x2] =	wrdreg s25  }
0x2d: {  	[dreg:$0x3] =	wrdreg s17  }
0x2e: {  	[dreg:$0x4] =	wrdreg $0x9  }
0x2f: {  	_ =	task.clear_ibuf [dreg:s7], $0x5FFFF;
	_ =	strace $0x90000049  }
0x30: {  	s29 =	simm.s32 $0x9;
	_ =	strace $0x8000004B  }
0x31: {  	_ =	swait.ge [sflag:s29], $0x1  }
0x32: {  	[sflag:s29] =	ssyncadd.s32 $0xFFFFFFFF  }
0x33: {  	_ =	strace $0x9000004B  }
0x34: {  	_ =	sfence  }
0x35: {  	s30 =	sld [smem:$0x0];
	_ =	sdelay $0x2  }
0x36: {  	s31 =	sshll.u32 s1, $0xD;
	s1 =	sshrl.u32 s1, $0x2  }
0x37: {  	s3 =	sand.u32 $0x4000, s31;
	s1 =	sadd.s32 s1, s30  }
0x38: {  	s0 =	sor.u32 s3, s0;
	s1 =	sshll.u32 s1, $0x11  }
0x39: {  	s0 =	sor.u32 s1, s0  }
0x3a: {  	s0 =	sadd.s32 $0x8F2B, s0  }
0x3b: {  	[sflag:s0] =	ssyncadd.remote.s32 $0x1  }
0x3c: {  	_ =	sfence.sel $0xFFFF  }
0x3d: {  	[dreg:$0x0] =	wrdreg $0xFFFFFFFF;
	(pc) =	sbr.abs _section_cstart, $3  }
0x3e: {  	[dreg:$0x1] =	wrdreg $0xFFFFFFFF  }
0x3f: {  	_ =	task.clear_ibuf [dreg:s7], $0x2FFFF;
	_ =	strace $0x9FFFFFFF  }
0x40: {  	(tm) =	ssettm $0x7FFFFFFF  }
0x41: {  	_ =	shalt  }
tec
execute0_lowered:
.L_overlay_start_1:
0x0: {  	(tag) =	ssettag $0x1  }
0x1: {  	s4 =	rddreg [dreg:$0x0]  }
0x2: {  	s2 =	rddreg [dreg:$0x1];
	s1 =	stileid.u32  }
0x3: {  	s3 =	srdreg.scid;
	s0 =	rddreg [dreg:$0x2];
	_ =	strace $0x8000004A  }
0x4: {  	s10 =	simm.s32 $0x2;
	s14 =	simm.s32 $0x0;
	s16 =	simm.s32 $0x0  }
0x5: {  	s12 =	simm.s32 $0x0;
	s15 =	simm.s32 $0x0;
	s3 =	sshll.u32 s3, $0x4  }
0x6: {  	s5 =	sshll.u32 s1, $0x7;
	s4 =	sadd.s32 $0xDE00, s4;
	s6 =	sand.u32 $0x10, s3  }
0x7: {  	s3 =	sand.u32 $0x180, s5;
	s5 =	simm.s32 $0x1;
	s8 =	sor.u32 s1, s6  }
0x8: {  	s31 =	ssub.s32 $0xC800, s3;
	[sflag:s5] =	ssyncpa.u1 $0x0;
	s13 =	smov.u32 s3  }
.Ltmp0:
0x9: {  	s7 =	sshll.u32 s8, $0x5;
	s9 =	sand.u32 $0x180, s31;
	(pc) =	sbr.rel .LBB1_1-.Ltmp0, $4  }
0xa: {  	s11 =	sshrl.u32 s31, $0x9;
	p0 =	sne.s32 s9, $0x0;
	s9 =	simm.s32 $0x1  }
0xb: {  	[sflag:s10] =	ssyncpa.u1 $0x0;
	s8 =	sshll.u32 s8, $0x8;
	s9 =	simm.s32 @!p0 $0x0  }
0xc: {  	s10 =	simm.s32 $0x64000;
	s6 =	sand.u32 $0x380, s7;
	s7 =	sadd.s32 s9, s11  }
0xd: {  	p0 =	por $0x0, $0x0;
	s11 =	simm.s32 $0x0;
	s9 =	sadd.s32 $0x1, s7  }
.LBB1_4:
0xe: {  	s22 =	sshrl.u32 s11, $0x3  }
0xf: {  	s23 =	sshll.u32 s12, $0x3;
	s24 =	sand.u32 $0x7F, s12;
	s22 =	smul.u32 $0x64000, s22  }
0x10: {  	v5 =	vld [tilespmem:s18+$0xFFFFFFD0];
	s21 =	sshra.s32 s21, $0x2;
	s25 =	sshra.s32 s12, $0x1F;
	s23 =	sand.u32 $0xFFFFFC00, s23  }
0x11: {  	[tilespmem:s20+$0x2040 ss:$0x81] =	vst.msk $0xffff, v4;
	v58 =	vld [tilespmem:s18+$0xFFFFFFE0];
	p1 =	sgt.s32 s12, $0xC780;
	s25 =	sand.u32 s25, s12;
	s22 =	sadd.s32 s23, s22  }
0x12: {  	[tilespmem:s20+$0x2850 ss:$0x81] =	vst.msk $0xffff, v3;
	v59 =	vld [tilespmem:s18+$0xFFFFFFF0];
	s23 =	sor.u32 s24, s22;
	s22 =	smulhi.u32 $0x51EB851F, s22;
	s24 =	smov.u32 s12  }
0x13: {  	[tilespmem:s20+$0x3060 ss:$0x81] =	vst.msk $0xffff, v2;
	v60 =	vld [tilespmem:s18+$0x0];
	s19 =	sadd.s32 s21, s19;
	s26 =	smulhi.u32 $0x51EB851F, s23;
	s24 =	simm.s32 @!p1 $0xC780  }
0x14: {  	[tilespmem:s20+$0x0 ss:$0x81] =	vst.msk $0xffff, v0;
	v61 =	vld [tilespmem:s18+$0x10];
	p1 =	sgt.s32 s11, $0x368;
	s28 =	sshrl.u32 s22, $0xE;
	s29 =	ssub.s32 s24, s25  }
0x15: {  	[tilespmem:s19+$0x3870 ss:$0x81] =	vst.msk $0xffff, v1;
	s30 =	sshrl.u32 s26, $0xE;
	s31 =	smulhi.u32 $0x418938, s28;
	s25 =	sadd.s32 $0xFFFF3880, s29  }
0x16: {  	v62 =	vld [tilespmem:s18+$0x20];
	[tilespmem:s19+$0x810 ss:$0x81] =	vst.msk $0xffff, v5;
	s22 =	smul.u32 $0xC800, s30;
	p2 =	sgt.s32 s25, $0x7F;
	s25 =	smov.u32 s11  }
0x17: {  	v63 =	vld [tilespmem:s18+$0xFFFFFFC0];
	[tilespmem:s19+$0x1020 ss:$0x81] =	vst.msk $0xffff, v58;
	s21 =	ssub.s32 $0xC800, s29;
	s25 =	simm.s32 @!p1 $0x368;
	s26 =	smul.u32 $0x3E8, s31  }
0x18: {  	[tilespmem:s19+$0x1830 ss:$0x81] =	vst.msk $0xffff, v59;
	s21 =	simm.s32 @p2 $0x0;
	s27 =	ssub.s32 $0x3E8, s25  }
0x19: {  	[tilespmem:s19+$0x2040 ss:$0x81] =	vst.msk $0xffff, v60;
	s22 =	ssub.s32 s23, s22;
	s18 =	ssub.s32 s28, s26;
	s28 =	smul.u32 s27, s21  }
0x1a: {  	[tilespmem:s19+$0x2850 ss:$0x81] =	vst.msk $0xffff, v61;
	s29 =	sshrl.u32 s22, $0x3;
	s22 =	sand.u32 $0x7, s22;
	s18 =	smul.u32 $0x1900, s18  }
0x1b: {  	[tilespmem:s19+$0x3060 ss:$0x81] =	vst.msk $0xffff, v62;
	s21 =	sadd.s32 s2, s29;
	s22 =	sshll.u32 s22, $0x12  }
0x1c: {  	[tilespmem:s19+$0x0 ss:$0x81] =	vst.msk $0xffff, v63;
	s30 =	sand.u32 $0x3FFFFFF8, s28;
	s31 =	sor.u32 $0x400, s22;
	s18 =	sadd.s32 s18, s21  }
0x1d: {  	[hbm4b:s18+s31] =	stream.strided.scatter [tilespmem:s17], [sflag:$0x2], s30, s10, s31, $0x20;
	[tilespmem:$0x10100] =	vst v63  }
.LBB1_5:
0x1e: {  	p1 =	slt.u32 s15, $0x2  }
0x1f: {  	p2 =	sgt.s32 @!p1 s16, $0xC780  }
0x20: {  	s17 =	smov.u32 s16;
	s18 =	sshra.s32 @!p1 s16, $0x1F;
	p2 =	por !p2, p1  }
0x21: {  	s16 =	sand.u32 @!p1 s18, s16;
	s17 =	simm.s32 @p2 $0xC780  }
0x22: {  	s16 =	ssub.s32 @!p1 s17, s16  }
0x23: {  	p2 =	sgt.s32 @!p1 s14, $0x368;
	s17 =	sadd.s32 @!p1 $0xFFFF3880, s16  }
0x24: {  	s18 =	sadd.s32 $0x200, s13;
	p2 =	por !p2, p1;
	p3 =	sgt.s32 @!p1 s17, $0x7F  }
0x25: {  	s14 =	simm.s32 @p2 $0x368;
	s16 =	ssub.s32 @!p1 $0xC800, s16;
	p2 =	por !p3, p1  }
0x26: {  	s14 =	ssub.s32 @!p1 $0x3E8, s14;
	s16 =	simm.s32 @!p2 $0x0;
	p2 =	sgt.s32 s18, $0xC7FF  }
0x27: {  	s14 =	smul.u32 @!p1 s14, s16;
	s18 =	smov.u32 @p2 s3;
	p2 =	sne.s32 s15, s9  }
.Ltmp1:
0x28: {  	s20 =	sadd.s32 $0x1, s15;
	p0 =	por !p0, !p0;
	(pc) =	sbr.rel @!p2 .LBB1_6-.Ltmp1, $4  }
0x29: {  	s17 =	simm.s32 @!p1 $0x2;
	s16 =	smov.u32 s12;
	s14 =	sand.u32 @!p1 $0x3FFFFFFF, s14  }
0x2a: {  	s12 =	smov.u32 s13;
	s15 =	smov.u32 s20;
	_ =	swait.ge @!p1 [sflag:s17], s14  }
0x2b: {  	s13 =	smov.u32 s18;
	s19 =	ssub.s32 @!p1 $0x0, s14;
	[sflag:s17] =	ssyncset.done @!p1 $0x0  }
0x2c: {  	s14 =	smov.u32 s11;
	s11 =	smov.u32 s6;
	[sflag:s17] =	ssyncadd.s32 @!p1 s19  }
.LBB1_1:
0x2d: {  	p1 =	sge.u32 s15, s7  }
0x2e: {  	s17 =	sshll.u32 @!p1 s13, $0xA  }
0x2f: {  	s17 =	sand.u32 @!p1 $0xFFFFE000, s17  }
0x30: {  	s17 =	sor.u32 @!p1 s8, s17  }
0x31: {  	s17 =	sshrl.u32 @!p1 s17, $0xA  }
0x32: {  	s18 =	smulhi.u32 @!p1 $0x28F5C3, s17;
	_ =	sdelay $0x1  }
0x33: {  	s18 =	sshrl.u32 @!p1 s18, $0x5  }
0x34: {  	s18 =	smul.u32 @!p1 $0xC800, s18  }
0x35: {  	s31 =	sadd.s32 $0xFFFFFFFF, s15;
	s19 =	sxor.u32 @!p1 $0xFFFFFFFF, s15;
	s20 =	sshll.u32 @!p1 s13, $0x4  }
0x36: {  	s19 =	sshll.u32 @!p1 s19, $0xE;
	s17 =	ssub.s32 @!p1 s17, s18;
	s18 =	sand.u32 @!p1 $0x70, s20  }
0x37: {  	s19 =	sand.u32 @!p1 $0x4000, s19;
	s17 =	sshll.u32 @!p1 s17, $0x7;
	s18 =	sadd.s32 @!p1 s4, s18  }
0x38: {  	s20 =	simm.s32 @!p1 $0x2000;
	s17 =	sadd.s32 @!p1 s17, s18;
	s18 =	simm.s32 @!p1 $0x400  }
0x39: {  	[tilespmem:s19], [sflag:$0x1] =	stream.strided.gather @!p1 [hbm4b:s17+s18], $0x4000, s20, s18, $0x38;
	[tilespmem:$0x10100] =	vst v63  }
0x3a: {  	p1 =	sge.u32 s31, s7  }
.Ltmp2:
0x3b: {  	_ = 	snop;
	(pc) =	sbr.rel @p1 .LBB1_5-.Ltmp2, $1  }
0x3c: {  	_ =	sdelay $0x3  }
0x3d: {  	s17 =	simm.s32 $0x1  }
0x3e: {  	_ =	swait.ge [sflag:s5], $0x4000;
	s17 =	simm.s32 @!p0 $0x0  }
0x3f: {  	[sflag:s5] =	ssyncset.done $0x0;
	s18 =	sshll.u32 s17, $0xE  }
0x40: {  	[sflag:s5] =	ssyncadd.s32 $0xFFFFC000;
	s18 =	sor.u32 $0x40, s18  }
0x41: {  	s17 =	smul.u32 $0x10200, s17;
	v0 =	vld [tilespmem:s18+$0x30]  }
0x42: {  	v1 =	vld [tilespmem:s18+$0xFFFFFFD0]  }
0x43: {  	s17 =	sshrl.u32 s17, $0x2;
	v5 =	vld [tilespmem:s18+$0xFFFFFFE0]  }
0x44: {  	v6 =	vld [tilespmem:s18+$0xFFFFFFF0];
	s19 =	sor.u32 $0x8000, s17  }
0x45: {  	s31 =	sand.u32 $0x1, s15;
	v4 =	vld [tilespmem:s18+$0x0];
	s20 =	sadd.s32 $0x0, s19  }
0x46: {  	v3 =	vld [tilespmem:s18+$0x10];
	s17 =	smul.u32 $0x10200, s31;
	[tilespmem:s20+$0x3870 ss:$0x81] =	vst.msk $0xffff, v0  }
0x47: {  	v2 =	vld [tilespmem:s18+$0x20];
	[tilespmem:s20+$0x810 ss:$0x81] =	vst.msk $0xffff, v1  }
0x48: {  	s17 =	sshrl.u32 s17, $0x2;
	v0 =	vld [tilespmem:s18+$0xFFFFFFC0];
	[tilespmem:s20+$0x1020 ss:$0x81] =	vst.msk $0xffff, v5;
	s18 =	sadd.s32 $0x80, s18  }
0x49: {  	s21 =	simm.s32 $0x4;
	s22 =	simm.s32 $0x8;
	s17 =	sor.u32 $0x8000, s17;
	[tilespmem:s20+$0x1830 ss:$0x81] =	vst.msk $0xffff, v6;
	v1 =	vld [tilespmem:s18+$0x30]  }
.LBB1_3:
0x4a: {  	p1 =	sne.s32 s22, $0x1FC;
	v5 =	vld [tilespmem:s18+$0xFFFFFFD0];
	[tilespmem:s20+$0x2040 ss:$0x81] =	vst.msk $0xffff, v4  }
0x4b: {  	v6 =	vld [tilespmem:s18+$0xFFFFFFE0];
	[tilespmem:s20+$0x2850 ss:$0x81] =	vst.msk $0xffff, v3  }
0x4c: {  	s23 =	sshra.s32 s21, $0x2;
	s21 =	smov.u32 s22;
	v7 =	vld [tilespmem:s18+$0xFFFFFFF0];
	[tilespmem:s20+$0x3060 ss:$0x81] =	vst.msk $0xffff, v2  }
.Ltmp3:
0x4d: {  	v4 =	vld [tilespmem:s18+$0x0];
	[tilespmem:s20+$0x0 ss:$0x81] =	vst.msk $0xffff, v0;
	s20 =	sadd.s32 s23, s19;
	(pc) =	sbr.rel @p1 .LBB1_3-.Ltmp3, $4  }
0x4e: {  	v3 =	vld [tilespmem:s18+$0x10];
	[tilespmem:s20+$0x3870 ss:$0x81] =	vst.msk $0xffff, v1  }
0x4f: {  	[tilespmem:s20+$0x810 ss:$0x81] =	vst.msk $0xffff, v5;
	v2 =	vld [tilespmem:s18+$0x20]  }
0x50: {  	v0 =	vld [tilespmem:s18+$0xFFFFFFC0];
	[tilespmem:s20+$0x1020 ss:$0x81] =	vst.msk $0xffff, v6;
	s18 =	sadd.s32 $0x80, s18  }
0x51: {  	s22 =	sadd.s32 $0x4, s22;
	v1 =	vld [tilespmem:s18+$0x30];
	[tilespmem:s20+$0x1830 ss:$0x81] =	vst.msk $0xffff, v7  }
.Ltmp4:
0x52: {  	_ = 	snop;
	(pc) =	sbr.rel .LBB1_4-.Ltmp4, $1  }
0x53: {  	_ =	sdelay $0x3  }
.LBB1_6:
0x54: {  	_ =	sfence.sel $0x180000  }
0x55: {  	s2 =	simm.s32 $0x1;
	[bflag:$0x0] =	sbarrier.arrive $0xFFFF  }
0x56: {  	s31 =	simm.s32 $0x2;
	[sflag:s2] =	ssyncpa.u1 $0x1  }
0x57: {  	[sflag:s31] =	ssyncpa.u1 $0x1  }
0x58: {  	p0 =	sne.s32 s1, $0x0;
	_ =	strace $0x9000004A  }
0x59: {  	s0 =	sadd.s32 @!p0 $0x100000, s0;
	[bflag:$0x2] =	sbarrier.arrive $0xFFFF  }
0x5a: {  	[sflag:s0] =	ssyncadd.tile.s32 @!p0 $0x1;
	_ =	shalt  }
.Lfunc_end1:
_tile_overlayer_lowered:
.L_overlay_start_2:
0x5b: {  	(tag) =	ssettag $0x2  }
0x5c: {  	s0 =	rddreg [dreg:$0x0];
	s2 =	stileid.u32  }
0x5d: {  	s1 =	rddreg [dreg:$0x1];
	p0 =	sne.s32 s2, $0x0  }
0x5e: {  	s3 =	rddreg [dreg:$0x2];
	[bflag:$0x3] =	sbarrier.arrive $0xFFFF;
	s2 =	simm.s32 @!p0 $0x1C01  }
0x5f: {  	[timem:s3], [sflag:s2] =	dma.local @!p0 [hbm:s0], s1  }
0x60: {  	s0 =	simm.s32 @!p0 $0x1  }
0x61: {  	_ =	swait.ge @!p0 [sflag:s0], s1  }
0x62: {  	s1 =	ssub.s32 @!p0 $0x0, s1;
	[sflag:s0] =	ssyncset.done @!p0 $0x0  }
0x63: {  	[sflag:s0] =	ssyncadd.s32 @!p0 s1  }
0x64: {  	[bflag:$0x3] =	sbarrier.arrive $0xFFFF  }
0x65: {  	_ =	shalt  }

</sc_bundles>
